<compile_context>
chip_gen: v7x
topology: tpu7x:2x2x1
jax: 0.10.2.dev20260603
libtpu: 0.0.44.dev20260713+nightly
codegen_flags: <defaults>
</compile_context>

<pallas_src>
import functools
import math

import jax
import jax.numpy as jnp
from jax import lax
from jax.experimental import pallas as pl
from jax.experimental.pallas import tpu as pltpu
from jax.experimental.pallas import tpu_sc as plsc

_PAD_IDX = 0
_SMOOTHING = 0.1
_VBLK = 4000


def _sc_gather_body(vocab, n_cols, cols_per_worker, num_cores,
                    xt_hbm, tgt_hbm, out_hbm, tgt_v, buf_v, out_v, sem):
    wid = lax.axis_index("s") * num_cores + lax.axis_index("c")
    base = wid * cols_per_worker
    cg = pl.multiple_of((wid >> 2) * 128, 128)
    lcbase = (wid & 3) * cols_per_worker
    pltpu.sync_copy(tgt_hbm, tgt_v)
    lane = lax.iota(jnp.int32, 16)
    copies = []
    for g in range(cols_per_worker // 16):
        tv = tgt_v[pl.ds(base + g * 16, 16)]
        for j in range(16):
            k = g * 16 + j
            t_k = tv[j]
            rowg = pl.multiple_of(t_k & ~7, 8)
            cp = pltpu.make_async_copy(
                xt_hbm.at[pl.ds(rowg, 8), pl.ds(cg, 128)],
                buf_v.at[pl.ds(k * 8, 8)], sem)
            cp.start()
            copies.append(cp)
    for cp in copies:
        cp.wait()
    for g in range(cols_per_worker // 16):
        tvec = tgt_v[pl.ds(base + g * 16, 16)]
        vals = plsc.load_gather(
            buf_v, [(lane + g * 16) * 8 + (tvec & 7),
                    lcbase + g * 16 + lane])
        vals = jnp.where(tvec != _PAD_IDX, vals, 0.0)
        out_v[pl.ds(g * 16, 16)] = vals
    pltpu.sync_copy(out_v, out_hbm.at[pl.ds(base, cols_per_worker)])


def _sc_gather(xt, target):
    vocab, n = xt.shape
    info = plsc.get_sparse_core_info()
    nw = info.num_cores * info.num_subcores
    cpw = n // nw
    mesh = plsc.VectorSubcoreMesh(core_axis_name="c", subcore_axis_name="s")
    k = functools.partial(
        pl.kernel,
        mesh=mesh,
        out_type=jax.ShapeDtypeStruct((n,), jnp.float32),
        scratch_types=[
            pltpu.VMEM((n,), jnp.int32),
            pltpu.VMEM((cpw * 8, 128), jnp.float32),
            pltpu.VMEM((cpw,), jnp.float32),
            pltpu.SemaphoreType.DMA,
        ],
        compiler_params=pltpu.CompilerParams(needs_layout_passes=False),
    )(functools.partial(_sc_gather_body, vocab, n, cpw, info.num_cores))
    return k(xt, target)


def _loss_body(nvb, fill, conf, c_row,
               xt_ref, tgt_ref, out_ref, acc_ref):
    i = pl.program_id(0)
    xb = xt_ref[:, :]
    ngrp = xb.shape[0] // 8

    s = xb[0:8, :]
    for g in range(1, ngrp):
        s = s + xb[g * 8:(g + 1) * 8, :]

    @pl.when(i == 0)
    def _first():
        acc_ref[:, :] = s
        nonpad = (tgt_ref[:, :] != _PAD_IDX).astype(jnp.float32)
        cnt = jnp.sum(nonpad)
        s0 = jnp.sum(nonpad * xb[0:1, :])
        out_ref[0, 0] = c_row * cnt + fill * s0

    @pl.when(jnp.logical_and(i > 0, i < nvb - 1))
    def _mid():
        acc_ref[:, :] += s

    @pl.when(i == nvb - 1)
    def _last():
        acc = acc_ref[:, :] + s
        rowtot = jnp.sum(acc, axis=0, keepdims=True)
        nonpad = (tgt_ref[:, :] != _PAD_IDX).astype(jnp.float32)
        out_ref[0, 0] += -fill * jnp.sum(nonpad * rowtot)


def kernel(x, target):
    n, vocab = x.shape
    fill = _SMOOTHING / (vocab - 2)
    conf = 1.0 - _SMOOTHING
    c_row = (vocab - 2) * fill * math.log(fill) + conf * math.log(conf)
    xt = x.T
    gat = _sc_gather(xt, target)
    tgt1r = target.reshape(1, n)
    nvb = vocab // _VBLK
    out = pl.pallas_call(
        functools.partial(_loss_body, nvb, fill, conf, c_row),
        grid=(nvb,),
        in_specs=[
            pl.BlockSpec((_VBLK, n), lambda i: (i, 0)),
            pl.BlockSpec((1, n), lambda i: (0, 0)),
        ],
        out_specs=pl.BlockSpec(memory_space=pltpu.SMEM),
        out_shape=jax.ShapeDtypeStruct((1, 1), jnp.float32),
        scratch_shapes=[pltpu.VMEM((8, n), jnp.float32)],
    )(xt, tgt1r)
    return (out + (fill - conf) * jnp.sum(gat)).reshape(1)

# --- scband reference (transcript-rebuilt; emitter-appended) ---
"""Pipeline reference for scband-label-smoothing-47605417509189 (READ-ONLY COPY).

The authoritative reference and input builder live on the scoring server;
editing this copy changes nothing except your own understanding.
"""

import jax, jax.numpy as jnp
import numpy as np

VOCAB = 100000
PAD_IDX = 0
SMOOTHING = 0.1


def setup_inputs(seed: int = 0) -> dict:
    key = jax.random.key(seed)
    k1, k2 = jax.random.split(key)
    x = jax.random.normal(k1, (1024, VOCAB), dtype=jnp.float32)
    target = jax.random.randint(k2, (1024,), 0, VOCAB, dtype=jnp.int32)
    return {"x": x, "target": target}


def reference(x, target):
    vocab = x.shape[1]
    fill_val = SMOOTHING / (vocab - 2)
    confidence = 1.0 - SMOOTHING
    # buffer: smoothed one-hot template with padding column zeroed
    one_hot = jnp.full((vocab,), fill_val, dtype=x.dtype).at[PAD_IDX].set(0.0)
    gtruth = target.reshape(-1)
    n = gtruth.shape[0]
    # smoothed_truth = one_hot.repeat(N,1); scatter confidence at target positions
    smoothed = jnp.tile(one_hot[None, :], (n, 1))
    smoothed = smoothed.at[jnp.arange(n), gtruth].set(confidence)
    # zero out rows whose target is the padding index (index_fill_ with 0)
    pad_mask = gtruth == PAD_IDX
    smoothed = jnp.where(pad_mask[:, None], 0.0, smoothed)
    # KLDivLoss(size_average=False): sum over all elements of t*(log t - x), with t==0 contributing 0
    pos = smoothed > 0
    safe_t = jnp.where(pos, smoothed, 1.0)
    loss = jnp.sum(jnp.where(pos, smoothed * (jnp.log(safe_t) - x), 0.0))
    return loss[None]

if __name__ == "__main__":
    import jax
    _d = setup_inputs()
    print(jax.jit(kernel)(*tuple(_d.values())))

</pallas_src>

<mosaic_0001>
#map = affine_map<(d0, d1) -> (0, 0)>
#map1 = affine_map<(d0, d1) -> (0)>
module attributes {stable_mosaic.version = 14 : i64} {
  func.func @_sc_gather_body(%arg0: i32, %arg1: i32, %arg2: memref<100000x1024xf32, #tpu.memory_space<hbm>>, %arg3: memref<1024xi32, #tpu.memory_space<hbm>>, %arg4: memref<1024xf32, #tpu.memory_space<hbm>>, %arg5: memref<1024xi32, #tpu.memory_space<vmem>>, %arg6: memref<256x128xf32, #tpu.memory_space<vmem>>, %arg7: memref<32xf32, #tpu.memory_space<vmem>>, %arg8: memref<!tpu.dma_semaphore, #tpu.memory_space<semaphore_mem>>) attributes {dimension_semantics = [#tpu.dimension_semantics<core_parallel>, #tpu.dimension_semantics<subcore_parallel>], iteration_bounds = array<i64: 2, 16>, scalar_prefetch = 0 : i64, scratch_operands = 4 : i64, tpu.core_type = #tpu.core_type<sc_vector_subcore>, window_params = [{transform_indices = #map}, {transform_indices = #map1}, {transform_indices = #map1}]} {
    %mul3A = arith.constant 2 : i32
    %mul3A_0 = arith.muli %arg1, %mul3A : i32
    %add3A = arith.addi %mul3A_0, %arg0 : i32
    %mul3A_1 = arith.constant 32 : i32
    %mul3A_2 = arith.muli %add3A, %mul3A_1 : i32
    %shift_right_arithmetic3A = arith.constant 2 : i32
    %shift_right_arithmetic3A_3 = arith.shrsi %add3A, %shift_right_arithmetic3A : i32
    %mul3A_4 = arith.constant 128 : i32
    %mul3A_5 = arith.muli %shift_right_arithmetic3A_3, %mul3A_4 : i32
    %multiple_of3A = tpu.assume_multiple %mul3A_5, 128 : i32
    %and3A = arith.constant 3 : i32
    %and3A_6 = arith.andi %add3A, %and3A : i32
    %mul3A_7 = arith.constant 32 : i32
    %mul3A_8 = arith.muli %and3A_6, %mul3A_7 : i32
    "tpu.region"() ({
      %run_scoped3A = tpu.sem_alloc : memref<!tpu.dma_semaphore, #tpu.memory_space<semaphore_mem>>
      tpu.enqueue_dma source(%arg3 : memref<1024xi32, #tpu.memory_space<hbm>>) target(%arg5 : memref<1024xi32, #tpu.memory_space<vmem>>) target_semaphore(%run_scoped3A : memref<!tpu.dma_semaphore, #tpu.memory_space<semaphore_mem>>)
      tpu.wait_dma2 semaphore(%run_scoped3A : memref<!tpu.dma_semaphore, #tpu.memory_space<semaphore_mem>>) src(%arg3 : memref<1024xi32, #tpu.memory_space<hbm>>) dst(%arg5 : memref<1024xi32, #tpu.memory_space<vmem>>)
      tpu.yield
    }) : () -> ()
    %iota3A = tpu.iota {dimensions = array<i32: 0>} : vector<16xi32>
    %add3A_9 = arith.constant 0 : i32
    %add3A_10 = arith.addi %mul3A_2, %add3A_9 : i32
    %get3A = arith.index_cast %add3A_10 : i32 to index
    %get3A_11 = tpu.vector_load %arg5[%get3A] {strides = array<i32>} : memref<1024xi32, #tpu.memory_space<vmem>>, vector<16xi32>,
    %slice3A = vector.extract_strided_slice %get3A_11 {offsets = [0], sizes = [1], strides = [1]} : vector<16xi32> to vector<1xi32>
    %squeeze3A = vector.extract %slice3A[0] : i32 from vector<1xi32>
    %and3A_12 = arith.constant -8 : i32
    %and3A_13 = arith.andi %squeeze3A, %and3A_12 : i32
    %multiple_of3A_14 = tpu.assume_multiple %and3A_13, 8 : i32
    %dma_start3A = arith.constant 0 : i32
    %dma_start3A_15 = arith.constant 0 : i32
    %dma_start3A_16 = tpu.memref_slice %arg6[%dma_start3A, %dma_start3A_15] : memref<256x128xf32, #tpu.memory_space<vmem>> -> memref<8x128xf32, #tpu.memory_space<vmem>>
    %dma_start3A_17 = tpu.memref_slice %arg2[%multiple_of3A_14, %multiple_of3A] : memref<100000x1024xf32, #tpu.memory_space<hbm>> -> memref<8x128xf32, #tpu.memory_space<hbm>>
    %dma_start3A_18 = arith.constant 0 : i32
    %dma_start3A_19 = arith.constant 0 : i32
    %dma_start3A_20 = tpu.memref_slice %arg6[%dma_start3A_18, %dma_start3A_19] : memref<256x128xf32, #tpu.memory_space<vmem>> -> memref<8x128xf32, #tpu.memory_space<vmem>>
    %dma_start3A_21 = tpu.memref_slice %arg2[%multiple_of3A_14, %multiple_of3A] : memref<100000x1024xf32, #tpu.memory_space<hbm>> -> memref<8x128xf32, #tpu.memory_space<hbm>>
    tpu.enqueue_dma source(%dma_start3A_21 : memref<8x128xf32, #tpu.memory_space<hbm>>) target(%dma_start3A_20 : memref<8x128xf32, #tpu.memory_space<vmem>>) target_semaphore(%arg8 : memref<!tpu.dma_semaphore, #tpu.memory_space<semaphore_mem>>)
    %slice3A_22 = vector.extract_strided_slice %get3A_11 {offsets = [1], sizes = [1], strides = [1]} : vector<16xi32> to vector<1xi32>
    %squeeze3A_23 = vector.extract %slice3A_22[0] : i32 from vector<1xi32>
    %and3A_24 = arith.constant -8 : i32
    %and3A_25 = arith.andi %squeeze3A_23, %and3A_24 : i32
    %multiple_of3A_26 = tpu.assume_multiple %and3A_25, 8 : i32
    %dma_start3A_27 = arith.constant 8 : i32
    %dma_start3A_28 = arith.constant 0 : i32
    %dma_start3A_29 = tpu.memref_slice %arg6[%dma_start3A_27, %dma_start3A_28] : memref<256x128xf32, #tpu.memory_space<vmem>> -> memref<8x128xf32, #tpu.memory_space<vmem>>
    %dma_start3A_30 = tpu.memref_slice %arg2[%multiple_of3A_26, %multiple_of3A] : memref<100000x1024xf32, #tpu.memory_space<hbm>> -> memref<8x128xf32, #tpu.memory_space<hbm>>
    %dma_start3A_31 = arith.constant 8 : i32
    %dma_start3A_32 = arith.constant 0 : i32
    %dma_start3A_33 = tpu.memref_slice %arg6[%dma_start3A_31, %dma_start3A_32] : memref<256x128xf32, #tpu.memory_space<vmem>> -> memref<8x128xf32, #tpu.memory_space<vmem>>
    %dma_start3A_34 = tpu.memref_slice %arg2[%multiple_of3A_26, %multiple_of3A] : memref<100000x1024xf32, #tpu.memory_space<hbm>> -> memref<8x128xf32, #tpu.memory_space<hbm>>
    tpu.enqueue_dma source(%dma_start3A_34 : memref<8x128xf32, #tpu.memory_space<hbm>>) target(%dma_start3A_33 : memref<8x128xf32, #tpu.memory_space<vmem>>) target_semaphore(%arg8 : memref<!tpu.dma_semaphore, #tpu.memory_space<semaphore_mem>>)
    %slice3A_35 = vector.extract_strided_slice %get3A_11 {offsets = [2], sizes = [1], strides = [1]} : vector<16xi32> to vector<1xi32>
    %squeeze3A_36 = vector.extract %slice3A_35[0] : i32 from vector<1xi32>
    %and3A_37 = arith.constant -8 : i32
    %and3A_38 = arith.andi %squeeze3A_36, %and3A_37 : i32
    %multiple_of3A_39 = tpu.assume_multiple %and3A_38, 8 : i32
    %dma_start3A_40 = arith.constant 16 : i32
    %dma_start3A_41 = arith.constant 0 : i32
    %dma_start3A_42 = tpu.memref_slice %arg6[%dma_start3A_40, %dma_start3A_41] : memref<256x128xf32, #tpu.memory_space<vmem>> -> memref<8x128xf32, #tpu.memory_space<vmem>>
    %dma_start3A_43 = tpu.memref_slice %arg2[%multiple_of3A_39, %multiple_of3A] : memref<100000x1024xf32, #tpu.memory_space<hbm>> -> memref<8x128xf32, #tpu.memory_space<hbm>>
    %dma_start3A_44 = arith.constant 16 : i32
    %dma_start3A_45 = arith.constant 0 : i32
    %dma_start3A_46 = tpu.memref_slice %arg6[%dma_start3A_44, %dma_start3A_45] : memref<256x128xf32, #tpu.memory_space<vmem>> -> memref<8x128xf32, #tpu.memory_space<vmem>>
    %dma_start3A_47 = tpu.memref_slice %arg2[%multiple_of3A_39, %multiple_of3A] : memref<100000x1024xf32, #tpu.memory_space<hbm>> -> memref<8x128xf32, #tpu.memory_space<hbm>>
    tpu.enqueue_dma source(%dma_start3A_47 : memref<8x128xf32, #tpu.memory_space<hbm>>) target(%dma_start3A_46 : memref<8x128xf32, #tpu.memory_space<vmem>>) target_semaphore(%arg8 : memref<!tpu.dma_semaphore, #tpu.memory_space<semaphore_mem>>)
    %slice3A_48 = vector.extract_strided_slice %get3A_11 {offsets = [3], sizes = [1], strides = [1]} : vector<16xi32> to vector<1xi32>
    %squeeze3A_49 = vector.extract %slice3A_48[0] : i32 from vector<1xi32>
    %and3A_50 = arith.constant -8 : i32
    %and3A_51 = arith.andi %squeeze3A_49, %and3A_50 : i32
    %multiple_of3A_52 = tpu.assume_multiple %and3A_51, 8 : i32
    %dma_start3A_53 = arith.constant 24 : i32
    %dma_start3A_54 = arith.constant 0 : i32
    %dma_start3A_55 = tpu.memref_slice %arg6[%dma_start3A_53, %dma_start3A_54] : memref<256x128xf32, #tpu.memory_space<vmem>> -> memref<8x128xf32, #tpu.memory_space<vmem>>
    %dma_start3A_56 = tpu.memref_slice %arg2[%multiple_of3A_52, %multiple_of3A] : memref<100000x1024xf32, #tpu.memory_space<hbm>> -> memref<8x128xf32, #tpu.memory_space<hbm>>
    %dma_start3A_57 = arith.constant 24 : i32
    %dma_start3A_58 = arith.constant 0 : i32
    %dma_start3A_59 = tpu.memref_slice %arg6[%dma_start3A_57, %dma_start3A_58] : memref<256x128xf32, #tpu.memory_space<vmem>> -> memref<8x128xf32, #tpu.memory_space<vmem>>
    %dma_start3A_60 = tpu.memref_slice %arg2[%multiple_of3A_52, %multiple_of3A] : memref<100000x1024xf32, #tpu.memory_space<hbm>> -> memref<8x128xf32, #tpu.memory_space<hbm>>
    tpu.enqueue_dma source(%dma_start3A_60 : memref<8x128xf32, #tpu.memory_space<hbm>>) target(%dma_start3A_59 : memref<8x128xf32, #tpu.memory_space<vmem>>) target_semaphore(%arg8 : memref<!tpu.dma_semaphore, #tpu.memory_space<semaphore_mem>>)
    %slice3A_61 = vector.extract_strided_slice %get3A_11 {offsets = [4], sizes = [1], strides = [1]} : vector<16xi32> to vector<1xi32>
    %squeeze3A_62 = vector.extract %slice3A_61[0] : i32 from vector<1xi32>
    %and3A_63 = arith.constant -8 : i32
    %and3A_64 = arith.andi %squeeze3A_62, %and3A_63 : i32
    %multiple_of3A_65 = tpu.assume_multiple %and3A_64, 8 : i32
    %dma_start3A_66 = arith.constant 32 : i32
    %dma_start3A_67 = arith.constant 0 : i32
    %dma_start3A_68 = tpu.memref_slice %arg6[%dma_start3A_66, %dma_start3A_67] : memref<256x128xf32, #tpu.memory_space<vmem>> -> memref<8x128xf32, #tpu.memory_space<vmem>>
    %dma_start3A_69 = tpu.memref_slice %arg2[%multiple_of3A_65, %multiple_of3A] : memref<100000x1024xf32, #tpu.memory_space<hbm>> -> memref<8x128xf32, #tpu.memory_space<hbm>>
    %dma_start3A_70 = arith.constant 32 : i32
    %dma_start3A_71 = arith.constant 0 : i32
    %dma_start3A_72 = tpu.memref_slice %arg6[%dma_start3A_70, %dma_start3A_71] : memref<256x128xf32, #tpu.memory_space<vmem>> -> memref<8x128xf32, #tpu.memory_space<vmem>>
    %dma_start3A_73 = tpu.memref_slice %arg2[%multiple_of3A_65, %multiple_of3A] : memref<100000x1024xf32, #tpu.memory_space<hbm>> -> memref<8x128xf32, #tpu.memory_space<hbm>>
    tpu.enqueue_dma source(%dma_start3A_73 : memref<8x128xf32, #tpu.memory_space<hbm>>) target(%dma_start3A_72 : memref<8x128xf32, #tpu.memory_space<vmem>>) target_semaphore(%arg8 : memref<!tpu.dma_semaphore, #tpu.memory_space<semaphore_mem>>)
    %slice3A_74 = vector.extract_strided_slice %get3A_11 {offsets = [5], sizes = [1], strides = [1]} : vector<16xi32> to vector<1xi32>
    %squeeze3A_75 = vector.extract %slice3A_74[0] : i32 from vector<1xi32>
    %and3A_76 = arith.constant -8 : i32
    %and3A_77 = arith.andi %squeeze3A_75, %and3A_76 : i32
    %multiple_of3A_78 = tpu.assume_multiple %and3A_77, 8 : i32
    %dma_start3A_79 = arith.constant 40 : i32
    %dma_start3A_80 = arith.constant 0 : i32
    %dma_start3A_81 = tpu.memref_slice %arg6[%dma_start3A_79, %dma_start3A_80] : memref<256x128xf32, #tpu.memory_space<vmem>> -> memref<8x128xf32, #tpu.memory_space<vmem>>
    %dma_start3A_82 = tpu.memref_slice %arg2[%multiple_of3A_78, %multiple_of3A] : memref<100000x1024xf32, #tpu.memory_space<hbm>> -> memref<8x128xf32, #tpu.memory_space<hbm>>
    %dma_start3A_83 = arith.constant 40 : i32
    %dma_start3A_84 = arith.constant 0 : i32
    %dma_start3A_85 = tpu.memref_slice %arg6[%dma_start3A_83, %dma_start3A_84] : memref<256x128xf32, #tpu.memory_space<vmem>> -> memref<8x128xf32, #tpu.memory_space<vmem>>
    %dma_start3A_86 = tpu.memref_slice %arg2[%multiple_of3A_78, %multiple_of3A] : memref<100000x1024xf32, #tpu.memory_space<hbm>> -> memref<8x128xf32, #tpu.memory_space<hbm>>
    tpu.enqueue_dma source(%dma_start3A_86 : memref<8x128xf32, #tpu.memory_space<hbm>>) target(%dma_start3A_85 : memref<8x128xf32, #tpu.memory_space<vmem>>) target_semaphore(%arg8 : memref<!tpu.dma_semaphore, #tpu.memory_space<semaphore_mem>>)
    %slice3A_87 = vector.extract_strided_slice %get3A_11 {offsets = [6], sizes = [1], strides = [1]} : vector<16xi32> to vector<1xi32>
    %squeeze3A_88 = vector.extract %slice3A_87[0] : i32 from vector<1xi32>
    %and3A_89 = arith.constant -8 : i32
    %and3A_90 = arith.andi %squeeze3A_88, %and3A_89 : i32
    %multiple_of3A_91 = tpu.assume_multiple %and3A_90, 8 : i32
    %dma_start3A_92 = arith.constant 48 : i32
    %dma_start3A_93 = arith.constant 0 : i32
    %dma_start3A_94 = tpu.memref_slice %arg6[%dma_start3A_92, %dma_start3A_93] : memref<256x128xf32, #tpu.memory_space<vmem>> -> memref<8x128xf32, #tpu.memory_space<vmem>>
    %dma_start3A_95 = tpu.memref_slice %arg2[%multiple_of3A_91, %multiple_of3A] : memref<100000x1024xf32, #tpu.memory_space<hbm>> -> memref<8x128xf32, #tpu.memory_space<hbm>>
    %dma_start3A_96 = arith.constant 48 : i32
    %dma_start3A_97 = arith.constant 0 : i32
    %dma_start3A_98 = tpu.memref_slice %arg6[%dma_start3A_96, %dma_start3A_97] : memref<256x128xf32, #tpu.memory_space<vmem>> -> memref<8x128xf32, #tpu.memory_space<vmem>>
    %dma_start3A_99 = tpu.memref_slice %arg2[%multiple_of3A_91, %multiple_of3A] : memref<100000x1024xf32, #tpu.memory_space<hbm>> -> memref<8x128xf32, #tpu.memory_space<hbm>>
    tpu.enqueue_dma source(%dma_start3A_99 : memref<8x128xf32, #tpu.memory_space<hbm>>) target(%dma_start3A_98 : memref<8x128xf32, #tpu.memory_space<vmem>>) target_semaphore(%arg8 : memref<!tpu.dma_semaphore, #tpu.memory_space<semaphore_mem>>)
    %slice3A_100 = vector.extract_strided_slice %get3A_11 {offsets = [7], sizes = [1], strides = [1]} : vector<16xi32> to vector<1xi32>
    %squeeze3A_101 = vector.extract %slice3A_100[0] : i32 from vector<1xi32>
    %and3A_102 = arith.constant -8 : i32
    %and3A_103 = arith.andi %squeeze3A_101, %and3A_102 : i32
    %multiple_of3A_104 = tpu.assume_multiple %and3A_103, 8 : i32
    %dma_start3A_105 = arith.constant 56 : i32
    %dma_start3A_106 = arith.constant 0 : i32
    %dma_start3A_107 = tpu.memref_slice %arg6[%dma_start3A_105, %dma_start3A_106] : memref<256x128xf32, #tpu.memory_space<vmem>> -> memref<8x128xf32, #tpu.memory_space<vmem>>
    %dma_start3A_108 = tpu.memref_slice %arg2[%multiple_of3A_104, %multiple_of3A] : memref<100000x1024xf32, #tpu.memory_space<hbm>> -> memref<8x128xf32, #tpu.memory_space<hbm>>
    %dma_start3A_109 = arith.constant 56 : i32
    %dma_start3A_110 = arith.constant 0 : i32
    %dma_start3A_111 = tpu.memref_slice %arg6[%dma_start3A_109, %dma_start3A_110] : memref<256x128xf32, #tpu.memory_space<vmem>> -> memref<8x128xf32, #tpu.memory_space<vmem>>
    %dma_start3A_112 = tpu.memref_slice %arg2[%multiple_of3A_104, %multiple_of3A] : memref<100000x1024xf32, #tpu.memory_space<hbm>> -> memref<8x128xf32, #tpu.memory_space<hbm>>
    tpu.enqueue_dma source(%dma_start3A_112 : memref<8x128xf32, #tpu.memory_space<hbm>>) target(%dma_start3A_111 : memref<8x128xf32, #tpu.memory_space<vmem>>) target_semaphore(%arg8 : memref<!tpu.dma_semaphore, #tpu.memory_space<semaphore_mem>>)
    %slice3A_113 = vector.extract_strided_slice %get3A_11 {offsets = [8], sizes = [1], strides = [1]} : vector<16xi32> to vector<1xi32>
    %squeeze3A_114 = vector.extract %slice3A_113[0] : i32 from vector<1xi32>
    %and3A_115 = arith.constant -8 : i32
    %and3A_116 = arith.andi %squeeze3A_114, %and3A_115 : i32
    %multiple_of3A_117 = tpu.assume_multiple %and3A_116, 8 : i32
    %dma_start3A_118 = arith.constant 64 : i32
    %dma_start3A_119 = arith.constant 0 : i32
    %dma_start3A_120 = tpu.memref_slice %arg6[%dma_start3A_118, %dma_start3A_119] : memref<256x128xf32, #tpu.memory_space<vmem>> -> memref<8x128xf32, #tpu.memory_space<vmem>>
    %dma_start3A_121 = tpu.memref_slice %arg2[%multiple_of3A_117, %multiple_of3A] : memref<100000x1024xf32, #tpu.memory_space<hbm>> -> memref<8x128xf32, #tpu.memory_space<hbm>>
    %dma_start3A_122 = arith.constant 64 : i32
    %dma_start3A_123 = arith.constant 0 : i32
    %dma_start3A_124 = tpu.memref_slice %arg6[%dma_start3A_122, %dma_start3A_123] : memref<256x128xf32, #tpu.memory_space<vmem>> -> memref<8x128xf32, #tpu.memory_space<vmem>>
    %dma_start3A_125 = tpu.memref_slice %arg2[%multiple_of3A_117, %multiple_of3A] : memref<100000x1024xf32, #tpu.memory_space<hbm>> -> memref<8x128xf32, #tpu.memory_space<hbm>>
    tpu.enqueue_dma source(%dma_start3A_125 : memref<8x128xf32, #tpu.memory_space<hbm>>) target(%dma_start3A_124 : memref<8x128xf32, #tpu.memory_space<vmem>>) target_semaphore(%arg8 : memref<!tpu.dma_semaphore, #tpu.memory_space<semaphore_mem>>)
    %slice3A_126 = vector.extract_strided_slice %get3A_11 {offsets = [9], sizes = [1], strides = [1]} : vector<16xi32> to vector<1xi32>
    %squeeze3A_127 = vector.extract %slice3A_126[0] : i32 from vector<1xi32>
    %and3A_128 = arith.constant -8 : i32
    %and3A_129 = arith.andi %squeeze3A_127, %and3A_128 : i32
    %multiple_of3A_130 = tpu.assume_multiple %and3A_129, 8 : i32
    %dma_start3A_131 = arith.constant 72 : i32
    %dma_start3A_132 = arith.constant 0 : i32
    %dma_start3A_133 = tpu.memref_slice %arg6[%dma_start3A_131, %dma_start3A_132] : memref<256x128xf32, #tpu.memory_space<vmem>> -> memref<8x128xf32, #tpu.memory_space<vmem>>
    %dma_start3A_134 = tpu.memref_slice %arg2[%multiple_of3A_130, %multiple_of3A] : memref<100000x1024xf32, #tpu.memory_space<hbm>> -> memref<8x128xf32, #tpu.memory_space<hbm>>
    %dma_start3A_135 = arith.constant 72 : i32
    %dma_start3A_136 = arith.constant 0 : i32
    %dma_start3A_137 = tpu.memref_slice %arg6[%dma_start3A_135, %dma_start3A_136] : memref<256x128xf32, #tpu.memory_space<vmem>> -> memref<8x128xf32, #tpu.memory_space<vmem>>
    %dma_start3A_138 = tpu.memref_slice %arg2[%multiple_of3A_130, %multiple_of3A] : memref<100000x1024xf32, #tpu.memory_space<hbm>> -> memref<8x128xf32, #tpu.memory_space<hbm>>
    tpu.enqueue_dma source(%dma_start3A_138 : memref<8x128xf32, #tpu.memory_space<hbm>>) target(%dma_start3A_137 : memref<8x128xf32, #tpu.memory_space<vmem>>) target_semaphore(%arg8 : memref<!tpu.dma_semaphore, #tpu.memory_space<semaphore_mem>>)
    %slice3A_139 = vector.extract_strided_slice %get3A_11 {offsets = [10], sizes = [1], strides = [1]} : vector<16xi32> to vector<1xi32>
    %squeeze3A_140 = vector.extract %slice3A_139[0] : i32 from vector<1xi32>
    %and3A_141 = arith.constant -8 : i32
    %and3A_142 = arith.andi %squeeze3A_140, %and3A_141 : i32
    %multiple_of3A_143 = tpu.assume_multiple %and3A_142, 8 : i32
    %dma_start3A_144 = arith.constant 80 : i32
    %dma_start3A_145 = arith.constant 0 : i32
    %dma_start3A_146 = tpu.memref_slice %arg6[%dma_start3A_144, %dma_start3A_145] : memref<256x128xf32, #tpu.memory_space<vmem>> -> memref<8x128xf32, #tpu.memory_space<vmem>>
    %dma_start3A_147 = tpu.memref_slice %arg2[%multiple_of3A_143, %multiple_of3A] : memref<100000x1024xf32, #tpu.memory_space<hbm>> -> memref<8x128xf32, #tpu.memory_space<hbm>>
    %dma_start3A_148 = arith.constant 80 : i32
    %dma_start3A_149 = arith.constant 0 : i32
    %dma_start3A_150 = tpu.memref_slice %arg6[%dma_start3A_148, %dma_start3A_149] : memref<256x128xf32, #tpu.memory_space<vmem>> -> memref<8x128xf32, #tpu.memory_space<vmem>>
    %dma_start3A_151 = tpu.memref_slice %arg2[%multiple_of3A_143, %multiple_of3A] : memref<100000x1024xf32, #tpu.memory_space<hbm>> -> memref<8x128xf32, #tpu.memory_space<hbm>>
    tpu.enqueue_dma source(%dma_start3A_151 : memref<8x128xf32, #tpu.memory_space<hbm>>) target(%dma_start3A_150 : memref<8x128xf32, #tpu.memory_space<vmem>>) target_semaphore(%arg8 : memref<!tpu.dma_semaphore, #tpu.memory_space<semaphore_mem>>)
    %slice3A_152 = vector.extract_strided_slice %get3A_11 {offsets = [11], sizes = [1], strides = [1]} : vector<16xi32> to vector<1xi32>
    %squeeze3A_153 = vector.extract %slice3A_152[0] : i32 from vector<1xi32>
    %and3A_154 = arith.constant -8 : i32
    %and3A_155 = arith.andi %squeeze3A_153, %and3A_154 : i32
    %multiple_of3A_156 = tpu.assume_multiple %and3A_155, 8 : i32
    %dma_start3A_157 = arith.constant 88 : i32
    %dma_start3A_158 = arith.constant 0 : i32
    %dma_start3A_159 = tpu.memref_slice %arg6[%dma_start3A_157, %dma_start3A_158] : memref<256x128xf32, #tpu.memory_space<vmem>> -> memref<8x128xf32, #tpu.memory_space<vmem>>
    %dma_start3A_160 = tpu.memref_slice %arg2[%multiple_of3A_156, %multiple_of3A] : memref<100000x1024xf32, #tpu.memory_space<hbm>> -> memref<8x128xf32, #tpu.memory_space<hbm>>
    %dma_start3A_161 = arith.constant 88 : i32
    %dma_start3A_162 = arith.constant 0 : i32
    %dma_start3A_163 = tpu.memref_slice %arg6[%dma_start3A_161, %dma_start3A_162] : memref<256x128xf32, #tpu.memory_space<vmem>> -> memref<8x128xf32, #tpu.memory_space<vmem>>
    %dma_start3A_164 = tpu.memref_slice %arg2[%multiple_of3A_156, %multiple_of3A] : memref<100000x1024xf32, #tpu.memory_space<hbm>> -> memref<8x128xf32, #tpu.memory_space<hbm>>
    tpu.enqueue_dma source(%dma_start3A_164 : memref<8x128xf32, #tpu.memory_space<hbm>>) target(%dma_start3A_163 : memref<8x128xf32, #tpu.memory_space<vmem>>) target_semaphore(%arg8 : memref<!tpu.dma_semaphore, #tpu.memory_space<semaphore_mem>>)
    %slice3A_165 = vector.extract_strided_slice %get3A_11 {offsets = [12], sizes = [1], strides = [1]} : vector<16xi32> to vector<1xi32>
    %squeeze3A_166 = vector.extract %slice3A_165[0] : i32 from vector<1xi32>
    %and3A_167 = arith.constant -8 : i32
    %and3A_168 = arith.andi %squeeze3A_166, %and3A_167 : i32
    %multiple_of3A_169 = tpu.assume_multiple %and3A_168, 8 : i32
    %dma_start3A_170 = arith.constant 96 : i32
    %dma_start3A_171 = arith.constant 0 : i32
    %dma_start3A_172 = tpu.memref_slice %arg6[%dma_start3A_170, %dma_start3A_171] : memref<256x128xf32, #tpu.memory_space<vmem>> -> memref<8x128xf32, #tpu.memory_space<vmem>>
    %dma_start3A_173 = tpu.memref_slice %arg2[%multiple_of3A_169, %multiple_of3A] : memref<100000x1024xf32, #tpu.memory_space<hbm>> -> memref<8x128xf32, #tpu.memory_space<hbm>>
    %dma_start3A_174 = arith.constant 96 : i32
    %dma_start3A_175 = arith.constant 0 : i32
    %dma_start3A_176 = tpu.memref_slice %arg6[%dma_start3A_174, %dma_start3A_175] : memref<256x128xf32, #tpu.memory_space<vmem>> -> memref<8x128xf32, #tpu.memory_space<vmem>>
    %dma_start3A_177 = tpu.memref_slice %arg2[%multiple_of3A_169, %multiple_of3A] : memref<100000x1024xf32, #tpu.memory_space<hbm>> -> memref<8x128xf32, #tpu.memory_space<hbm>>
    tpu.enqueue_dma source(%dma_start3A_177 : memref<8x128xf32, #tpu.memory_space<hbm>>) target(%dma_start3A_176 : memref<8x128xf32, #tpu.memory_space<vmem>>) target_semaphore(%arg8 : memref<!tpu.dma_semaphore, #tpu.memory_space<semaphore_mem>>)
    %slice3A_178 = vector.extract_strided_slice %get3A_11 {offsets = [13], sizes = [1], strides = [1]} : vector<16xi32> to vector<1xi32>
    %squeeze3A_179 = vector.extract %slice3A_178[0] : i32 from vector<1xi32>
    %and3A_180 = arith.constant -8 : i32
    %and3A_181 = arith.andi %squeeze3A_179, %and3A_180 : i32
    %multiple_of3A_182 = tpu.assume_multiple %and3A_181, 8 : i32
    %dma_start3A_183 = arith.constant 104 : i32
    %dma_start3A_184 = arith.constant 0 : i32
    %dma_start3A_185 = tpu.memref_slice %arg6[%dma_start3A_183, %dma_start3A_184] : memref<256x128xf32, #tpu.memory_space<vmem>> -> memref<8x128xf32, #tpu.memory_space<vmem>>
    %dma_start3A_186 = tpu.memref_slice %arg2[%multiple_of3A_182, %multiple_of3A] : memref<100000x1024xf32, #tpu.memory_space<hbm>> -> memref<8x128xf32, #tpu.memory_space<hbm>>
    %dma_start3A_187 = arith.constant 104 : i32
    %dma_start3A_188 = arith.constant 0 : i32
    %dma_start3A_189 = tpu.memref_slice %arg6[%dma_start3A_187, %dma_start3A_188] : memref<256x128xf32, #tpu.memory_space<vmem>> -> memref<8x128xf32, #tpu.memory_space<vmem>>
    %dma_start3A_190 = tpu.memref_slice %arg2[%multiple_of3A_182, %multiple_of3A] : memref<100000x1024xf32, #tpu.memory_space<hbm>> -> memref<8x128xf32, #tpu.memory_space<hbm>>
    tpu.enqueue_dma source(%dma_start3A_190 : memref<8x128xf32, #tpu.memory_space<hbm>>) target(%dma_start3A_189 : memref<8x128xf32, #tpu.memory_space<vmem>>) target_semaphore(%arg8 : memref<!tpu.dma_semaphore, #tpu.memory_space<semaphore_mem>>)
    %slice3A_191 = vector.extract_strided_slice %get3A_11 {offsets = [14], sizes = [1], strides = [1]} : vector<16xi32> to vector<1xi32>
    %squeeze3A_192 = vector.extract %slice3A_191[0] : i32 from vector<1xi32>
    %and3A_193 = arith.constant -8 : i32
    %and3A_194 = arith.andi %squeeze3A_192, %and3A_193 : i32
    %multiple_of3A_195 = tpu.assume_multiple %and3A_194, 8 : i32
    %dma_start3A_196 = arith.constant 112 : i32
    %dma_start3A_197 = arith.constant 0 : i32
    %dma_start3A_198 = tpu.memref_slice %arg6[%dma_start3A_196, %dma_start3A_197] : memref<256x128xf32, #tpu.memory_space<vmem>> -> memref<8x128xf32, #tpu.memory_space<vmem>>
    %dma_start3A_199 = tpu.memref_slice %arg2[%multiple_of3A_195, %multiple_of3A] : memref<100000x1024xf32, #tpu.memory_space<hbm>> -> memref<8x128xf32, #tpu.memory_space<hbm>>
    %dma_start3A_200 = arith.constant 112 : i32
    %dma_start3A_201 = arith.constant 0 : i32
    %dma_start3A_202 = tpu.memref_slice %arg6[%dma_start3A_200, %dma_start3A_201] : memref<256x128xf32, #tpu.memory_space<vmem>> -> memref<8x128xf32, #tpu.memory_space<vmem>>
    %dma_start3A_203 = tpu.memref_slice %arg2[%multiple_of3A_195, %multiple_of3A] : memref<100000x1024xf32, #tpu.memory_space<hbm>> -> memref<8x128xf32, #tpu.memory_space<hbm>>
    tpu.enqueue_dma source(%dma_start3A_203 : memref<8x128xf32, #tpu.memory_space<hbm>>) target(%dma_start3A_202 : memref<8x128xf32, #tpu.memory_space<vmem>>) target_semaphore(%arg8 : memref<!tpu.dma_semaphore, #tpu.memory_space<semaphore_mem>>)
    %slice3A_204 = vector.extract_strided_slice %get3A_11 {offsets = [15], sizes = [1], strides = [1]} : vector<16xi32> to vector<1xi32>
    %squeeze3A_205 = vector.extract %slice3A_204[0] : i32 from vector<1xi32>
    %and3A_206 = arith.constant -8 : i32
    %and3A_207 = arith.andi %squeeze3A_205, %and3A_206 : i32
    %multiple_of3A_208 = tpu.assume_multiple %and3A_207, 8 : i32
    %dma_start3A_209 = arith.constant 120 : i32
    %dma_start3A_210 = arith.constant 0 : i32
    %dma_start3A_211 = tpu.memref_slice %arg6[%dma_start3A_209, %dma_start3A_210] : memref<256x128xf32, #tpu.memory_space<vmem>> -> memref<8x128xf32, #tpu.memory_space<vmem>>
    %dma_start3A_212 = tpu.memref_slice %arg2[%multiple_of3A_208, %multiple_of3A] : memref<100000x1024xf32, #tpu.memory_space<hbm>> -> memref<8x128xf32, #tpu.memory_space<hbm>>
    %dma_start3A_213 = arith.constant 120 : i32
    %dma_start3A_214 = arith.constant 0 : i32
    %dma_start3A_215 = tpu.memref_slice %arg6[%dma_start3A_213, %dma_start3A_214] : memref<256x128xf32, #tpu.memory_space<vmem>> -> memref<8x128xf32, #tpu.memory_space<vmem>>
    %dma_start3A_216 = tpu.memref_slice %arg2[%multiple_of3A_208, %multiple_of3A] : memref<100000x1024xf32, #tpu.memory_space<hbm>> -> memref<8x128xf32, #tpu.memory_space<hbm>>
    tpu.enqueue_dma source(%dma_start3A_216 : memref<8x128xf32, #tpu.memory_space<hbm>>) target(%dma_start3A_215 : memref<8x128xf32, #tpu.memory_space<vmem>>) target_semaphore(%arg8 : memref<!tpu.dma_semaphore, #tpu.memory_space<semaphore_mem>>)
    %add3A_217 = arith.constant 16 : i32
    %add3A_218 = arith.addi %mul3A_2, %add3A_217 : i32
    %get3A_219 = arith.index_cast %add3A_218 : i32 to index
    %get3A_220 = tpu.vector_load %arg5[%get3A_219] {strides = array<i32>} : memref<1024xi32, #tpu.memory_space<vmem>>, vector<16xi32>,
    %slice3A_221 = vector.extract_strided_slice %get3A_220 {offsets = [0], sizes = [1], strides = [1]} : vector<16xi32> to vector<1xi32>
    %squeeze3A_222 = vector.extract %slice3A_221[0] : i32 from vector<1xi32>
    %and3A_223 = arith.constant -8 : i32
    %and3A_224 = arith.andi %squeeze3A_222, %and3A_223 : i32
    %multiple_of3A_225 = tpu.assume_multiple %and3A_224, 8 : i32
    %dma_start3A_226 = arith.constant 128 : i32
    %dma_start3A_227 = arith.constant 0 : i32
    %dma_start3A_228 = tpu.memref_slice %arg6[%dma_start3A_226, %dma_start3A_227] : memref<256x128xf32, #tpu.memory_space<vmem>> -> memref<8x128xf32, #tpu.memory_space<vmem>>
    %dma_start3A_229 = tpu.memref_slice %arg2[%multiple_of3A_225, %multiple_of3A] : memref<100000x1024xf32, #tpu.memory_space<hbm>> -> memref<8x128xf32, #tpu.memory_space<hbm>>
    %dma_start3A_230 = arith.constant 128 : i32
    %dma_start3A_231 = arith.constant 0 : i32
    %dma_start3A_232 = tpu.memref_slice %arg6[%dma_start3A_230, %dma_start3A_231] : memref<256x128xf32, #tpu.memory_space<vmem>> -> memref<8x128xf32, #tpu.memory_space<vmem>>
    %dma_start3A_233 = tpu.memref_slice %arg2[%multiple_of3A_225, %multiple_of3A] : memref<100000x1024xf32, #tpu.memory_space<hbm>> -> memref<8x128xf32, #tpu.memory_space<hbm>>
    tpu.enqueue_dma source(%dma_start3A_233 : memref<8x128xf32, #tpu.memory_space<hbm>>) target(%dma_start3A_232 : memref<8x128xf32, #tpu.memory_space<vmem>>) target_semaphore(%arg8 : memref<!tpu.dma_semaphore, #tpu.memory_space<semaphore_mem>>)
    %slice3A_234 = vector.extract_strided_slice %get3A_220 {offsets = [1], sizes = [1], strides = [1]} : vector<16xi32> to vector<1xi32>
    %squeeze3A_235 = vector.extract %slice3A_234[0] : i32 from vector<1xi32>
    %and3A_236 = arith.constant -8 : i32
    %and3A_237 = arith.andi %squeeze3A_235, %and3A_236 : i32
    %multiple_of3A_238 = tpu.assume_multiple %and3A_237, 8 : i32
    %dma_start3A_239 = arith.constant 136 : i32
    %dma_start3A_240 = arith.constant 0 : i32
    %dma_start3A_241 = tpu.memref_slice %arg6[%dma_start3A_239, %dma_start3A_240] : memref<256x128xf32, #tpu.memory_space<vmem>> -> memref<8x128xf32, #tpu.memory_space<vmem>>
    %dma_start3A_242 = tpu.memref_slice %arg2[%multiple_of3A_238, %multiple_of3A] : memref<100000x1024xf32, #tpu.memory_space<hbm>> -> memref<8x128xf32, #tpu.memory_space<hbm>>
    %dma_start3A_243 = arith.constant 136 : i32
    %dma_start3A_244 = arith.constant 0 : i32
    %dma_start3A_245 = tpu.memref_slice %arg6[%dma_start3A_243, %dma_start3A_244] : memref<256x128xf32, #tpu.memory_space<vmem>> -> memref<8x128xf32, #tpu.memory_space<vmem>>
    %dma_start3A_246 = tpu.memref_slice %arg2[%multiple_of3A_238, %multiple_of3A] : memref<100000x1024xf32, #tpu.memory_space<hbm>> -> memref<8x128xf32, #tpu.memory_space<hbm>>
    tpu.enqueue_dma source(%dma_start3A_246 : memref<8x128xf32, #tpu.memory_space<hbm>>) target(%dma_start3A_245 : memref<8x128xf32, #tpu.memory_space<vmem>>) target_semaphore(%arg8 : memref<!tpu.dma_semaphore, #tpu.memory_space<semaphore_mem>>)
    %slice3A_247 = vector.extract_strided_slice %get3A_220 {offsets = [2], sizes = [1], strides = [1]} : vector<16xi32> to vector<1xi32>
    %squeeze3A_248 = vector.extract %slice3A_247[0] : i32 from vector<1xi32>
    %and3A_249 = arith.constant -8 : i32
    %and3A_250 = arith.andi %squeeze3A_248, %and3A_249 : i32
    %multiple_of3A_251 = tpu.assume_multiple %and3A_250, 8 : i32
    %dma_start3A_252 = arith.constant 144 : i32
    %dma_start3A_253 = arith.constant 0 : i32
    %dma_start3A_254 = tpu.memref_slice %arg6[%dma_start3A_252, %dma_start3A_253] : memref<256x128xf32, #tpu.memory_space<vmem>> -> memref<8x128xf32, #tpu.memory_space<vmem>>
    %dma_start3A_255 = tpu.memref_slice %arg2[%multiple_of3A_251, %multiple_of3A] : memref<100000x1024xf32, #tpu.memory_space<hbm>> -> memref<8x128xf32, #tpu.memory_space<hbm>>
    %dma_start3A_256 = arith.constant 144 : i32
    %dma_start3A_257 = arith.constant 0 : i32
    %dma_start3A_258 = tpu.memref_slice %arg6[%dma_start3A_256, %dma_start3A_257] : memref<256x128xf32, #tpu.memory_space<vmem>> -> memref<8x128xf32, #tpu.memory_space<vmem>>
    %dma_start3A_259 = tpu.memref_slice %arg2[%multiple_of3A_251, %multiple_of3A] : memref<100000x1024xf32, #tpu.memory_space<hbm>> -> memref<8x128xf32, #tpu.memory_space<hbm>>
    tpu.enqueue_dma source(%dma_start3A_259 : memref<8x128xf32, #tpu.memory_space<hbm>>) target(%dma_start3A_258 : memref<8x128xf32, #tpu.memory_space<vmem>>) target_semaphore(%arg8 : memref<!tpu.dma_semaphore, #tpu.memory_space<semaphore_mem>>)
    %slice3A_260 = vector.extract_strided_slice %get3A_220 {offsets = [3], sizes = [1], strides = [1]} : vector<16xi32> to vector<1xi32>
    %squeeze3A_261 = vector.extract %slice3A_260[0] : i32 from vector<1xi32>
    %and3A_262 = arith.constant -8 : i32
    %and3A_263 = arith.andi %squeeze3A_261, %and3A_262 : i32
    %multiple_of3A_264 = tpu.assume_multiple %and3A_263, 8 : i32
    %dma_start3A_265 = arith.constant 152 : i32
    %dma_start3A_266 = arith.constant 0 : i32
    %dma_start3A_267 = tpu.memref_slice %arg6[%dma_start3A_265, %dma_start3A_266] : memref<256x128xf32, #tpu.memory_space<vmem>> -> memref<8x128xf32, #tpu.memory_space<vmem>>
    %dma_start3A_268 = tpu.memref_slice %arg2[%multiple_of3A_264, %multiple_of3A] : memref<100000x1024xf32, #tpu.memory_space<hbm>> -> memref<8x128xf32, #tpu.memory_space<hbm>>
    %dma_start3A_269 = arith.constant 152 : i32
    %dma_start3A_270 = arith.constant 0 : i32
    %dma_start3A_271 = tpu.memref_slice %arg6[%dma_start3A_269, %dma_start3A_270] : memref<256x128xf32, #tpu.memory_space<vmem>> -> memref<8x128xf32, #tpu.memory_space<vmem>>
    %dma_start3A_272 = tpu.memref_slice %arg2[%multiple_of3A_264, %multiple_of3A] : memref<100000x1024xf32, #tpu.memory_space<hbm>> -> memref<8x128xf32, #tpu.memory_space<hbm>>
    tpu.enqueue_dma source(%dma_start3A_272 : memref<8x128xf32, #tpu.memory_space<hbm>>) target(%dma_start3A_271 : memref<8x128xf32, #tpu.memory_space<vmem>>) target_semaphore(%arg8 : memref<!tpu.dma_semaphore, #tpu.memory_space<semaphore_mem>>)
    %slice3A_273 = vector.extract_strided_slice %get3A_220 {offsets = [4], sizes = [1], strides = [1]} : vector<16xi32> to vector<1xi32>
    %squeeze3A_274 = vector.extract %slice3A_273[0] : i32 from vector<1xi32>
    %and3A_275 = arith.constant -8 : i32
    %and3A_276 = arith.andi %squeeze3A_274, %and3A_275 : i32
    %multiple_of3A_277 = tpu.assume_multiple %and3A_276, 8 : i32
    %dma_start3A_278 = arith.constant 160 : i32
    %dma_start3A_279 = arith.constant 0 : i32
    %dma_start3A_280 = tpu.memref_slice %arg6[%dma_start3A_278, %dma_start3A_279] : memref<256x128xf32, #tpu.memory_space<vmem>> -> memref<8x128xf32, #tpu.memory_space<vmem>>
    %dma_start3A_281 = tpu.memref_slice %arg2[%multiple_of3A_277, %multiple_of3A] : memref<100000x1024xf32, #tpu.memory_space<hbm>> -> memref<8x128xf32, #tpu.memory_space<hbm>>
    %dma_start3A_282 = arith.constant 160 : i32
    %dma_start3A_283 = arith.constant 0 : i32
    %dma_start3A_284 = tpu.memref_slice %arg6[%dma_start3A_282, %dma_start3A_283] : memref<256x128xf32, #tpu.memory_space<vmem>> -> memref<8x128xf32, #tpu.memory_space<vmem>>
    %dma_start3A_285 = tpu.memref_slice %arg2[%multiple_of3A_277, %multiple_of3A] : memref<100000x1024xf32, #tpu.memory_space<hbm>> -> memref<8x128xf32, #tpu.memory_space<hbm>>
    tpu.enqueue_dma source(%dma_start3A_285 : memref<8x128xf32, #tpu.memory_space<hbm>>) target(%dma_start3A_284 : memref<8x128xf32, #tpu.memory_space<vmem>>) target_semaphore(%arg8 : memref<!tpu.dma_semaphore, #tpu.memory_space<semaphore_mem>>)
    %slice3A_286 = vector.extract_strided_slice %get3A_220 {offsets = [5], sizes = [1], strides = [1]} : vector<16xi32> to vector<1xi32>
    %squeeze3A_287 = vector.extract %slice3A_286[0] : i32 from vector<1xi32>
    %and3A_288 = arith.constant -8 : i32
    %and3A_289 = arith.andi %squeeze3A_287, %and3A_288 : i32
    %multiple_of3A_290 = tpu.assume_multiple %and3A_289, 8 : i32
    %dma_start3A_291 = arith.constant 168 : i32
    %dma_start3A_292 = arith.constant 0 : i32
    %dma_start3A_293 = tpu.memref_slice %arg6[%dma_start3A_291, %dma_start3A_292] : memref<256x128xf32, #tpu.memory_space<vmem>> -> memref<8x128xf32, #tpu.memory_space<vmem>>
    %dma_start3A_294 = tpu.memref_slice %arg2[%multiple_of3A_290, %multiple_of3A] : memref<100000x1024xf32, #tpu.memory_space<hbm>> -> memref<8x128xf32, #tpu.memory_space<hbm>>
    %dma_start3A_295 = arith.constant 168 : i32
    %dma_start3A_296 = arith.constant 0 : i32
    %dma_start3A_297 = tpu.memref_slice %arg6[%dma_start3A_295, %dma_start3A_296] : memref<256x128xf32, #tpu.memory_space<vmem>> -> memref<8x128xf32, #tpu.memory_space<vmem>>
    %dma_start3A_298 = tpu.memref_slice %arg2[%multiple_of3A_290, %multiple_of3A] : memref<100000x1024xf32, #tpu.memory_space<hbm>> -> memref<8x128xf32, #tpu.memory_space<hbm>>
    tpu.enqueue_dma source(%dma_start3A_298 : memref<8x128xf32, #tpu.memory_space<hbm>>) target(%dma_start3A_297 : memref<8x128xf32, #tpu.memory_space<vmem>>) target_semaphore(%arg8 : memref<!tpu.dma_semaphore, #tpu.memory_space<semaphore_mem>>)
    %slice3A_299 = vector.extract_strided_slice %get3A_220 {offsets = [6], sizes = [1], strides = [1]} : vector<16xi32> to vector<1xi32>
    %squeeze3A_300 = vector.extract %slice3A_299[0] : i32 from vector<1xi32>
    %and3A_301 = arith.constant -8 : i32
    %and3A_302 = arith.andi %squeeze3A_300, %and3A_301 : i32
    %multiple_of3A_303 = tpu.assume_multiple %and3A_302, 8 : i32
    %dma_start3A_304 = arith.constant 176 : i32
    %dma_start3A_305 = arith.constant 0 : i32
    %dma_start3A_306 = tpu.memref_slice %arg6[%dma_start3A_304, %dma_start3A_305] : memref<256x128xf32, #tpu.memory_space<vmem>> -> memref<8x128xf32, #tpu.memory_space<vmem>>
    %dma_start3A_307 = tpu.memref_slice %arg2[%multiple_of3A_303, %multiple_of3A] : memref<100000x1024xf32, #tpu.memory_space<hbm>> -> memref<8x128xf32, #tpu.memory_space<hbm>>
    %dma_start3A_308 = arith.constant 176 : i32
    %dma_start3A_309 = arith.constant 0 : i32
    %dma_start3A_310 = tpu.memref_slice %arg6[%dma_start3A_308, %dma_start3A_309] : memref<256x128xf32, #tpu.memory_space<vmem>> -> memref<8x128xf32, #tpu.memory_space<vmem>>
    %dma_start3A_311 = tpu.memref_slice %arg2[%multiple_of3A_303, %multiple_of3A] : memref<100000x1024xf32, #tpu.memory_space<hbm>> -> memref<8x128xf32, #tpu.memory_space<hbm>>
    tpu.enqueue_dma source(%dma_start3A_311 : memref<8x128xf32, #tpu.memory_space<hbm>>) target(%dma_start3A_310 : memref<8x128xf32, #tpu.memory_space<vmem>>) target_semaphore(%arg8 : memref<!tpu.dma_semaphore, #tpu.memory_space<semaphore_mem>>)
    %slice3A_312 = vector.extract_strided_slice %get3A_220 {offsets = [7], sizes = [1], strides = [1]} : vector<16xi32> to vector<1xi32>
    %squeeze3A_313 = vector.extract %slice3A_312[0] : i32 from vector<1xi32>
    %and3A_314 = arith.constant -8 : i32
    %and3A_315 = arith.andi %squeeze3A_313, %and3A_314 : i32
    %multiple_of3A_316 = tpu.assume_multiple %and3A_315, 8 : i32
    %dma_start3A_317 = arith.constant 184 : i32
    %dma_start3A_318 = arith.constant 0 : i32
    %dma_start3A_319 = tpu.memref_slice %arg6[%dma_start3A_317, %dma_start3A_318] : memref<256x128xf32, #tpu.memory_space<vmem>> -> memref<8x128xf32, #tpu.memory_space<vmem>>
    %dma_start3A_320 = tpu.memref_slice %arg2[%multiple_of3A_316, %multiple_of3A] : memref<100000x1024xf32, #tpu.memory_space<hbm>> -> memref<8x128xf32, #tpu.memory_space<hbm>>
    %dma_start3A_321 = arith.constant 184 : i32
    %dma_start3A_322 = arith.constant 0 : i32
    %dma_start3A_323 = tpu.memref_slice %arg6[%dma_start3A_321, %dma_start3A_322] : memref<256x128xf32, #tpu.memory_space<vmem>> -> memref<8x128xf32, #tpu.memory_space<vmem>>
    %dma_start3A_324 = tpu.memref_slice %arg2[%multiple_of3A_316, %multiple_of3A] : memref<100000x1024xf32, #tpu.memory_space<hbm>> -> memref<8x128xf32, #tpu.memory_space<hbm>>
    tpu.enqueue_dma source(%dma_start3A_324 : memref<8x128xf32, #tpu.memory_space<hbm>>) target(%dma_start3A_323 : memref<8x128xf32, #tpu.memory_space<vmem>>) target_semaphore(%arg8 : memref<!tpu.dma_semaphore, #tpu.memory_space<semaphore_mem>>)
    %slice3A_325 = vector.extract_strided_slice %get3A_220 {offsets = [8], sizes = [1], strides = [1]} : vector<16xi32> to vector<1xi32>
    %squeeze3A_326 = vector.extract %slice3A_325[0] : i32 from vector<1xi32>
    %and3A_327 = arith.constant -8 : i32
    %and3A_328 = arith.andi %squeeze3A_326, %and3A_327 : i32
    %multiple_of3A_329 = tpu.assume_multiple %and3A_328, 8 : i32
    %dma_start3A_330 = arith.constant 192 : i32
    %dma_start3A_331 = arith.constant 0 : i32
    %dma_start3A_332 = tpu.memref_slice %arg6[%dma_start3A_330, %dma_start3A_331] : memref<256x128xf32, #tpu.memory_space<vmem>> -> memref<8x128xf32, #tpu.memory_space<vmem>>
    %dma_start3A_333 = tpu.memref_slice %arg2[%multiple_of3A_329, %multiple_of3A] : memref<100000x1024xf32, #tpu.memory_space<hbm>> -> memref<8x128xf32, #tpu.memory_space<hbm>>
    %dma_start3A_334 = arith.constant 192 : i32
    %dma_start3A_335 = arith.constant 0 : i32
    %dma_start3A_336 = tpu.memref_slice %arg6[%dma_start3A_334, %dma_start3A_335] : memref<256x128xf32, #tpu.memory_space<vmem>> -> memref<8x128xf32, #tpu.memory_space<vmem>>
    %dma_start3A_337 = tpu.memref_slice %arg2[%multiple_of3A_329, %multiple_of3A] : memref<100000x1024xf32, #tpu.memory_space<hbm>> -> memref<8x128xf32, #tpu.memory_space<hbm>>
    tpu.enqueue_dma source(%dma_start3A_337 : memref<8x128xf32, #tpu.memory_space<hbm>>) target(%dma_start3A_336 : memref<8x128xf32, #tpu.memory_space<vmem>>) target_semaphore(%arg8 : memref<!tpu.dma_semaphore, #tpu.memory_space<semaphore_mem>>)
    %slice3A_338 = vector.extract_strided_slice %get3A_220 {offsets = [9], sizes = [1], strides = [1]} : vector<16xi32> to vector<1xi32>
    %squeeze3A_339 = vector.extract %slice3A_338[0] : i32 from vector<1xi32>
    %and3A_340 = arith.constant -8 : i32
    %and3A_341 = arith.andi %squeeze3A_339, %and3A_340 : i32
    %multiple_of3A_342 = tpu.assume_multiple %and3A_341, 8 : i32
    %dma_start3A_343 = arith.constant 200 : i32
    %dma_start3A_344 = arith.constant 0 : i32
    %dma_start3A_345 = tpu.memref_slice %arg6[%dma_start3A_343, %dma_start3A_344] : memref<256x128xf32, #tpu.memory_space<vmem>> -> memref<8x128xf32, #tpu.memory_space<vmem>>
    %dma_start3A_346 = tpu.memref_slice %arg2[%multiple_of3A_342, %multiple_of3A] : memref<100000x1024xf32, #tpu.memory_space<hbm>> -> memref<8x128xf32, #tpu.memory_space<hbm>>
    %dma_start3A_347 = arith.constant 200 : i32
    %dma_start3A_348 = arith.constant 0 : i32
    %dma_start3A_349 = tpu.memref_slice %arg6[%dma_start3A_347, %dma_start3A_348] : memref<256x128xf32, #tpu.memory_space<vmem>> -> memref<8x128xf32, #tpu.memory_space<vmem>>
    %dma_start3A_350 = tpu.memref_slice %arg2[%multiple_of3A_342, %multiple_of3A] : memref<100000x1024xf32, #tpu.memory_space<hbm>> -> memref<8x128xf32, #tpu.memory_space<hbm>>
    tpu.enqueue_dma source(%dma_start3A_350 : memref<8x128xf32, #tpu.memory_space<hbm>>) target(%dma_start3A_349 : memref<8x128xf32, #tpu.memory_space<vmem>>) target_semaphore(%arg8 : memref<!tpu.dma_semaphore, #tpu.memory_space<semaphore_mem>>)
    %slice3A_351 = vector.extract_strided_slice %get3A_220 {offsets = [10], sizes = [1], strides = [1]} : vector<16xi32> to vector<1xi32>
    %squeeze3A_352 = vector.extract %slice3A_351[0] : i32 from vector<1xi32>
    %and3A_353 = arith.constant -8 : i32
    %and3A_354 = arith.andi %squeeze3A_352, %and3A_353 : i32
    %multiple_of3A_355 = tpu.assume_multiple %and3A_354, 8 : i32
    %dma_start3A_356 = arith.constant 208 : i32
    %dma_start3A_357 = arith.constant 0 : i32
    %dma_start3A_358 = tpu.memref_slice %arg6[%dma_start3A_356, %dma_start3A_357] : memref<256x128xf32, #tpu.memory_space<vmem>> -> memref<8x128xf32, #tpu.memory_space<vmem>>
    %dma_start3A_359 = tpu.memref_slice %arg2[%multiple_of3A_355, %multiple_of3A] : memref<100000x1024xf32, #tpu.memory_space<hbm>> -> memref<8x128xf32, #tpu.memory_space<hbm>>
    %dma_start3A_360 = arith.constant 208 : i32
    %dma_start3A_361 = arith.constant 0 : i32
    %dma_start3A_362 = tpu.memref_slice %arg6[%dma_start3A_360, %dma_start3A_361] : memref<256x128xf32, #tpu.memory_space<vmem>> -> memref<8x128xf32, #tpu.memory_space<vmem>>
    %dma_start3A_363 = tpu.memref_slice %arg2[%multiple_of3A_355, %multiple_of3A] : memref<100000x1024xf32, #tpu.memory_space<hbm>> -> memref<8x128xf32, #tpu.memory_space<hbm>>
    tpu.enqueue_dma source(%dma_start3A_363 : memref<8x128xf32, #tpu.memory_space<hbm>>) target(%dma_start3A_362 : memref<8x128xf32, #tpu.memory_space<vmem>>) target_semaphore(%arg8 : memref<!tpu.dma_semaphore, #tpu.memory_space<semaphore_mem>>)
    %slice3A_364 = vector.extract_strided_slice %get3A_220 {offsets = [11], sizes = [1], strides = [1]} : vector<16xi32> to vector<1xi32>
    %squeeze3A_365 = vector.extract %slice3A_364[0] : i32 from vector<1xi32>
    %and3A_366 = arith.constant -8 : i32
    %and3A_367 = arith.andi %squeeze3A_365, %and3A_366 : i32
    %multiple_of3A_368 = tpu.assume_multiple %and3A_367, 8 : i32
    %dma_start3A_369 = arith.constant 216 : i32
    %dma_start3A_370 = arith.constant 0 : i32
    %dma_start3A_371 = tpu.memref_slice %arg6[%dma_start3A_369, %dma_start3A_370] : memref<256x128xf32, #tpu.memory_space<vmem>> -> memref<8x128xf32, #tpu.memory_space<vmem>>
    %dma_start3A_372 = tpu.memref_slice %arg2[%multiple_of3A_368, %multiple_of3A] : memref<100000x1024xf32, #tpu.memory_space<hbm>> -> memref<8x128xf32, #tpu.memory_space<hbm>>
    %dma_start3A_373 = arith.constant 216 : i32
    %dma_start3A_374 = arith.constant 0 : i32
    %dma_start3A_375 = tpu.memref_slice %arg6[%dma_start3A_373, %dma_start3A_374] : memref<256x128xf32, #tpu.memory_space<vmem>> -> memref<8x128xf32, #tpu.memory_space<vmem>>
    %dma_start3A_376 = tpu.memref_slice %arg2[%multiple_of3A_368, %multiple_of3A] : memref<100000x1024xf32, #tpu.memory_space<hbm>> -> memref<8x128xf32, #tpu.memory_space<hbm>>
    tpu.enqueue_dma source(%dma_start3A_376 : memref<8x128xf32, #tpu.memory_space<hbm>>) target(%dma_start3A_375 : memref<8x128xf32, #tpu.memory_space<vmem>>) target_semaphore(%arg8 : memref<!tpu.dma_semaphore, #tpu.memory_space<semaphore_mem>>)
    %slice3A_377 = vector.extract_strided_slice %get3A_220 {offsets = [12], sizes = [1], strides = [1]} : vector<16xi32> to vector<1xi32>
    %squeeze3A_378 = vector.extract %slice3A_377[0] : i32 from vector<1xi32>
    %and3A_379 = arith.constant -8 : i32
    %and3A_380 = arith.andi %squeeze3A_378, %and3A_379 : i32
    %multiple_of3A_381 = tpu.assume_multiple %and3A_380, 8 : i32
    %dma_start3A_382 = arith.constant 224 : i32
    %dma_start3A_383 = arith.constant 0 : i32
    %dma_start3A_384 = tpu.memref_slice %arg6[%dma_start3A_382, %dma_start3A_383] : memref<256x128xf32, #tpu.memory_space<vmem>> -> memref<8x128xf32, #tpu.memory_space<vmem>>
    %dma_start3A_385 = tpu.memref_slice %arg2[%multiple_of3A_381, %multiple_of3A] : memref<100000x1024xf32, #tpu.memory_space<hbm>> -> memref<8x128xf32, #tpu.memory_space<hbm>>
    %dma_start3A_386 = arith.constant 224 : i32
    %dma_start3A_387 = arith.constant 0 : i32
    %dma_start3A_388 = tpu.memref_slice %arg6[%dma_start3A_386, %dma_start3A_387] : memref<256x128xf32, #tpu.memory_space<vmem>> -> memref<8x128xf32, #tpu.memory_space<vmem>>
    %dma_start3A_389 = tpu.memref_slice %arg2[%multiple_of3A_381, %multiple_of3A] : memref<100000x1024xf32, #tpu.memory_space<hbm>> -> memref<8x128xf32, #tpu.memory_space<hbm>>
    tpu.enqueue_dma source(%dma_start3A_389 : memref<8x128xf32, #tpu.memory_space<hbm>>) target(%dma_start3A_388 : memref<8x128xf32, #tpu.memory_space<vmem>>) target_semaphore(%arg8 : memref<!tpu.dma_semaphore, #tpu.memory_space<semaphore_mem>>)
    %slice3A_390 = vector.extract_strided_slice %get3A_220 {offsets = [13], sizes = [1], strides = [1]} : vector<16xi32> to vector<1xi32>
    %squeeze3A_391 = vector.extract %slice3A_390[0] : i32 from vector<1xi32>
    %and3A_392 = arith.constant -8 : i32
    %and3A_393 = arith.andi %squeeze3A_391, %and3A_392 : i32
    %multiple_of3A_394 = tpu.assume_multiple %and3A_393, 8 : i32
    %dma_start3A_395 = arith.constant 232 : i32
    %dma_start3A_396 = arith.constant 0 : i32
    %dma_start3A_397 = tpu.memref_slice %arg6[%dma_start3A_395, %dma_start3A_396] : memref<256x128xf32, #tpu.memory_space<vmem>> -> memref<8x128xf32, #tpu.memory_space<vmem>>
    %dma_start3A_398 = tpu.memref_slice %arg2[%multiple_of3A_394, %multiple_of3A] : memref<100000x1024xf32, #tpu.memory_space<hbm>> -> memref<8x128xf32, #tpu.memory_space<hbm>>
    %dma_start3A_399 = arith.constant 232 : i32
    %dma_start3A_400 = arith.constant 0 : i32
    %dma_start3A_401 = tpu.memref_slice %arg6[%dma_start3A_399, %dma_start3A_400] : memref<256x128xf32, #tpu.memory_space<vmem>> -> memref<8x128xf32, #tpu.memory_space<vmem>>
    %dma_start3A_402 = tpu.memref_slice %arg2[%multiple_of3A_394, %multiple_of3A] : memref<100000x1024xf32, #tpu.memory_space<hbm>> -> memref<8x128xf32, #tpu.memory_space<hbm>>
    tpu.enqueue_dma source(%dma_start3A_402 : memref<8x128xf32, #tpu.memory_space<hbm>>) target(%dma_start3A_401 : memref<8x128xf32, #tpu.memory_space<vmem>>) target_semaphore(%arg8 : memref<!tpu.dma_semaphore, #tpu.memory_space<semaphore_mem>>)
    %slice3A_403 = vector.extract_strided_slice %get3A_220 {offsets = [14], sizes = [1], strides = [1]} : vector<16xi32> to vector<1xi32>
    %squeeze3A_404 = vector.extract %slice3A_403[0] : i32 from vector<1xi32>
    %and3A_405 = arith.constant -8 : i32
    %and3A_406 = arith.andi %squeeze3A_404, %and3A_405 : i32
    %multiple_of3A_407 = tpu.assume_multiple %and3A_406, 8 : i32
    %dma_start3A_408 = arith.constant 240 : i32
    %dma_start3A_409 = arith.constant 0 : i32
    %dma_start3A_410 = tpu.memref_slice %arg6[%dma_start3A_408, %dma_start3A_409] : memref<256x128xf32, #tpu.memory_space<vmem>> -> memref<8x128xf32, #tpu.memory_space<vmem>>
    %dma_start3A_411 = tpu.memref_slice %arg2[%multiple_of3A_407, %multiple_of3A] : memref<100000x1024xf32, #tpu.memory_space<hbm>> -> memref<8x128xf32, #tpu.memory_space<hbm>>
    %dma_start3A_412 = arith.constant 240 : i32
    %dma_start3A_413 = arith.constant 0 : i32
    %dma_start3A_414 = tpu.memref_slice %arg6[%dma_start3A_412, %dma_start3A_413] : memref<256x128xf32, #tpu.memory_space<vmem>> -> memref<8x128xf32, #tpu.memory_space<vmem>>
    %dma_start3A_415 = tpu.memref_slice %arg2[%multiple_of3A_407, %multiple_of3A] : memref<100000x1024xf32, #tpu.memory_space<hbm>> -> memref<8x128xf32, #tpu.memory_space<hbm>>
    tpu.enqueue_dma source(%dma_start3A_415 : memref<8x128xf32, #tpu.memory_space<hbm>>) target(%dma_start3A_414 : memref<8x128xf32, #tpu.memory_space<vmem>>) target_semaphore(%arg8 : memref<!tpu.dma_semaphore, #tpu.memory_space<semaphore_mem>>)
    %slice3A_416 = vector.extract_strided_slice %get3A_220 {offsets = [15], sizes = [1], strides = [1]} : vector<16xi32> to vector<1xi32>
    %squeeze3A_417 = vector.extract %slice3A_416[0] : i32 from vector<1xi32>
    %and3A_418 = arith.constant -8 : i32
    %and3A_419 = arith.andi %squeeze3A_417, %and3A_418 : i32
    %multiple_of3A_420 = tpu.assume_multiple %and3A_419, 8 : i32
    %dma_start3A_421 = arith.constant 248 : i32
    %dma_start3A_422 = arith.constant 0 : i32
    %dma_start3A_423 = tpu.memref_slice %arg6[%dma_start3A_421, %dma_start3A_422] : memref<256x128xf32, #tpu.memory_space<vmem>> -> memref<8x128xf32, #tpu.memory_space<vmem>>
    %dma_start3A_424 = tpu.memref_slice %arg2[%multiple_of3A_420, %multiple_of3A] : memref<100000x1024xf32, #tpu.memory_space<hbm>> -> memref<8x128xf32, #tpu.memory_space<hbm>>
    %dma_start3A_425 = arith.constant 248 : i32
    %dma_start3A_426 = arith.constant 0 : i32
    %dma_start3A_427 = tpu.memref_slice %arg6[%dma_start3A_425, %dma_start3A_426] : memref<256x128xf32, #tpu.memory_space<vmem>> -> memref<8x128xf32, #tpu.memory_space<vmem>>
    %dma_start3A_428 = tpu.memref_slice %arg2[%multiple_of3A_420, %multiple_of3A] : memref<100000x1024xf32, #tpu.memory_space<hbm>> -> memref<8x128xf32, #tpu.memory_space<hbm>>
    tpu.enqueue_dma source(%dma_start3A_428 : memref<8x128xf32, #tpu.memory_space<hbm>>) target(%dma_start3A_427 : memref<8x128xf32, #tpu.memory_space<vmem>>) target_semaphore(%arg8 : memref<!tpu.dma_semaphore, #tpu.memory_space<semaphore_mem>>)
    %dma_wait3A = arith.constant 0 : i32
    %dma_wait3A_429 = arith.constant 0 : i32
    %dma_wait3A_430 = tpu.memref_slice %arg6[%dma_wait3A, %dma_wait3A_429] : memref<256x128xf32, #tpu.memory_space<vmem>> -> memref<8x128xf32, #tpu.memory_space<vmem>>
    %dma_wait3A_431 = tpu.memref_slice %arg2[%multiple_of3A_14, %multiple_of3A] : memref<100000x1024xf32, #tpu.memory_space<hbm>> -> memref<8x128xf32, #tpu.memory_space<hbm>>
    %dma_wait3A_432 = arith.constant 0 : i32
    %dma_wait3A_433 = arith.constant 0 : i32
    %dma_wait3A_434 = tpu.memref_slice %arg6[%dma_wait3A_432, %dma_wait3A_433] : memref<256x128xf32, #tpu.memory_space<vmem>> -> memref<8x128xf32, #tpu.memory_space<vmem>>
    %dma_wait3A_435 = tpu.memref_slice %arg2[%multiple_of3A_14, %multiple_of3A] : memref<100000x1024xf32, #tpu.memory_space<hbm>> -> memref<8x128xf32, #tpu.memory_space<hbm>>
    tpu.wait_dma2 semaphore(%arg8 : memref<!tpu.dma_semaphore, #tpu.memory_space<semaphore_mem>>) src(%dma_wait3A_435 : memref<8x128xf32, #tpu.memory_space<hbm>>) dst(%dma_wait3A_434 : memref<8x128xf32, #tpu.memory_space<vmem>>)
    %dma_wait3A_436 = arith.constant 8 : i32
    %dma_wait3A_437 = arith.constant 0 : i32
    %dma_wait3A_438 = tpu.memref_slice %arg6[%dma_wait3A_436, %dma_wait3A_437] : memref<256x128xf32, #tpu.memory_space<vmem>> -> memref<8x128xf32, #tpu.memory_space<vmem>>
    %dma_wait3A_439 = tpu.memref_slice %arg2[%multiple_of3A_26, %multiple_of3A] : memref<100000x1024xf32, #tpu.memory_space<hbm>> -> memref<8x128xf32, #tpu.memory_space<hbm>>
    %dma_wait3A_440 = arith.constant 8 : i32
    %dma_wait3A_441 = arith.constant 0 : i32
    %dma_wait3A_442 = tpu.memref_slice %arg6[%dma_wait3A_440, %dma_wait3A_441] : memref<256x128xf32, #tpu.memory_space<vmem>> -> memref<8x128xf32, #tpu.memory_space<vmem>>
    %dma_wait3A_443 = tpu.memref_slice %arg2[%multiple_of3A_26, %multiple_of3A] : memref<100000x1024xf32, #tpu.memory_space<hbm>> -> memref<8x128xf32, #tpu.memory_space<hbm>>
    tpu.wait_dma2 semaphore(%arg8 : memref<!tpu.dma_semaphore, #tpu.memory_space<semaphore_mem>>) src(%dma_wait3A_443 : memref<8x128xf32, #tpu.memory_space<hbm>>) dst(%dma_wait3A_442 : memref<8x128xf32, #tpu.memory_space<vmem>>)
    %dma_wait3A_444 = arith.constant 16 : i32
    %dma_wait3A_445 = arith.constant 0 : i32
    %dma_wait3A_446 = tpu.memref_slice %arg6[%dma_wait3A_444, %dma_wait3A_445] : memref<256x128xf32, #tpu.memory_space<vmem>> -> memref<8x128xf32, #tpu.memory_space<vmem>>
    %dma_wait3A_447 = tpu.memref_slice %arg2[%multiple_of3A_39, %multiple_of3A] : memref<100000x1024xf32, #tpu.memory_space<hbm>> -> memref<8x128xf32, #tpu.memory_space<hbm>>
    %dma_wait3A_448 = arith.constant 16 : i32
    %dma_wait3A_449 = arith.constant 0 : i32
    %dma_wait3A_450 = tpu.memref_slice %arg6[%dma_wait3A_448, %dma_wait3A_449] : memref<256x128xf32, #tpu.memory_space<vmem>> -> memref<8x128xf32, #tpu.memory_space<vmem>>
    %dma_wait3A_451 = tpu.memref_slice %arg2[%multiple_of3A_39, %multiple_of3A] : memref<100000x1024xf32, #tpu.memory_space<hbm>> -> memref<8x128xf32, #tpu.memory_space<hbm>>
    tpu.wait_dma2 semaphore(%arg8 : memref<!tpu.dma_semaphore, #tpu.memory_space<semaphore_mem>>) src(%dma_wait3A_451 : memref<8x128xf32, #tpu.memory_space<hbm>>) dst(%dma_wait3A_450 : memref<8x128xf32, #tpu.memory_space<vmem>>)
    %dma_wait3A_452 = arith.constant 24 : i32
    %dma_wait3A_453 = arith.constant 0 : i32
    %dma_wait3A_454 = tpu.memref_slice %arg6[%dma_wait3A_452, %dma_wait3A_453] : memref<256x128xf32, #tpu.memory_space<vmem>> -> memref<8x128xf32, #tpu.memory_space<vmem>>
    %dma_wait3A_455 = tpu.memref_slice %arg2[%multiple_of3A_52, %multiple_of3A] : memref<100000x1024xf32, #tpu.memory_space<hbm>> -> memref<8x128xf32, #tpu.memory_space<hbm>>
    %dma_wait3A_456 = arith.constant 24 : i32
    %dma_wait3A_457 = arith.constant 0 : i32
    %dma_wait3A_458 = tpu.memref_slice %arg6[%dma_wait3A_456, %dma_wait3A_457] : memref<256x128xf32, #tpu.memory_space<vmem>> -> memref<8x128xf32, #tpu.memory_space<vmem>>
    %dma_wait3A_459 = tpu.memref_slice %arg2[%multiple_of3A_52, %multiple_of3A] : memref<100000x1024xf32, #tpu.memory_space<hbm>> -> memref<8x128xf32, #tpu.memory_space<hbm>>
    tpu.wait_dma2 semaphore(%arg8 : memref<!tpu.dma_semaphore, #tpu.memory_space<semaphore_mem>>) src(%dma_wait3A_459 : memref<8x128xf32, #tpu.memory_space<hbm>>) dst(%dma_wait3A_458 : memref<8x128xf32, #tpu.memory_space<vmem>>)
    %dma_wait3A_460 = arith.constant 32 : i32
    %dma_wait3A_461 = arith.constant 0 : i32
    %dma_wait3A_462 = tpu.memref_slice %arg6[%dma_wait3A_460, %dma_wait3A_461] : memref<256x128xf32, #tpu.memory_space<vmem>> -> memref<8x128xf32, #tpu.memory_space<vmem>>
    %dma_wait3A_463 = tpu.memref_slice %arg2[%multiple_of3A_65, %multiple_of3A] : memref<100000x1024xf32, #tpu.memory_space<hbm>> -> memref<8x128xf32, #tpu.memory_space<hbm>>
    %dma_wait3A_464 = arith.constant 32 : i32
    %dma_wait3A_465 = arith.constant 0 : i32
    %dma_wait3A_466 = tpu.memref_slice %arg6[%dma_wait3A_464, %dma_wait3A_465] : memref<256x128xf32, #tpu.memory_space<vmem>> -> memref<8x128xf32, #tpu.memory_space<vmem>>
    %dma_wait3A_467 = tpu.memref_slice %arg2[%multiple_of3A_65, %multiple_of3A] : memref<100000x1024xf32, #tpu.memory_space<hbm>> -> memref<8x128xf32, #tpu.memory_space<hbm>>
    tpu.wait_dma2 semaphore(%arg8 : memref<!tpu.dma_semaphore, #tpu.memory_space<semaphore_mem>>) src(%dma_wait3A_467 : memref<8x128xf32, #tpu.memory_space<hbm>>) dst(%dma_wait3A_466 : memref<8x128xf32, #tpu.memory_space<vmem>>)
    %dma_wait3A_468 = arith.constant 40 : i32
    %dma_wait3A_469 = arith.constant 0 : i32
    %dma_wait3A_470 = tpu.memref_slice %arg6[%dma_wait3A_468, %dma_wait3A_469] : memref<256x128xf32, #tpu.memory_space<vmem>> -> memref<8x128xf32, #tpu.memory_space<vmem>>
    %dma_wait3A_471 = tpu.memref_slice %arg2[%multiple_of3A_78, %multiple_of3A] : memref<100000x1024xf32, #tpu.memory_space<hbm>> -> memref<8x128xf32, #tpu.memory_space<hbm>>
    %dma_wait3A_472 = arith.constant 40 : i32
    %dma_wait3A_473 = arith.constant 0 : i32
    %dma_wait3A_474 = tpu.memref_slice %arg6[%dma_wait3A_472, %dma_wait3A_473] : memref<256x128xf32, #tpu.memory_space<vmem>> -> memref<8x128xf32, #tpu.memory_space<vmem>>
    %dma_wait3A_475 = tpu.memref_slice %arg2[%multiple_of3A_78, %multiple_of3A] : memref<100000x1024xf32, #tpu.memory_space<hbm>> -> memref<8x128xf32, #tpu.memory_space<hbm>>
    tpu.wait_dma2 semaphore(%arg8 : memref<!tpu.dma_semaphore, #tpu.memory_space<semaphore_mem>>) src(%dma_wait3A_475 : memref<8x128xf32, #tpu.memory_space<hbm>>) dst(%dma_wait3A_474 : memref<8x128xf32, #tpu.memory_space<vmem>>)
    %dma_wait3A_476 = arith.constant 48 : i32
    %dma_wait3A_477 = arith.constant 0 : i32
    %dma_wait3A_478 = tpu.memref_slice %arg6[%dma_wait3A_476, %dma_wait3A_477] : memref<256x128xf32, #tpu.memory_space<vmem>> -> memref<8x128xf32, #tpu.memory_space<vmem>>
    %dma_wait3A_479 = tpu.memref_slice %arg2[%multiple_of3A_91, %multiple_of3A] : memref<100000x1024xf32, #tpu.memory_space<hbm>> -> memref<8x128xf32, #tpu.memory_space<hbm>>
    %dma_wait3A_480 = arith.constant 48 : i32
    %dma_wait3A_481 = arith.constant 0 : i32
    %dma_wait3A_482 = tpu.memref_slice %arg6[%dma_wait3A_480, %dma_wait3A_481] : memref<256x128xf32, #tpu.memory_space<vmem>> -> memref<8x128xf32, #tpu.memory_space<vmem>>
    %dma_wait3A_483 = tpu.memref_slice %arg2[%multiple_of3A_91, %multiple_of3A] : memref<100000x1024xf32, #tpu.memory_space<hbm>> -> memref<8x128xf32, #tpu.memory_space<hbm>>
    tpu.wait_dma2 semaphore(%arg8 : memref<!tpu.dma_semaphore, #tpu.memory_space<semaphore_mem>>) src(%dma_wait3A_483 : memref<8x128xf32, #tpu.memory_space<hbm>>) dst(%dma_wait3A_482 : memref<8x128xf32, #tpu.memory_space<vmem>>)
    %dma_wait3A_484 = arith.constant 56 : i32
    %dma_wait3A_485 = arith.constant 0 : i32
    %dma_wait3A_486 = tpu.memref_slice %arg6[%dma_wait3A_484, %dma_wait3A_485] : memref<256x128xf32, #tpu.memory_space<vmem>> -> memref<8x128xf32, #tpu.memory_space<vmem>>
    %dma_wait3A_487 = tpu.memref_slice %arg2[%multiple_of3A_104, %multiple_of3A] : memref<100000x1024xf32, #tpu.memory_space<hbm>> -> memref<8x128xf32, #tpu.memory_space<hbm>>
    %dma_wait3A_488 = arith.constant 56 : i32
    %dma_wait3A_489 = arith.constant 0 : i32
    %dma_wait3A_490 = tpu.memref_slice %arg6[%dma_wait3A_488, %dma_wait3A_489] : memref<256x128xf32, #tpu.memory_space<vmem>> -> memref<8x128xf32, #tpu.memory_space<vmem>>
    %dma_wait3A_491 = tpu.memref_slice %arg2[%multiple_of3A_104, %multiple_of3A] : memref<100000x1024xf32, #tpu.memory_space<hbm>> -> memref<8x128xf32, #tpu.memory_space<hbm>>
    tpu.wait_dma2 semaphore(%arg8 : memref<!tpu.dma_semaphore, #tpu.memory_space<semaphore_mem>>) src(%dma_wait3A_491 : memref<8x128xf32, #tpu.memory_space<hbm>>) dst(%dma_wait3A_490 : memref<8x128xf32, #tpu.memory_space<vmem>>)
    %dma_wait3A_492 = arith.constant 64 : i32
    %dma_wait3A_493 = arith.constant 0 : i32
    %dma_wait3A_494 = tpu.memref_slice %arg6[%dma_wait3A_492, %dma_wait3A_493] : memref<256x128xf32, #tpu.memory_space<vmem>> -> memref<8x128xf32, #tpu.memory_space<vmem>>
    %dma_wait3A_495 = tpu.memref_slice %arg2[%multiple_of3A_117, %multiple_of3A] : memref<100000x1024xf32, #tpu.memory_space<hbm>> -> memref<8x128xf32, #tpu.memory_space<hbm>>
    %dma_wait3A_496 = arith.constant 64 : i32
    %dma_wait3A_497 = arith.constant 0 : i32
    %dma_wait3A_498 = tpu.memref_slice %arg6[%dma_wait3A_496, %dma_wait3A_497] : memref<256x128xf32, #tpu.memory_space<vmem>> -> memref<8x128xf32, #tpu.memory_space<vmem>>
    %dma_wait3A_499 = tpu.memref_slice %arg2[%multiple_of3A_117, %multiple_of3A] : memref<100000x1024xf32, #tpu.memory_space<hbm>> -> memref<8x128xf32, #tpu.memory_space<hbm>>
    tpu.wait_dma2 semaphore(%arg8 : memref<!tpu.dma_semaphore, #tpu.memory_space<semaphore_mem>>) src(%dma_wait3A_499 : memref<8x128xf32, #tpu.memory_space<hbm>>) dst(%dma_wait3A_498 : memref<8x128xf32, #tpu.memory_space<vmem>>)
    %dma_wait3A_500 = arith.constant 72 : i32
    %dma_wait3A_501 = arith.constant 0 : i32
    %dma_wait3A_502 = tpu.memref_slice %arg6[%dma_wait3A_500, %dma_wait3A_501] : memref<256x128xf32, #tpu.memory_space<vmem>> -> memref<8x128xf32, #tpu.memory_space<vmem>>
    %dma_wait3A_503 = tpu.memref_slice %arg2[%multiple_of3A_130, %multiple_of3A] : memref<100000x1024xf32, #tpu.memory_space<hbm>> -> memref<8x128xf32, #tpu.memory_space<hbm>>
    %dma_wait3A_504 = arith.constant 72 : i32
    %dma_wait3A_505 = arith.constant 0 : i32
    %dma_wait3A_506 = tpu.memref_slice %arg6[%dma_wait3A_504, %dma_wait3A_505] : memref<256x128xf32, #tpu.memory_space<vmem>> -> memref<8x128xf32, #tpu.memory_space<vmem>>
    %dma_wait3A_507 = tpu.memref_slice %arg2[%multiple_of3A_130, %multiple_of3A] : memref<100000x1024xf32, #tpu.memory_space<hbm>> -> memref<8x128xf32, #tpu.memory_space<hbm>>
    tpu.wait_dma2 semaphore(%arg8 : memref<!tpu.dma_semaphore, #tpu.memory_space<semaphore_mem>>) src(%dma_wait3A_507 : memref<8x128xf32, #tpu.memory_space<hbm>>) dst(%dma_wait3A_506 : memref<8x128xf32, #tpu.memory_space<vmem>>)
    %dma_wait3A_508 = arith.constant 80 : i32
    %dma_wait3A_509 = arith.constant 0 : i32
    %dma_wait3A_510 = tpu.memref_slice %arg6[%dma_wait3A_508, %dma_wait3A_509] : memref<256x128xf32, #tpu.memory_space<vmem>> -> memref<8x128xf32, #tpu.memory_space<vmem>>
    %dma_wait3A_511 = tpu.memref_slice %arg2[%multiple_of3A_143, %multiple_of3A] : memref<100000x1024xf32, #tpu.memory_space<hbm>> -> memref<8x128xf32, #tpu.memory_space<hbm>>
    %dma_wait3A_512 = arith.constant 80 : i32
    %dma_wait3A_513 = arith.constant 0 : i32
    %dma_wait3A_514 = tpu.memref_slice %arg6[%dma_wait3A_512, %dma_wait3A_513] : memref<256x128xf32, #tpu.memory_space<vmem>> -> memref<8x128xf32, #tpu.memory_space<vmem>>
    %dma_wait3A_515 = tpu.memref_slice %arg2[%multiple_of3A_143, %multiple_of3A] : memref<100000x1024xf32, #tpu.memory_space<hbm>> -> memref<8x128xf32, #tpu.memory_space<hbm>>
    tpu.wait_dma2 semaphore(%arg8 : memref<!tpu.dma_semaphore, #tpu.memory_space<semaphore_mem>>) src(%dma_wait3A_515 : memref<8x128xf32, #tpu.memory_space<hbm>>) dst(%dma_wait3A_514 : memref<8x128xf32, #tpu.memory_space<vmem>>)
    %dma_wait3A_516 = arith.constant 88 : i32
    %dma_wait3A_517 = arith.constant 0 : i32
    %dma_wait3A_518 = tpu.memref_slice %arg6[%dma_wait3A_516, %dma_wait3A_517] : memref<256x128xf32, #tpu.memory_space<vmem>> -> memref<8x128xf32, #tpu.memory_space<vmem>>
    %dma_wait3A_519 = tpu.memref_slice %arg2[%multiple_of3A_156, %multiple_of3A] : memref<100000x1024xf32, #tpu.memory_space<hbm>> -> memref<8x128xf32, #tpu.memory_space<hbm>>
    %dma_wait3A_520 = arith.constant 88 : i32
    %dma_wait3A_521 = arith.constant 0 : i32
    %dma_wait3A_522 = tpu.memref_slice %arg6[%dma_wait3A_520, %dma_wait3A_521] : memref<256x128xf32, #tpu.memory_space<vmem>> -> memref<8x128xf32, #tpu.memory_space<vmem>>
    %dma_wait3A_523 = tpu.memref_slice %arg2[%multiple_of3A_156, %multiple_of3A] : memref<100000x1024xf32, #tpu.memory_space<hbm>> -> memref<8x128xf32, #tpu.memory_space<hbm>>
    tpu.wait_dma2 semaphore(%arg8 : memref<!tpu.dma_semaphore, #tpu.memory_space<semaphore_mem>>) src(%dma_wait3A_523 : memref<8x128xf32, #tpu.memory_space<hbm>>) dst(%dma_wait3A_522 : memref<8x128xf32, #tpu.memory_space<vmem>>)
    %dma_wait3A_524 = arith.constant 96 : i32
    %dma_wait3A_525 = arith.constant 0 : i32
    %dma_wait3A_526 = tpu.memref_slice %arg6[%dma_wait3A_524, %dma_wait3A_525] : memref<256x128xf32, #tpu.memory_space<vmem>> -> memref<8x128xf32, #tpu.memory_space<vmem>>
    %dma_wait3A_527 = tpu.memref_slice %arg2[%multiple_of3A_169, %multiple_of3A] : memref<100000x1024xf32, #tpu.memory_space<hbm>> -> memref<8x128xf32, #tpu.memory_space<hbm>>
    %dma_wait3A_528 = arith.constant 96 : i32
    %dma_wait3A_529 = arith.constant 0 : i32
    %dma_wait3A_530 = tpu.memref_slice %arg6[%dma_wait3A_528, %dma_wait3A_529] : memref<256x128xf32, #tpu.memory_space<vmem>> -> memref<8x128xf32, #tpu.memory_space<vmem>>
    %dma_wait3A_531 = tpu.memref_slice %arg2[%multiple_of3A_169, %multiple_of3A] : memref<100000x1024xf32, #tpu.memory_space<hbm>> -> memref<8x128xf32, #tpu.memory_space<hbm>>
    tpu.wait_dma2 semaphore(%arg8 : memref<!tpu.dma_semaphore, #tpu.memory_space<semaphore_mem>>) src(%dma_wait3A_531 : memref<8x128xf32, #tpu.memory_space<hbm>>) dst(%dma_wait3A_530 : memref<8x128xf32, #tpu.memory_space<vmem>>)
    %dma_wait3A_532 = arith.constant 104 : i32
    %dma_wait3A_533 = arith.constant 0 : i32
    %dma_wait3A_534 = tpu.memref_slice %arg6[%dma_wait3A_532, %dma_wait3A_533] : memref<256x128xf32, #tpu.memory_space<vmem>> -> memref<8x128xf32, #tpu.memory_space<vmem>>
    %dma_wait3A_535 = tpu.memref_slice %arg2[%multiple_of3A_182, %multiple_of3A] : memref<100000x1024xf32, #tpu.memory_space<hbm>> -> memref<8x128xf32, #tpu.memory_space<hbm>>
    %dma_wait3A_536 = arith.constant 104 : i32
    %dma_wait3A_537 = arith.constant 0 : i32
    %dma_wait3A_538 = tpu.memref_slice %arg6[%dma_wait3A_536, %dma_wait3A_537] : memref<256x128xf32, #tpu.memory_space<vmem>> -> memref<8x128xf32, #tpu.memory_space<vmem>>
    %dma_wait3A_539 = tpu.memref_slice %arg2[%multiple_of3A_182, %multiple_of3A] : memref<100000x1024xf32, #tpu.memory_space<hbm>> -> memref<8x128xf32, #tpu.memory_space<hbm>>
    tpu.wait_dma2 semaphore(%arg8 : memref<!tpu.dma_semaphore, #tpu.memory_space<semaphore_mem>>) src(%dma_wait3A_539 : memref<8x128xf32, #tpu.memory_space<hbm>>) dst(%dma_wait3A_538 : memref<8x128xf32, #tpu.memory_space<vmem>>)
    %dma_wait3A_540 = arith.constant 112 : i32
    %dma_wait3A_541 = arith.constant 0 : i32
    %dma_wait3A_542 = tpu.memref_slice %arg6[%dma_wait3A_540, %dma_wait3A_541] : memref<256x128xf32, #tpu.memory_space<vmem>> -> memref<8x128xf32, #tpu.memory_space<vmem>>
    %dma_wait3A_543 = tpu.memref_slice %arg2[%multiple_of3A_195, %multiple_of3A] : memref<100000x1024xf32, #tpu.memory_space<hbm>> -> memref<8x128xf32, #tpu.memory_space<hbm>>
    %dma_wait3A_544 = arith.constant 112 : i32
    %dma_wait3A_545 = arith.constant 0 : i32
    %dma_wait3A_546 = tpu.memref_slice %arg6[%dma_wait3A_544, %dma_wait3A_545] : memref<256x128xf32, #tpu.memory_space<vmem>> -> memref<8x128xf32, #tpu.memory_space<vmem>>
    %dma_wait3A_547 = tpu.memref_slice %arg2[%multiple_of3A_195, %multiple_of3A] : memref<100000x1024xf32, #tpu.memory_space<hbm>> -> memref<8x128xf32, #tpu.memory_space<hbm>>
    tpu.wait_dma2 semaphore(%arg8 : memref<!tpu.dma_semaphore, #tpu.memory_space<semaphore_mem>>) src(%dma_wait3A_547 : memref<8x128xf32, #tpu.memory_space<hbm>>) dst(%dma_wait3A_546 : memref<8x128xf32, #tpu.memory_space<vmem>>)
    %dma_wait3A_548 = arith.constant 120 : i32
    %dma_wait3A_549 = arith.constant 0 : i32
    %dma_wait3A_550 = tpu.memref_slice %arg6[%dma_wait3A_548, %dma_wait3A_549] : memref<256x128xf32, #tpu.memory_space<vmem>> -> memref<8x128xf32, #tpu.memory_space<vmem>>
    %dma_wait3A_551 = tpu.memref_slice %arg2[%multiple_of3A_208, %multiple_of3A] : memref<100000x1024xf32, #tpu.memory_space<hbm>> -> memref<8x128xf32, #tpu.memory_space<hbm>>
    %dma_wait3A_552 = arith.constant 120 : i32
    %dma_wait3A_553 = arith.constant 0 : i32
    %dma_wait3A_554 = tpu.memref_slice %arg6[%dma_wait3A_552, %dma_wait3A_553] : memref<256x128xf32, #tpu.memory_space<vmem>> -> memref<8x128xf32, #tpu.memory_space<vmem>>
    %dma_wait3A_555 = tpu.memref_slice %arg2[%multiple_of3A_208, %multiple_of3A] : memref<100000x1024xf32, #tpu.memory_space<hbm>> -> memref<8x128xf32, #tpu.memory_space<hbm>>
    tpu.wait_dma2 semaphore(%arg8 : memref<!tpu.dma_semaphore, #tpu.memory_space<semaphore_mem>>) src(%dma_wait3A_555 : memref<8x128xf32, #tpu.memory_space<hbm>>) dst(%dma_wait3A_554 : memref<8x128xf32, #tpu.memory_space<vmem>>)
    %dma_wait3A_556 = arith.constant 128 : i32
    %dma_wait3A_557 = arith.constant 0 : i32
    %dma_wait3A_558 = tpu.memref_slice %arg6[%dma_wait3A_556, %dma_wait3A_557] : memref<256x128xf32, #tpu.memory_space<vmem>> -> memref<8x128xf32, #tpu.memory_space<vmem>>
    %dma_wait3A_559 = tpu.memref_slice %arg2[%multiple_of3A_225, %multiple_of3A] : memref<100000x1024xf32, #tpu.memory_space<hbm>> -> memref<8x128xf32, #tpu.memory_space<hbm>>
    %dma_wait3A_560 = arith.constant 128 : i32
    %dma_wait3A_561 = arith.constant 0 : i32
    %dma_wait3A_562 = tpu.memref_slice %arg6[%dma_wait3A_560, %dma_wait3A_561] : memref<256x128xf32, #tpu.memory_space<vmem>> -> memref<8x128xf32, #tpu.memory_space<vmem>>
    %dma_wait3A_563 = tpu.memref_slice %arg2[%multiple_of3A_225, %multiple_of3A] : memref<100000x1024xf32, #tpu.memory_space<hbm>> -> memref<8x128xf32, #tpu.memory_space<hbm>>
    tpu.wait_dma2 semaphore(%arg8 : memref<!tpu.dma_semaphore, #tpu.memory_space<semaphore_mem>>) src(%dma_wait3A_563 : memref<8x128xf32, #tpu.memory_space<hbm>>) dst(%dma_wait3A_562 : memref<8x128xf32, #tpu.memory_space<vmem>>)
    %dma_wait3A_564 = arith.constant 136 : i32
    %dma_wait3A_565 = arith.constant 0 : i32
    %dma_wait3A_566 = tpu.memref_slice %arg6[%dma_wait3A_564, %dma_wait3A_565] : memref<256x128xf32, #tpu.memory_space<vmem>> -> memref<8x128xf32, #tpu.memory_space<vmem>>
    %dma_wait3A_567 = tpu.memref_slice %arg2[%multiple_of3A_238, %multiple_of3A] : memref<100000x1024xf32, #tpu.memory_space<hbm>> -> memref<8x128xf32, #tpu.memory_space<hbm>>
    %dma_wait3A_568 = arith.constant 136 : i32
    %dma_wait3A_569 = arith.constant 0 : i32
    %dma_wait3A_570 = tpu.memref_slice %arg6[%dma_wait3A_568, %dma_wait3A_569] : memref<256x128xf32, #tpu.memory_space<vmem>> -> memref<8x128xf32, #tpu.memory_space<vmem>>
    %dma_wait3A_571 = tpu.memref_slice %arg2[%multiple_of3A_238, %multiple_of3A] : memref<100000x1024xf32, #tpu.memory_space<hbm>> -> memref<8x128xf32, #tpu.memory_space<hbm>>
    tpu.wait_dma2 semaphore(%arg8 : memref<!tpu.dma_semaphore, #tpu.memory_space<semaphore_mem>>) src(%dma_wait3A_571 : memref<8x128xf32, #tpu.memory_space<hbm>>) dst(%dma_wait3A_570 : memref<8x128xf32, #tpu.memory_space<vmem>>)
    %dma_wait3A_572 = arith.constant 144 : i32
    %dma_wait3A_573 = arith.constant 0 : i32
    %dma_wait3A_574 = tpu.memref_slice %arg6[%dma_wait3A_572, %dma_wait3A_573] : memref<256x128xf32, #tpu.memory_space<vmem>> -> memref<8x128xf32, #tpu.memory_space<vmem>>
    %dma_wait3A_575 = tpu.memref_slice %arg2[%multiple_of3A_251, %multiple_of3A] : memref<100000x1024xf32, #tpu.memory_space<hbm>> -> memref<8x128xf32, #tpu.memory_space<hbm>>
    %dma_wait3A_576 = arith.constant 144 : i32
    %dma_wait3A_577 = arith.constant 0 : i32
    %dma_wait3A_578 = tpu.memref_slice %arg6[%dma_wait3A_576, %dma_wait3A_577] : memref<256x128xf32, #tpu.memory_space<vmem>> -> memref<8x128xf32, #tpu.memory_space<vmem>>
    %dma_wait3A_579 = tpu.memref_slice %arg2[%multiple_of3A_251, %multiple_of3A] : memref<100000x1024xf32, #tpu.memory_space<hbm>> -> memref<8x128xf32, #tpu.memory_space<hbm>>
    tpu.wait_dma2 semaphore(%arg8 : memref<!tpu.dma_semaphore, #tpu.memory_space<semaphore_mem>>) src(%dma_wait3A_579 : memref<8x128xf32, #tpu.memory_space<hbm>>) dst(%dma_wait3A_578 : memref<8x128xf32, #tpu.memory_space<vmem>>)
    %dma_wait3A_580 = arith.constant 152 : i32
    %dma_wait3A_581 = arith.constant 0 : i32
    %dma_wait3A_582 = tpu.memref_slice %arg6[%dma_wait3A_580, %dma_wait3A_581] : memref<256x128xf32, #tpu.memory_space<vmem>> -> memref<8x128xf32, #tpu.memory_space<vmem>>
    %dma_wait3A_583 = tpu.memref_slice %arg2[%multiple_of3A_264, %multiple_of3A] : memref<100000x1024xf32, #tpu.memory_space<hbm>> -> memref<8x128xf32, #tpu.memory_space<hbm>>
    %dma_wait3A_584 = arith.constant 152 : i32
    %dma_wait3A_585 = arith.constant 0 : i32
    %dma_wait3A_586 = tpu.memref_slice %arg6[%dma_wait3A_584, %dma_wait3A_585] : memref<256x128xf32, #tpu.memory_space<vmem>> -> memref<8x128xf32, #tpu.memory_space<vmem>>
    %dma_wait3A_587 = tpu.memref_slice %arg2[%multiple_of3A_264, %multiple_of3A] : memref<100000x1024xf32, #tpu.memory_space<hbm>> -> memref<8x128xf32, #tpu.memory_space<hbm>>
    tpu.wait_dma2 semaphore(%arg8 : memref<!tpu.dma_semaphore, #tpu.memory_space<semaphore_mem>>) src(%dma_wait3A_587 : memref<8x128xf32, #tpu.memory_space<hbm>>) dst(%dma_wait3A_586 : memref<8x128xf32, #tpu.memory_space<vmem>>)
    %dma_wait3A_588 = arith.constant 160 : i32
    %dma_wait3A_589 = arith.constant 0 : i32
    %dma_wait3A_590 = tpu.memref_slice %arg6[%dma_wait3A_588, %dma_wait3A_589] : memref<256x128xf32, #tpu.memory_space<vmem>> -> memref<8x128xf32, #tpu.memory_space<vmem>>
    %dma_wait3A_591 = tpu.memref_slice %arg2[%multiple_of3A_277, %multiple_of3A] : memref<100000x1024xf32, #tpu.memory_space<hbm>> -> memref<8x128xf32, #tpu.memory_space<hbm>>
    %dma_wait3A_592 = arith.constant 160 : i32
    %dma_wait3A_593 = arith.constant 0 : i32
    %dma_wait3A_594 = tpu.memref_slice %arg6[%dma_wait3A_592, %dma_wait3A_593] : memref<256x128xf32, #tpu.memory_space<vmem>> -> memref<8x128xf32, #tpu.memory_space<vmem>>
    %dma_wait3A_595 = tpu.memref_slice %arg2[%multiple_of3A_277, %multiple_of3A] : memref<100000x1024xf32, #tpu.memory_space<hbm>> -> memref<8x128xf32, #tpu.memory_space<hbm>>
    tpu.wait_dma2 semaphore(%arg8 : memref<!tpu.dma_semaphore, #tpu.memory_space<semaphore_mem>>) src(%dma_wait3A_595 : memref<8x128xf32, #tpu.memory_space<hbm>>) dst(%dma_wait3A_594 : memref<8x128xf32, #tpu.memory_space<vmem>>)
    %dma_wait3A_596 = arith.constant 168 : i32
    %dma_wait3A_597 = arith.constant 0 : i32
    %dma_wait3A_598 = tpu.memref_slice %arg6[%dma_wait3A_596, %dma_wait3A_597] : memref<256x128xf32, #tpu.memory_space<vmem>> -> memref<8x128xf32, #tpu.memory_space<vmem>>
    %dma_wait3A_599 = tpu.memref_slice %arg2[%multiple_of3A_290, %multiple_of3A] : memref<100000x1024xf32, #tpu.memory_space<hbm>> -> memref<8x128xf32, #tpu.memory_space<hbm>>
    %dma_wait3A_600 = arith.constant 168 : i32
    %dma_wait3A_601 = arith.constant 0 : i32
    %dma_wait3A_602 = tpu.memref_slice %arg6[%dma_wait3A_600, %dma_wait3A_601] : memref<256x128xf32, #tpu.memory_space<vmem>> -> memref<8x128xf32, #tpu.memory_space<vmem>>
    %dma_wait3A_603 = tpu.memref_slice %arg2[%multiple_of3A_290, %multiple_of3A] : memref<100000x1024xf32, #tpu.memory_space<hbm>> -> memref<8x128xf32, #tpu.memory_space<hbm>>
    tpu.wait_dma2 semaphore(%arg8 : memref<!tpu.dma_semaphore, #tpu.memory_space<semaphore_mem>>) src(%dma_wait3A_603 : memref<8x128xf32, #tpu.memory_space<hbm>>) dst(%dma_wait3A_602 : memref<8x128xf32, #tpu.memory_space<vmem>>)
    %dma_wait3A_604 = arith.constant 176 : i32
    %dma_wait3A_605 = arith.constant 0 : i32
    %dma_wait3A_606 = tpu.memref_slice %arg6[%dma_wait3A_604, %dma_wait3A_605] : memref<256x128xf32, #tpu.memory_space<vmem>> -> memref<8x128xf32, #tpu.memory_space<vmem>>
    %dma_wait3A_607 = tpu.memref_slice %arg2[%multiple_of3A_303, %multiple_of3A] : memref<100000x1024xf32, #tpu.memory_space<hbm>> -> memref<8x128xf32, #tpu.memory_space<hbm>>
    %dma_wait3A_608 = arith.constant 176 : i32
    %dma_wait3A_609 = arith.constant 0 : i32
    %dma_wait3A_610 = tpu.memref_slice %arg6[%dma_wait3A_608, %dma_wait3A_609] : memref<256x128xf32, #tpu.memory_space<vmem>> -> memref<8x128xf32, #tpu.memory_space<vmem>>
    %dma_wait3A_611 = tpu.memref_slice %arg2[%multiple_of3A_303, %multiple_of3A] : memref<100000x1024xf32, #tpu.memory_space<hbm>> -> memref<8x128xf32, #tpu.memory_space<hbm>>
    tpu.wait_dma2 semaphore(%arg8 : memref<!tpu.dma_semaphore, #tpu.memory_space<semaphore_mem>>) src(%dma_wait3A_611 : memref<8x128xf32, #tpu.memory_space<hbm>>) dst(%dma_wait3A_610 : memref<8x128xf32, #tpu.memory_space<vmem>>)
    %dma_wait3A_612 = arith.constant 184 : i32
    %dma_wait3A_613 = arith.constant 0 : i32
    %dma_wait3A_614 = tpu.memref_slice %arg6[%dma_wait3A_612, %dma_wait3A_613] : memref<256x128xf32, #tpu.memory_space<vmem>> -> memref<8x128xf32, #tpu.memory_space<vmem>>
    %dma_wait3A_615 = tpu.memref_slice %arg2[%multiple_of3A_316, %multiple_of3A] : memref<100000x1024xf32, #tpu.memory_space<hbm>> -> memref<8x128xf32, #tpu.memory_space<hbm>>
    %dma_wait3A_616 = arith.constant 184 : i32
    %dma_wait3A_617 = arith.constant 0 : i32
    %dma_wait3A_618 = tpu.memref_slice %arg6[%dma_wait3A_616, %dma_wait3A_617] : memref<256x128xf32, #tpu.memory_space<vmem>> -> memref<8x128xf32, #tpu.memory_space<vmem>>
    %dma_wait3A_619 = tpu.memref_slice %arg2[%multiple_of3A_316, %multiple_of3A] : memref<100000x1024xf32, #tpu.memory_space<hbm>> -> memref<8x128xf32, #tpu.memory_space<hbm>>
    tpu.wait_dma2 semaphore(%arg8 : memref<!tpu.dma_semaphore, #tpu.memory_space<semaphore_mem>>) src(%dma_wait3A_619 : memref<8x128xf32, #tpu.memory_space<hbm>>) dst(%dma_wait3A_618 : memref<8x128xf32, #tpu.memory_space<vmem>>)
    %dma_wait3A_620 = arith.constant 192 : i32
    %dma_wait3A_621 = arith.constant 0 : i32
    %dma_wait3A_622 = tpu.memref_slice %arg6[%dma_wait3A_620, %dma_wait3A_621] : memref<256x128xf32, #tpu.memory_space<vmem>> -> memref<8x128xf32, #tpu.memory_space<vmem>>
    %dma_wait3A_623 = tpu.memref_slice %arg2[%multiple_of3A_329, %multiple_of3A] : memref<100000x1024xf32, #tpu.memory_space<hbm>> -> memref<8x128xf32, #tpu.memory_space<hbm>>
    %dma_wait3A_624 = arith.constant 192 : i32
    %dma_wait3A_625 = arith.constant 0 : i32
    %dma_wait3A_626 = tpu.memref_slice %arg6[%dma_wait3A_624, %dma_wait3A_625] : memref<256x128xf32, #tpu.memory_space<vmem>> -> memref<8x128xf32, #tpu.memory_space<vmem>>
    %dma_wait3A_627 = tpu.memref_slice %arg2[%multiple_of3A_329, %multiple_of3A] : memref<100000x1024xf32, #tpu.memory_space<hbm>> -> memref<8x128xf32, #tpu.memory_space<hbm>>
    tpu.wait_dma2 semaphore(%arg8 : memref<!tpu.dma_semaphore, #tpu.memory_space<semaphore_mem>>) src(%dma_wait3A_627 : memref<8x128xf32, #tpu.memory_space<hbm>>) dst(%dma_wait3A_626 : memref<8x128xf32, #tpu.memory_space<vmem>>)
    %dma_wait3A_628 = arith.constant 200 : i32
    %dma_wait3A_629 = arith.constant 0 : i32
    %dma_wait3A_630 = tpu.memref_slice %arg6[%dma_wait3A_628, %dma_wait3A_629] : memref<256x128xf32, #tpu.memory_space<vmem>> -> memref<8x128xf32, #tpu.memory_space<vmem>>
    %dma_wait3A_631 = tpu.memref_slice %arg2[%multiple_of3A_342, %multiple_of3A] : memref<100000x1024xf32, #tpu.memory_space<hbm>> -> memref<8x128xf32, #tpu.memory_space<hbm>>
    %dma_wait3A_632 = arith.constant 200 : i32
    %dma_wait3A_633 = arith.constant 0 : i32
    %dma_wait3A_634 = tpu.memref_slice %arg6[%dma_wait3A_632, %dma_wait3A_633] : memref<256x128xf32, #tpu.memory_space<vmem>> -> memref<8x128xf32, #tpu.memory_space<vmem>>
    %dma_wait3A_635 = tpu.memref_slice %arg2[%multiple_of3A_342, %multiple_of3A] : memref<100000x1024xf32, #tpu.memory_space<hbm>> -> memref<8x128xf32, #tpu.memory_space<hbm>>
    tpu.wait_dma2 semaphore(%arg8 : memref<!tpu.dma_semaphore, #tpu.memory_space<semaphore_mem>>) src(%dma_wait3A_635 : memref<8x128xf32, #tpu.memory_space<hbm>>) dst(%dma_wait3A_634 : memref<8x128xf32, #tpu.memory_space<vmem>>)
    %dma_wait3A_636 = arith.constant 208 : i32
    %dma_wait3A_637 = arith.constant 0 : i32
    %dma_wait3A_638 = tpu.memref_slice %arg6[%dma_wait3A_636, %dma_wait3A_637] : memref<256x128xf32, #tpu.memory_space<vmem>> -> memref<8x128xf32, #tpu.memory_space<vmem>>
    %dma_wait3A_639 = tpu.memref_slice %arg2[%multiple_of3A_355, %multiple_of3A] : memref<100000x1024xf32, #tpu.memory_space<hbm>> -> memref<8x128xf32, #tpu.memory_space<hbm>>
    %dma_wait3A_640 = arith.constant 208 : i32
    %dma_wait3A_641 = arith.constant 0 : i32
    %dma_wait3A_642 = tpu.memref_slice %arg6[%dma_wait3A_640, %dma_wait3A_641] : memref<256x128xf32, #tpu.memory_space<vmem>> -> memref<8x128xf32, #tpu.memory_space<vmem>>
    %dma_wait3A_643 = tpu.memref_slice %arg2[%multiple_of3A_355, %multiple_of3A] : memref<100000x1024xf32, #tpu.memory_space<hbm>> -> memref<8x128xf32, #tpu.memory_space<hbm>>
    tpu.wait_dma2 semaphore(%arg8 : memref<!tpu.dma_semaphore, #tpu.memory_space<semaphore_mem>>) src(%dma_wait3A_643 : memref<8x128xf32, #tpu.memory_space<hbm>>) dst(%dma_wait3A_642 : memref<8x128xf32, #tpu.memory_space<vmem>>)
    %dma_wait3A_644 = arith.constant 216 : i32
    %dma_wait3A_645 = arith.constant 0 : i32
    %dma_wait3A_646 = tpu.memref_slice %arg6[%dma_wait3A_644, %dma_wait3A_645] : memref<256x128xf32, #tpu.memory_space<vmem>> -> memref<8x128xf32, #tpu.memory_space<vmem>>
    %dma_wait3A_647 = tpu.memref_slice %arg2[%multiple_of3A_368, %multiple_of3A] : memref<100000x1024xf32, #tpu.memory_space<hbm>> -> memref<8x128xf32, #tpu.memory_space<hbm>>
    %dma_wait3A_648 = arith.constant 216 : i32
    %dma_wait3A_649 = arith.constant 0 : i32
    %dma_wait3A_650 = tpu.memref_slice %arg6[%dma_wait3A_648, %dma_wait3A_649] : memref<256x128xf32, #tpu.memory_space<vmem>> -> memref<8x128xf32, #tpu.memory_space<vmem>>
    %dma_wait3A_651 = tpu.memref_slice %arg2[%multiple_of3A_368, %multiple_of3A] : memref<100000x1024xf32, #tpu.memory_space<hbm>> -> memref<8x128xf32, #tpu.memory_space<hbm>>
    tpu.wait_dma2 semaphore(%arg8 : memref<!tpu.dma_semaphore, #tpu.memory_space<semaphore_mem>>) src(%dma_wait3A_651 : memref<8x128xf32, #tpu.memory_space<hbm>>) dst(%dma_wait3A_650 : memref<8x128xf32, #tpu.memory_space<vmem>>)
    %dma_wait3A_652 = arith.constant 224 : i32
    %dma_wait3A_653 = arith.constant 0 : i32
    %dma_wait3A_654 = tpu.memref_slice %arg6[%dma_wait3A_652, %dma_wait3A_653] : memref<256x128xf32, #tpu.memory_space<vmem>> -> memref<8x128xf32, #tpu.memory_space<vmem>>
    %dma_wait3A_655 = tpu.memref_slice %arg2[%multiple_of3A_381, %multiple_of3A] : memref<100000x1024xf32, #tpu.memory_space<hbm>> -> memref<8x128xf32, #tpu.memory_space<hbm>>
    %dma_wait3A_656 = arith.constant 224 : i32
    %dma_wait3A_657 = arith.constant 0 : i32
    %dma_wait3A_658 = tpu.memref_slice %arg6[%dma_wait3A_656, %dma_wait3A_657] : memref<256x128xf32, #tpu.memory_space<vmem>> -> memref<8x128xf32, #tpu.memory_space<vmem>>
    %dma_wait3A_659 = tpu.memref_slice %arg2[%multiple_of3A_381, %multiple_of3A] : memref<100000x1024xf32, #tpu.memory_space<hbm>> -> memref<8x128xf32, #tpu.memory_space<hbm>>
    tpu.wait_dma2 semaphore(%arg8 : memref<!tpu.dma_semaphore, #tpu.memory_space<semaphore_mem>>) src(%dma_wait3A_659 : memref<8x128xf32, #tpu.memory_space<hbm>>) dst(%dma_wait3A_658 : memref<8x128xf32, #tpu.memory_space<vmem>>)
    %dma_wait3A_660 = arith.constant 232 : i32
    %dma_wait3A_661 = arith.constant 0 : i32
    %dma_wait3A_662 = tpu.memref_slice %arg6[%dma_wait3A_660, %dma_wait3A_661] : memref<256x128xf32, #tpu.memory_space<vmem>> -> memref<8x128xf32, #tpu.memory_space<vmem>>
    %dma_wait3A_663 = tpu.memref_slice %arg2[%multiple_of3A_394, %multiple_of3A] : memref<100000x1024xf32, #tpu.memory_space<hbm>> -> memref<8x128xf32, #tpu.memory_space<hbm>>
    %dma_wait3A_664 = arith.constant 232 : i32
    %dma_wait3A_665 = arith.constant 0 : i32
    %dma_wait3A_666 = tpu.memref_slice %arg6[%dma_wait3A_664, %dma_wait3A_665] : memref<256x128xf32, #tpu.memory_space<vmem>> -> memref<8x128xf32, #tpu.memory_space<vmem>>
    %dma_wait3A_667 = tpu.memref_slice %arg2[%multiple_of3A_394, %multiple_of3A] : memref<100000x1024xf32, #tpu.memory_space<hbm>> -> memref<8x128xf32, #tpu.memory_space<hbm>>
    tpu.wait_dma2 semaphore(%arg8 : memref<!tpu.dma_semaphore, #tpu.memory_space<semaphore_mem>>) src(%dma_wait3A_667 : memref<8x128xf32, #tpu.memory_space<hbm>>) dst(%dma_wait3A_666 : memref<8x128xf32, #tpu.memory_space<vmem>>)
    %dma_wait3A_668 = arith.constant 240 : i32
    %dma_wait3A_669 = arith.constant 0 : i32
    %dma_wait3A_670 = tpu.memref_slice %arg6[%dma_wait3A_668, %dma_wait3A_669] : memref<256x128xf32, #tpu.memory_space<vmem>> -> memref<8x128xf32, #tpu.memory_space<vmem>>
    %dma_wait3A_671 = tpu.memref_slice %arg2[%multiple_of3A_407, %multiple_of3A] : memref<100000x1024xf32, #tpu.memory_space<hbm>> -> memref<8x128xf32, #tpu.memory_space<hbm>>
    %dma_wait3A_672 = arith.constant 240 : i32
    %dma_wait3A_673 = arith.constant 0 : i32
    %dma_wait3A_674 = tpu.memref_slice %arg6[%dma_wait3A_672, %dma_wait3A_673] : memref<256x128xf32, #tpu.memory_space<vmem>> -> memref<8x128xf32, #tpu.memory_space<vmem>>
    %dma_wait3A_675 = tpu.memref_slice %arg2[%multiple_of3A_407, %multiple_of3A] : memref<100000x1024xf32, #tpu.memory_space<hbm>> -> memref<8x128xf32, #tpu.memory_space<hbm>>
    tpu.wait_dma2 semaphore(%arg8 : memref<!tpu.dma_semaphore, #tpu.memory_space<semaphore_mem>>) src(%dma_wait3A_675 : memref<8x128xf32, #tpu.memory_space<hbm>>) dst(%dma_wait3A_674 : memref<8x128xf32, #tpu.memory_space<vmem>>)
    %dma_wait3A_676 = arith.constant 248 : i32
    %dma_wait3A_677 = arith.constant 0 : i32
    %dma_wait3A_678 = tpu.memref_slice %arg6[%dma_wait3A_676, %dma_wait3A_677] : memref<256x128xf32, #tpu.memory_space<vmem>> -> memref<8x128xf32, #tpu.memory_space<vmem>>
    %dma_wait3A_679 = tpu.memref_slice %arg2[%multiple_of3A_420, %multiple_of3A] : memref<100000x1024xf32, #tpu.memory_space<hbm>> -> memref<8x128xf32, #tpu.memory_space<hbm>>
    %dma_wait3A_680 = arith.constant 248 : i32
    %dma_wait3A_681 = arith.constant 0 : i32
    %dma_wait3A_682 = tpu.memref_slice %arg6[%dma_wait3A_680, %dma_wait3A_681] : memref<256x128xf32, #tpu.memory_space<vmem>> -> memref<8x128xf32, #tpu.memory_space<vmem>>
    %dma_wait3A_683 = tpu.memref_slice %arg2[%multiple_of3A_420, %multiple_of3A] : memref<100000x1024xf32, #tpu.memory_space<hbm>> -> memref<8x128xf32, #tpu.memory_space<hbm>>
    tpu.wait_dma2 semaphore(%arg8 : memref<!tpu.dma_semaphore, #tpu.memory_space<semaphore_mem>>) src(%dma_wait3A_683 : memref<8x128xf32, #tpu.memory_space<hbm>>) dst(%dma_wait3A_682 : memref<8x128xf32, #tpu.memory_space<vmem>>)
    %add3A_684 = arith.constant 0 : i32
    %add3A_685 = arith.addi %mul3A_2, %add3A_684 : i32
    %get3A_686 = arith.index_cast %add3A_685 : i32 to index
    %get3A_687 = tpu.vector_load %arg5[%get3A_686] {strides = array<i32>} : memref<1024xi32, #tpu.memory_space<vmem>>, vector<16xi32>,
    %add3A_688 = arith.constant 0 : i32
    %add3A_689 = vector.broadcast %add3A_688 : i32 to vector<16xi32>
    %add3A_690 = arith.addi %iota3A, %add3A_689 : vector<16xi32>
    %mul3A_691 = arith.constant 8 : i32
    %mul3A_692 = vector.broadcast %mul3A_691 : i32 to vector<16xi32>
    %mul3A_693 = arith.muli %add3A_690, %mul3A_692 : vector<16xi32>
    %and3A_694 = arith.constant 7 : i32
    %and3A_695 = vector.broadcast %and3A_694 : i32 to vector<16xi32>
    %and3A_696 = arith.andi %get3A_687, %and3A_695 : vector<16xi32>
    %add3A_697 = arith.addi %mul3A_693, %and3A_696 : vector<16xi32>
    %add3A_698 = arith.constant 0 : i32
    %add3A_699 = arith.addi %mul3A_8, %add3A_698 : i32
    %add3A_700 = vector.broadcast %add3A_699 : i32 to vector<16xi32>
    %add3A_701 = arith.addi %add3A_700, %iota3A : vector<16xi32>
    %gather3A = tpu.vector_load_idx %arg6[%add3A_697, %add3A_701] : memref<256x128xf32, #tpu.memory_space<vmem>>[vector<16xi32>, vector<16xi32>], vector<16xf32>,
    %ne3A = arith.constant 0 : i32
    %ne3A_702 = vector.broadcast %ne3A : i32 to vector<16xi32>
    %ne3A_703 = arith.cmpi ne, %get3A_687, %ne3A_702 : vector<16xi32>
    %jit3A = arith.constant 0.000000e+00 : f32
    %broadcast_in_dim3A = vector.broadcast %jit3A : f32 to vector<16xf32>
    %select_n3A = arith.select %ne3A_703, %gather3A, %broadcast_in_dim3A : vector<16xi1>, vector<16xf32>
    %swap3A = arith.constant 0 : index
    %swap3A_704 = tpu.vector_load %arg7[%swap3A] {strides = array<i32>} : memref<32xf32, #tpu.memory_space<vmem>>, vector<16xf32>,
    tpu.vector_store %arg7[%swap3A], %select_n3A {strides = array<i32>} : memref<32xf32, #tpu.memory_space<vmem>>, vector<16xf32>,
    %add3A_705 = arith.constant 16 : i32
    %add3A_706 = arith.addi %mul3A_2, %add3A_705 : i32
    %get3A_707 = arith.index_cast %add3A_706 : i32 to index
    %get3A_708 = tpu.vector_load %arg5[%get3A_707] {strides = array<i32>} : memref<1024xi32, #tpu.memory_space<vmem>>, vector<16xi32>,
    %add3A_709 = arith.constant 16 : i32
    %add3A_710 = vector.broadcast %add3A_709 : i32 to vector<16xi32>
    %add3A_711 = arith.addi %iota3A, %add3A_710 : vector<16xi32>
    %mul3A_712 = arith.constant 8 : i32
    %mul3A_713 = vector.broadcast %mul3A_712 : i32 to vector<16xi32>
    %mul3A_714 = arith.muli %add3A_711, %mul3A_713 : vector<16xi32>
    %and3A_715 = arith.constant 7 : i32
    %and3A_716 = vector.broadcast %and3A_715 : i32 to vector<16xi32>
    %and3A_717 = arith.andi %get3A_708, %and3A_716 : vector<16xi32>
    %add3A_718 = arith.addi %mul3A_714, %and3A_717 : vector<16xi32>
    %add3A_719 = arith.constant 16 : i32
    %add3A_720 = arith.addi %mul3A_8, %add3A_719 : i32
    %add3A_721 = vector.broadcast %add3A_720 : i32 to vector<16xi32>
    %add3A_722 = arith.addi %add3A_721, %iota3A : vector<16xi32>
    %gather3A_723 = tpu.vector_load_idx %arg6[%add3A_718, %add3A_722] : memref<256x128xf32, #tpu.memory_space<vmem>>[vector<16xi32>, vector<16xi32>], vector<16xf32>,
    %ne3A_724 = arith.constant 0 : i32
    %ne3A_725 = vector.broadcast %ne3A_724 : i32 to vector<16xi32>
    %ne3A_726 = arith.cmpi ne, %get3A_708, %ne3A_725 : vector<16xi32>
    %jit3A_727 = arith.constant 0.000000e+00 : f32
    %broadcast_in_dim3A_728 = vector.broadcast %jit3A_727 : f32 to vector<16xf32>
    %select_n3A_729 = arith.select %ne3A_726, %gather3A_723, %broadcast_in_dim3A_728 : vector<16xi1>, vector<16xf32>
    %swap3A_730 = arith.constant 16 : index
    %swap3A_731 = tpu.vector_load %arg7[%swap3A_730] {strides = array<i32>} : memref<32xf32, #tpu.memory_space<vmem>>, vector<16xf32>,
    tpu.vector_store %arg7[%swap3A_730], %select_n3A_729 {strides = array<i32>} : memref<32xf32, #tpu.memory_space<vmem>>, vector<16xf32>,
    "tpu.region"() ({
      %run_scoped3A = tpu.sem_alloc : memref<!tpu.dma_semaphore, #tpu.memory_space<semaphore_mem>>
      %dma_start3A_732 = tpu.memref_slice %arg4[%mul3A_2] : memref<1024xf32, #tpu.memory_space<hbm>> -> memref<32xf32, #tpu.memory_space<hbm>>
      %dma_start3A_733 = tpu.memref_slice %arg4[%mul3A_2] : memref<1024xf32, #tpu.memory_space<hbm>> -> memref<32xf32, #tpu.memory_space<hbm>>
      tpu.enqueue_dma source(%arg7 : memref<32xf32, #tpu.memory_space<vmem>>) target(%dma_start3A_733 : memref<32xf32, #tpu.memory_space<hbm>>) target_semaphore(%run_scoped3A : memref<!tpu.dma_semaphore, #tpu.memory_space<semaphore_mem>>)
      %dma_wait3A_734 = tpu.memref_slice %arg4[%mul3A_2] : memref<1024xf32, #tpu.memory_space<hbm>> -> memref<32xf32, #tpu.memory_space<hbm>>
      %dma_wait3A_735 = tpu.memref_slice %arg4[%mul3A_2] : memref<1024xf32, #tpu.memory_space<hbm>> -> memref<32xf32, #tpu.memory_space<hbm>>
      tpu.wait_dma2 semaphore(%run_scoped3A : memref<!tpu.dma_semaphore, #tpu.memory_space<semaphore_mem>>) src(%arg7 : memref<32xf32, #tpu.memory_space<vmem>>) dst(%dma_wait3A_735 : memref<32xf32, #tpu.memory_space<hbm>>)
      tpu.yield
    }) : () -> ()
    return
  }
}

module attributes {stable_mosaic.version = 14 : i64} {
  func.func @_loss_body(%arg0: i32, %arg1: memref<4000x1024xf32, #tpu.memory_space<vmem>>, %arg2: memref<1x1024xi32, #tpu.memory_space<vmem>>, %arg3: memref<1x1xf32, #tpu.memory_space<smem>>, %arg4: memref<8x1024xf32, #tpu.memory_space<vmem>>) attributes {dimension_semantics = [#tpu.dimension_semantics<arbitrary>], iteration_bounds = array<i64: 25>, scalar_prefetch = 0 : i64, scratch_operands = 1 : i64, tpu.core_type = #tpu.core_type<tc>, window_params = [{transform_indices = @transform_0, window_bounds = array<i64: 4000, 1024>}, {pipeline_mode = #tpu.pipeline_mode<synchronous>, transform_indices = @transform_1, window_bounds = array<i64: 1, 1024>}, {transform_indices = @transform_2, window_bounds = array<i64: 1, 1>}]} {
    %get3A = arith.constant 0 : index
    %get3A_0 = arith.constant 0 : index
    %get3A_1 = vector.load %arg1[%get3A, %get3A_0] : memref<4000x1024xf32, #tpu.memory_space<vmem>>, vector<4000x1024xf32>
    %slice3A = vector.extract_strided_slice %get3A_1 {offsets = [0, 0], sizes = [8, 1024], strides = [1, 1]} : vector<4000x1024xf32> to vector<8x1024xf32>
    %slice3A_2 = vector.extract_strided_slice %get3A_1 {offsets = [8, 0], sizes = [8, 1024], strides = [1, 1]} : vector<4000x1024xf32> to vector<8x1024xf32>
    %add3A = arith.addf %slice3A, %slice3A_2 : vector<8x1024xf32>
    %slice3A_3 = vector.extract_strided_slice %get3A_1 {offsets = [16, 0], sizes = [8, 1024], strides = [1, 1]} : vector<4000x1024xf32> to vector<8x1024xf32>
    %add3A_4 = arith.addf %add3A, %slice3A_3 : vector<8x1024xf32>
    %slice3A_5 = vector.extract_strided_slice %get3A_1 {offsets = [24, 0], sizes = [8, 1024], strides = [1, 1]} : vector<4000x1024xf32> to vector<8x1024xf32>
    %add3A_6 = arith.addf %add3A_4, %slice3A_5 : vector<8x1024xf32>
    %slice3A_7 = vector.extract_strided_slice %get3A_1 {offsets = [32, 0], sizes = [8, 1024], strides = [1, 1]} : vector<4000x1024xf32> to vector<8x1024xf32>
    %add3A_8 = arith.addf %add3A_6, %slice3A_7 : vector<8x1024xf32>
    %slice3A_9 = vector.extract_strided_slice %get3A_1 {offsets = [40, 0], sizes = [8, 1024], strides = [1, 1]} : vector<4000x1024xf32> to vector<8x1024xf32>
    %add3A_10 = arith.addf %add3A_8, %slice3A_9 : vector<8x1024xf32>
    %slice3A_11 = vector.extract_strided_slice %get3A_1 {offsets = [48, 0], sizes = [8, 1024], strides = [1, 1]} : vector<4000x1024xf32> to vector<8x1024xf32>
    %add3A_12 = arith.addf %add3A_10, %slice3A_11 : vector<8x1024xf32>
    %slice3A_13 = vector.extract_strided_slice %get3A_1 {offsets = [56, 0], sizes = [8, 1024], strides = [1, 1]} : vector<4000x1024xf32> to vector<8x1024xf32>
    %add3A_14 = arith.addf %add3A_12, %slice3A_13 : vector<8x1024xf32>
    %slice3A_15 = vector.extract_strided_slice %get3A_1 {offsets = [64, 0], sizes = [8, 1024], strides = [1, 1]} : vector<4000x1024xf32> to vector<8x1024xf32>
    %add3A_16 = arith.addf %add3A_14, %slice3A_15 : vector<8x1024xf32>
    %slice3A_17 = vector.extract_strided_slice %get3A_1 {offsets = [72, 0], sizes = [8, 1024], strides = [1, 1]} : vector<4000x1024xf32> to vector<8x1024xf32>
    %add3A_18 = arith.addf %add3A_16, %slice3A_17 : vector<8x1024xf32>
    %slice3A_19 = vector.extract_strided_slice %get3A_1 {offsets = [80, 0], sizes = [8, 1024], strides = [1, 1]} : vector<4000x1024xf32> to vector<8x1024xf32>
    %add3A_20 = arith.addf %add3A_18, %slice3A_19 : vector<8x1024xf32>
    %slice3A_21 = vector.extract_strided_slice %get3A_1 {offsets = [88, 0], sizes = [8, 1024], strides = [1, 1]} : vector<4000x1024xf32> to vector<8x1024xf32>
    %add3A_22 = arith.addf %add3A_20, %slice3A_21 : vector<8x1024xf32>
    %slice3A_23 = vector.extract_strided_slice %get3A_1 {offsets = [96, 0], sizes = [8, 1024], strides = [1, 1]} : vector<4000x1024xf32> to vector<8x1024xf32>
    %add3A_24 = arith.addf %add3A_22, %slice3A_23 : vector<8x1024xf32>
    %slice3A_25 = vector.extract_strided_slice %get3A_1 {offsets = [104, 0], sizes = [8, 1024], strides = [1, 1]} : vector<4000x1024xf32> to vector<8x1024xf32>
    %add3A_26 = arith.addf %add3A_24, %slice3A_25 : vector<8x1024xf32>
    %slice3A_27 = vector.extract_strided_slice %get3A_1 {offsets = [112, 0], sizes = [8, 1024], strides = [1, 1]} : vector<4000x1024xf32> to vector<8x1024xf32>
    %add3A_28 = arith.addf %add3A_26, %slice3A_27 : vector<8x1024xf32>
    %slice3A_29 = vector.extract_strided_slice %get3A_1 {offsets = [120, 0], sizes = [8, 1024], strides = [1, 1]} : vector<4000x1024xf32> to vector<8x1024xf32>
    %add3A_30 = arith.addf %add3A_28, %slice3A_29 : vector<8x1024xf32>
    %slice3A_31 = vector.extract_strided_slice %get3A_1 {offsets = [128, 0], sizes = [8, 1024], strides = [1, 1]} : vector<4000x1024xf32> to vector<8x1024xf32>
    %add3A_32 = arith.addf %add3A_30, %slice3A_31 : vector<8x1024xf32>
    %slice3A_33 = vector.extract_strided_slice %get3A_1 {offsets = [136, 0], sizes = [8, 1024], strides = [1, 1]} : vector<4000x1024xf32> to vector<8x1024xf32>
    %add3A_34 = arith.addf %add3A_32, %slice3A_33 : vector<8x1024xf32>
    %slice3A_35 = vector.extract_strided_slice %get3A_1 {offsets = [144, 0], sizes = [8, 1024], strides = [1, 1]} : vector<4000x1024xf32> to vector<8x1024xf32>
    %add3A_36 = arith.addf %add3A_34, %slice3A_35 : vector<8x1024xf32>
    %slice3A_37 = vector.extract_strided_slice %get3A_1 {offsets = [152, 0], sizes = [8, 1024], strides = [1, 1]} : vector<4000x1024xf32> to vector<8x1024xf32>
    %add3A_38 = arith.addf %add3A_36, %slice3A_37 : vector<8x1024xf32>
    %slice3A_39 = vector.extract_strided_slice %get3A_1 {offsets = [160, 0], sizes = [8, 1024], strides = [1, 1]} : vector<4000x1024xf32> to vector<8x1024xf32>
    %add3A_40 = arith.addf %add3A_38, %slice3A_39 : vector<8x1024xf32>
    %slice3A_41 = vector.extract_strided_slice %get3A_1 {offsets = [168, 0], sizes = [8, 1024], strides = [1, 1]} : vector<4000x1024xf32> to vector<8x1024xf32>
    %add3A_42 = arith.addf %add3A_40, %slice3A_41 : vector<8x1024xf32>
    %slice3A_43 = vector.extract_strided_slice %get3A_1 {offsets = [176, 0], sizes = [8, 1024], strides = [1, 1]} : vector<4000x1024xf32> to vector<8x1024xf32>
    %add3A_44 = arith.addf %add3A_42, %slice3A_43 : vector<8x1024xf32>
    %slice3A_45 = vector.extract_strided_slice %get3A_1 {offsets = [184, 0], sizes = [8, 1024], strides = [1, 1]} : vector<4000x1024xf32> to vector<8x1024xf32>
    %add3A_46 = arith.addf %add3A_44, %slice3A_45 : vector<8x1024xf32>
    %slice3A_47 = vector.extract_strided_slice %get3A_1 {offsets = [192, 0], sizes = [8, 1024], strides = [1, 1]} : vector<4000x1024xf32> to vector<8x1024xf32>
    %add3A_48 = arith.addf %add3A_46, %slice3A_47 : vector<8x1024xf32>
    %slice3A_49 = vector.extract_strided_slice %get3A_1 {offsets = [200, 0], sizes = [8, 1024], strides = [1, 1]} : vector<4000x1024xf32> to vector<8x1024xf32>
    %add3A_50 = arith.addf %add3A_48, %slice3A_49 : vector<8x1024xf32>
    %slice3A_51 = vector.extract_strided_slice %get3A_1 {offsets = [208, 0], sizes = [8, 1024], strides = [1, 1]} : vector<4000x1024xf32> to vector<8x1024xf32>
    %add3A_52 = arith.addf %add3A_50, %slice3A_51 : vector<8x1024xf32>
    %slice3A_53 = vector.extract_strided_slice %get3A_1 {offsets = [216, 0], sizes = [8, 1024], strides = [1, 1]} : vector<4000x1024xf32> to vector<8x1024xf32>
    %add3A_54 = arith.addf %add3A_52, %slice3A_53 : vector<8x1024xf32>
    %slice3A_55 = vector.extract_strided_slice %get3A_1 {offsets = [224, 0], sizes = [8, 1024], strides = [1, 1]} : vector<4000x1024xf32> to vector<8x1024xf32>
    %add3A_56 = arith.addf %add3A_54, %slice3A_55 : vector<8x1024xf32>
    %slice3A_57 = vector.extract_strided_slice %get3A_1 {offsets = [232, 0], sizes = [8, 1024], strides = [1, 1]} : vector<4000x1024xf32> to vector<8x1024xf32>
    %add3A_58 = arith.addf %add3A_56, %slice3A_57 : vector<8x1024xf32>
    %slice3A_59 = vector.extract_strided_slice %get3A_1 {offsets = [240, 0], sizes = [8, 1024], strides = [1, 1]} : vector<4000x1024xf32> to vector<8x1024xf32>
    %add3A_60 = arith.addf %add3A_58, %slice3A_59 : vector<8x1024xf32>
    %slice3A_61 = vector.extract_strided_slice %get3A_1 {offsets = [248, 0], sizes = [8, 1024], strides = [1, 1]} : vector<4000x1024xf32> to vector<8x1024xf32>
    %add3A_62 = arith.addf %add3A_60, %slice3A_61 : vector<8x1024xf32>
    %slice3A_63 = vector.extract_strided_slice %get3A_1 {offsets = [256, 0], sizes = [8, 1024], strides = [1, 1]} : vector<4000x1024xf32> to vector<8x1024xf32>
    %add3A_64 = arith.addf %add3A_62, %slice3A_63 : vector<8x1024xf32>
    %slice3A_65 = vector.extract_strided_slice %get3A_1 {offsets = [264, 0], sizes = [8, 1024], strides = [1, 1]} : vector<4000x1024xf32> to vector<8x1024xf32>
    %add3A_66 = arith.addf %add3A_64, %slice3A_65 : vector<8x1024xf32>
    %slice3A_67 = vector.extract_strided_slice %get3A_1 {offsets = [272, 0], sizes = [8, 1024], strides = [1, 1]} : vector<4000x1024xf32> to vector<8x1024xf32>
    %add3A_68 = arith.addf %add3A_66, %slice3A_67 : vector<8x1024xf32>
    %slice3A_69 = vector.extract_strided_slice %get3A_1 {offsets = [280, 0], sizes = [8, 1024], strides = [1, 1]} : vector<4000x1024xf32> to vector<8x1024xf32>
    %add3A_70 = arith.addf %add3A_68, %slice3A_69 : vector<8x1024xf32>
    %slice3A_71 = vector.extract_strided_slice %get3A_1 {offsets = [288, 0], sizes = [8, 1024], strides = [1, 1]} : vector<4000x1024xf32> to vector<8x1024xf32>
    %add3A_72 = arith.addf %add3A_70, %slice3A_71 : vector<8x1024xf32>
    %slice3A_73 = vector.extract_strided_slice %get3A_1 {offsets = [296, 0], sizes = [8, 1024], strides = [1, 1]} : vector<4000x1024xf32> to vector<8x1024xf32>
    %add3A_74 = arith.addf %add3A_72, %slice3A_73 : vector<8x1024xf32>
    %slice3A_75 = vector.extract_strided_slice %get3A_1 {offsets = [304, 0], sizes = [8, 1024], strides = [1, 1]} : vector<4000x1024xf32> to vector<8x1024xf32>
    %add3A_76 = arith.addf %add3A_74, %slice3A_75 : vector<8x1024xf32>
    %slice3A_77 = vector.extract_strided_slice %get3A_1 {offsets = [312, 0], sizes = [8, 1024], strides = [1, 1]} : vector<4000x1024xf32> to vector<8x1024xf32>
    %add3A_78 = arith.addf %add3A_76, %slice3A_77 : vector<8x1024xf32>
    %slice3A_79 = vector.extract_strided_slice %get3A_1 {offsets = [320, 0], sizes = [8, 1024], strides = [1, 1]} : vector<4000x1024xf32> to vector<8x1024xf32>
    %add3A_80 = arith.addf %add3A_78, %slice3A_79 : vector<8x1024xf32>
    %slice3A_81 = vector.extract_strided_slice %get3A_1 {offsets = [328, 0], sizes = [8, 1024], strides = [1, 1]} : vector<4000x1024xf32> to vector<8x1024xf32>
    %add3A_82 = arith.addf %add3A_80, %slice3A_81 : vector<8x1024xf32>
    %slice3A_83 = vector.extract_strided_slice %get3A_1 {offsets = [336, 0], sizes = [8, 1024], strides = [1, 1]} : vector<4000x1024xf32> to vector<8x1024xf32>
    %add3A_84 = arith.addf %add3A_82, %slice3A_83 : vector<8x1024xf32>
    %slice3A_85 = vector.extract_strided_slice %get3A_1 {offsets = [344, 0], sizes = [8, 1024], strides = [1, 1]} : vector<4000x1024xf32> to vector<8x1024xf32>
    %add3A_86 = arith.addf %add3A_84, %slice3A_85 : vector<8x1024xf32>
    %slice3A_87 = vector.extract_strided_slice %get3A_1 {offsets = [352, 0], sizes = [8, 1024], strides = [1, 1]} : vector<4000x1024xf32> to vector<8x1024xf32>
    %add3A_88 = arith.addf %add3A_86, %slice3A_87 : vector<8x1024xf32>
    %slice3A_89 = vector.extract_strided_slice %get3A_1 {offsets = [360, 0], sizes = [8, 1024], strides = [1, 1]} : vector<4000x1024xf32> to vector<8x1024xf32>
    %add3A_90 = arith.addf %add3A_88, %slice3A_89 : vector<8x1024xf32>
    %slice3A_91 = vector.extract_strided_slice %get3A_1 {offsets = [368, 0], sizes = [8, 1024], strides = [1, 1]} : vector<4000x1024xf32> to vector<8x1024xf32>
    %add3A_92 = arith.addf %add3A_90, %slice3A_91 : vector<8x1024xf32>
    %slice3A_93 = vector.extract_strided_slice %get3A_1 {offsets = [376, 0], sizes = [8, 1024], strides = [1, 1]} : vector<4000x1024xf32> to vector<8x1024xf32>
    %add3A_94 = arith.addf %add3A_92, %slice3A_93 : vector<8x1024xf32>
    %slice3A_95 = vector.extract_strided_slice %get3A_1 {offsets = [384, 0], sizes = [8, 1024], strides = [1, 1]} : vector<4000x1024xf32> to vector<8x1024xf32>
    %add3A_96 = arith.addf %add3A_94, %slice3A_95 : vector<8x1024xf32>
    %slice3A_97 = vector.extract_strided_slice %get3A_1 {offsets = [392, 0], sizes = [8, 1024], strides = [1, 1]} : vector<4000x1024xf32> to vector<8x1024xf32>
    %add3A_98 = arith.addf %add3A_96, %slice3A_97 : vector<8x1024xf32>
    %slice3A_99 = vector.extract_strided_slice %get3A_1 {offsets = [400, 0], sizes = [8, 1024], strides = [1, 1]} : vector<4000x1024xf32> to vector<8x1024xf32>
    %add3A_100 = arith.addf %add3A_98, %slice3A_99 : vector<8x1024xf32>
    %slice3A_101 = vector.extract_strided_slice %get3A_1 {offsets = [408, 0], sizes = [8, 1024], strides = [1, 1]} : vector<4000x1024xf32> to vector<8x1024xf32>
    %add3A_102 = arith.addf %add3A_100, %slice3A_101 : vector<8x1024xf32>
    %slice3A_103 = vector.extract_strided_slice %get3A_1 {offsets = [416, 0], sizes = [8, 1024], strides = [1, 1]} : vector<4000x1024xf32> to vector<8x1024xf32>
    %add3A_104 = arith.addf %add3A_102, %slice3A_103 : vector<8x1024xf32>
    %slice3A_105 = vector.extract_strided_slice %get3A_1 {offsets = [424, 0], sizes = [8, 1024], strides = [1, 1]} : vector<4000x1024xf32> to vector<8x1024xf32>
    %add3A_106 = arith.addf %add3A_104, %slice3A_105 : vector<8x1024xf32>
    %slice3A_107 = vector.extract_strided_slice %get3A_1 {offsets = [432, 0], sizes = [8, 1024], strides = [1, 1]} : vector<4000x1024xf32> to vector<8x1024xf32>
    %add3A_108 = arith.addf %add3A_106, %slice3A_107 : vector<8x1024xf32>
    %slice3A_109 = vector.extract_strided_slice %get3A_1 {offsets = [440, 0], sizes = [8, 1024], strides = [1, 1]} : vector<4000x1024xf32> to vector<8x1024xf32>
    %add3A_110 = arith.addf %add3A_108, %slice3A_109 : vector<8x1024xf32>
    %slice3A_111 = vector.extract_strided_slice %get3A_1 {offsets = [448, 0], sizes = [8, 1024], strides = [1, 1]} : vector<4000x1024xf32> to vector<8x1024xf32>
    %add3A_112 = arith.addf %add3A_110, %slice3A_111 : vector<8x1024xf32>
    %slice3A_113 = vector.extract_strided_slice %get3A_1 {offsets = [456, 0], sizes = [8, 1024], strides = [1, 1]} : vector<4000x1024xf32> to vector<8x1024xf32>
    %add3A_114 = arith.addf %add3A_112, %slice3A_113 : vector<8x1024xf32>
    %slice3A_115 = vector.extract_strided_slice %get3A_1 {offsets = [464, 0], sizes = [8, 1024], strides = [1, 1]} : vector<4000x1024xf32> to vector<8x1024xf32>
    %add3A_116 = arith.addf %add3A_114, %slice3A_115 : vector<8x1024xf32>
    %slice3A_117 = vector.extract_strided_slice %get3A_1 {offsets = [472, 0], sizes = [8, 1024], strides = [1, 1]} : vector<4000x1024xf32> to vector<8x1024xf32>
    %add3A_118 = arith.addf %add3A_116, %slice3A_117 : vector<8x1024xf32>
    %slice3A_119 = vector.extract_strided_slice %get3A_1 {offsets = [480, 0], sizes = [8, 1024], strides = [1, 1]} : vector<4000x1024xf32> to vector<8x1024xf32>
    %add3A_120 = arith.addf %add3A_118, %slice3A_119 : vector<8x1024xf32>
    %slice3A_121 = vector.extract_strided_slice %get3A_1 {offsets = [488, 0], sizes = [8, 1024], strides = [1, 1]} : vector<4000x1024xf32> to vector<8x1024xf32>
    %add3A_122 = arith.addf %add3A_120, %slice3A_121 : vector<8x1024xf32>
    %slice3A_123 = vector.extract_strided_slice %get3A_1 {offsets = [496, 0], sizes = [8, 1024], strides = [1, 1]} : vector<4000x1024xf32> to vector<8x1024xf32>
    %add3A_124 = arith.addf %add3A_122, %slice3A_123 : vector<8x1024xf32>
    %slice3A_125 = vector.extract_strided_slice %get3A_1 {offsets = [504, 0], sizes = [8, 1024], strides = [1, 1]} : vector<4000x1024xf32> to vector<8x1024xf32>
    %add3A_126 = arith.addf %add3A_124, %slice3A_125 : vector<8x1024xf32>
    %slice3A_127 = vector.extract_strided_slice %get3A_1 {offsets = [512, 0], sizes = [8, 1024], strides = [1, 1]} : vector<4000x1024xf32> to vector<8x1024xf32>
    %add3A_128 = arith.addf %add3A_126, %slice3A_127 : vector<8x1024xf32>
    %slice3A_129 = vector.extract_strided_slice %get3A_1 {offsets = [520, 0], sizes = [8, 1024], strides = [1, 1]} : vector<4000x1024xf32> to vector<8x1024xf32>
    %add3A_130 = arith.addf %add3A_128, %slice3A_129 : vector<8x1024xf32>
    %slice3A_131 = vector.extract_strided_slice %get3A_1 {offsets = [528, 0], sizes = [8, 1024], strides = [1, 1]} : vector<4000x1024xf32> to vector<8x1024xf32>
    %add3A_132 = arith.addf %add3A_130, %slice3A_131 : vector<8x1024xf32>
    %slice3A_133 = vector.extract_strided_slice %get3A_1 {offsets = [536, 0], sizes = [8, 1024], strides = [1, 1]} : vector<4000x1024xf32> to vector<8x1024xf32>
    %add3A_134 = arith.addf %add3A_132, %slice3A_133 : vector<8x1024xf32>
    %slice3A_135 = vector.extract_strided_slice %get3A_1 {offsets = [544, 0], sizes = [8, 1024], strides = [1, 1]} : vector<4000x1024xf32> to vector<8x1024xf32>
    %add3A_136 = arith.addf %add3A_134, %slice3A_135 : vector<8x1024xf32>
    %slice3A_137 = vector.extract_strided_slice %get3A_1 {offsets = [552, 0], sizes = [8, 1024], strides = [1, 1]} : vector<4000x1024xf32> to vector<8x1024xf32>
    %add3A_138 = arith.addf %add3A_136, %slice3A_137 : vector<8x1024xf32>
    %slice3A_139 = vector.extract_strided_slice %get3A_1 {offsets = [560, 0], sizes = [8, 1024], strides = [1, 1]} : vector<4000x1024xf32> to vector<8x1024xf32>
    %add3A_140 = arith.addf %add3A_138, %slice3A_139 : vector<8x1024xf32>
    %slice3A_141 = vector.extract_strided_slice %get3A_1 {offsets = [568, 0], sizes = [8, 1024], strides = [1, 1]} : vector<4000x1024xf32> to vector<8x1024xf32>
    %add3A_142 = arith.addf %add3A_140, %slice3A_141 : vector<8x1024xf32>
    %slice3A_143 = vector.extract_strided_slice %get3A_1 {offsets = [576, 0], sizes = [8, 1024], strides = [1, 1]} : vector<4000x1024xf32> to vector<8x1024xf32>
    %add3A_144 = arith.addf %add3A_142, %slice3A_143 : vector<8x1024xf32>
    %slice3A_145 = vector.extract_strided_slice %get3A_1 {offsets = [584, 0], sizes = [8, 1024], strides = [1, 1]} : vector<4000x1024xf32> to vector<8x1024xf32>
    %add3A_146 = arith.addf %add3A_144, %slice3A_145 : vector<8x1024xf32>
    %slice3A_147 = vector.extract_strided_slice %get3A_1 {offsets = [592, 0], sizes = [8, 1024], strides = [1, 1]} : vector<4000x1024xf32> to vector<8x1024xf32>
    %add3A_148 = arith.addf %add3A_146, %slice3A_147 : vector<8x1024xf32>
    %slice3A_149 = vector.extract_strided_slice %get3A_1 {offsets = [600, 0], sizes = [8, 1024], strides = [1, 1]} : vector<4000x1024xf32> to vector<8x1024xf32>
    %add3A_150 = arith.addf %add3A_148, %slice3A_149 : vector<8x1024xf32>
    %slice3A_151 = vector.extract_strided_slice %get3A_1 {offsets = [608, 0], sizes = [8, 1024], strides = [1, 1]} : vector<4000x1024xf32> to vector<8x1024xf32>
    %add3A_152 = arith.addf %add3A_150, %slice3A_151 : vector<8x1024xf32>
    %slice3A_153 = vector.extract_strided_slice %get3A_1 {offsets = [616, 0], sizes = [8, 1024], strides = [1, 1]} : vector<4000x1024xf32> to vector<8x1024xf32>
    %add3A_154 = arith.addf %add3A_152, %slice3A_153 : vector<8x1024xf32>
    %slice3A_155 = vector.extract_strided_slice %get3A_1 {offsets = [624, 0], sizes = [8, 1024], strides = [1, 1]} : vector<4000x1024xf32> to vector<8x1024xf32>
    %add3A_156 = arith.addf %add3A_154, %slice3A_155 : vector<8x1024xf32>
    %slice3A_157 = vector.extract_strided_slice %get3A_1 {offsets = [632, 0], sizes = [8, 1024], strides = [1, 1]} : vector<4000x1024xf32> to vector<8x1024xf32>
    %add3A_158 = arith.addf %add3A_156, %slice3A_157 : vector<8x1024xf32>
    %slice3A_159 = vector.extract_strided_slice %get3A_1 {offsets = [640, 0], sizes = [8, 1024], strides = [1, 1]} : vector<4000x1024xf32> to vector<8x1024xf32>
    %add3A_160 = arith.addf %add3A_158, %slice3A_159 : vector<8x1024xf32>
    %slice3A_161 = vector.extract_strided_slice %get3A_1 {offsets = [648, 0], sizes = [8, 1024], strides = [1, 1]} : vector<4000x1024xf32> to vector<8x1024xf32>
    %add3A_162 = arith.addf %add3A_160, %slice3A_161 : vector<8x1024xf32>
    %slice3A_163 = vector.extract_strided_slice %get3A_1 {offsets = [656, 0], sizes = [8, 1024], strides = [1, 1]} : vector<4000x1024xf32> to vector<8x1024xf32>
    %add3A_164 = arith.addf %add3A_162, %slice3A_163 : vector<8x1024xf32>
    %slice3A_165 = vector.extract_strided_slice %get3A_1 {offsets = [664, 0], sizes = [8, 1024], strides = [1, 1]} : vector<4000x1024xf32> to vector<8x1024xf32>
    %add3A_166 = arith.addf %add3A_164, %slice3A_165 : vector<8x1024xf32>
    %slice3A_167 = vector.extract_strided_slice %get3A_1 {offsets = [672, 0], sizes = [8, 1024], strides = [1, 1]} : vector<4000x1024xf32> to vector<8x1024xf32>
    %add3A_168 = arith.addf %add3A_166, %slice3A_167 : vector<8x1024xf32>
    %slice3A_169 = vector.extract_strided_slice %get3A_1 {offsets = [680, 0], sizes = [8, 1024], strides = [1, 1]} : vector<4000x1024xf32> to vector<8x1024xf32>
    %add3A_170 = arith.addf %add3A_168, %slice3A_169 : vector<8x1024xf32>
    %slice3A_171 = vector.extract_strided_slice %get3A_1 {offsets = [688, 0], sizes = [8, 1024], strides = [1, 1]} : vector<4000x1024xf32> to vector<8x1024xf32>
    %add3A_172 = arith.addf %add3A_170, %slice3A_171 : vector<8x1024xf32>
    %slice3A_173 = vector.extract_strided_slice %get3A_1 {offsets = [696, 0], sizes = [8, 1024], strides = [1, 1]} : vector<4000x1024xf32> to vector<8x1024xf32>
    %add3A_174 = arith.addf %add3A_172, %slice3A_173 : vector<8x1024xf32>
    %slice3A_175 = vector.extract_strided_slice %get3A_1 {offsets = [704, 0], sizes = [8, 1024], strides = [1, 1]} : vector<4000x1024xf32> to vector<8x1024xf32>
    %add3A_176 = arith.addf %add3A_174, %slice3A_175 : vector<8x1024xf32>
    %slice3A_177 = vector.extract_strided_slice %get3A_1 {offsets = [712, 0], sizes = [8, 1024], strides = [1, 1]} : vector<4000x1024xf32> to vector<8x1024xf32>
    %add3A_178 = arith.addf %add3A_176, %slice3A_177 : vector<8x1024xf32>
    %slice3A_179 = vector.extract_strided_slice %get3A_1 {offsets = [720, 0], sizes = [8, 1024], strides = [1, 1]} : vector<4000x1024xf32> to vector<8x1024xf32>
    %add3A_180 = arith.addf %add3A_178, %slice3A_179 : vector<8x1024xf32>
    %slice3A_181 = vector.extract_strided_slice %get3A_1 {offsets = [728, 0], sizes = [8, 1024], strides = [1, 1]} : vector<4000x1024xf32> to vector<8x1024xf32>
    %add3A_182 = arith.addf %add3A_180, %slice3A_181 : vector<8x1024xf32>
    %slice3A_183 = vector.extract_strided_slice %get3A_1 {offsets = [736, 0], sizes = [8, 1024], strides = [1, 1]} : vector<4000x1024xf32> to vector<8x1024xf32>
    %add3A_184 = arith.addf %add3A_182, %slice3A_183 : vector<8x1024xf32>
    %slice3A_185 = vector.extract_strided_slice %get3A_1 {offsets = [744, 0], sizes = [8, 1024], strides = [1, 1]} : vector<4000x1024xf32> to vector<8x1024xf32>
    %add3A_186 = arith.addf %add3A_184, %slice3A_185 : vector<8x1024xf32>
    %slice3A_187 = vector.extract_strided_slice %get3A_1 {offsets = [752, 0], sizes = [8, 1024], strides = [1, 1]} : vector<4000x1024xf32> to vector<8x1024xf32>
    %add3A_188 = arith.addf %add3A_186, %slice3A_187 : vector<8x1024xf32>
    %slice3A_189 = vector.extract_strided_slice %get3A_1 {offsets = [760, 0], sizes = [8, 1024], strides = [1, 1]} : vector<4000x1024xf32> to vector<8x1024xf32>
    %add3A_190 = arith.addf %add3A_188, %slice3A_189 : vector<8x1024xf32>
    %slice3A_191 = vector.extract_strided_slice %get3A_1 {offsets = [768, 0], sizes = [8, 1024], strides = [1, 1]} : vector<4000x1024xf32> to vector<8x1024xf32>
    %add3A_192 = arith.addf %add3A_190, %slice3A_191 : vector<8x1024xf32>
    %slice3A_193 = vector.extract_strided_slice %get3A_1 {offsets = [776, 0], sizes = [8, 1024], strides = [1, 1]} : vector<4000x1024xf32> to vector<8x1024xf32>
    %add3A_194 = arith.addf %add3A_192, %slice3A_193 : vector<8x1024xf32>
    %slice3A_195 = vector.extract_strided_slice %get3A_1 {offsets = [784, 0], sizes = [8, 1024], strides = [1, 1]} : vector<4000x1024xf32> to vector<8x1024xf32>
    %add3A_196 = arith.addf %add3A_194, %slice3A_195 : vector<8x1024xf32>
    %slice3A_197 = vector.extract_strided_slice %get3A_1 {offsets = [792, 0], sizes = [8, 1024], strides = [1, 1]} : vector<4000x1024xf32> to vector<8x1024xf32>
    %add3A_198 = arith.addf %add3A_196, %slice3A_197 : vector<8x1024xf32>
    %slice3A_199 = vector.extract_strided_slice %get3A_1 {offsets = [800, 0], sizes = [8, 1024], strides = [1, 1]} : vector<4000x1024xf32> to vector<8x1024xf32>
    %add3A_200 = arith.addf %add3A_198, %slice3A_199 : vector<8x1024xf32>
    %slice3A_201 = vector.extract_strided_slice %get3A_1 {offsets = [808, 0], sizes = [8, 1024], strides = [1, 1]} : vector<4000x1024xf32> to vector<8x1024xf32>
    %add3A_202 = arith.addf %add3A_200, %slice3A_201 : vector<8x1024xf32>
    %slice3A_203 = vector.extract_strided_slice %get3A_1 {offsets = [816, 0], sizes = [8, 1024], strides = [1, 1]} : vector<4000x1024xf32> to vector<8x1024xf32>
    %add3A_204 = arith.addf %add3A_202, %slice3A_203 : vector<8x1024xf32>
    %slice3A_205 = vector.extract_strided_slice %get3A_1 {offsets = [824, 0], sizes = [8, 1024], strides = [1, 1]} : vector<4000x1024xf32> to vector<8x1024xf32>
    %add3A_206 = arith.addf %add3A_204, %slice3A_205 : vector<8x1024xf32>
    %slice3A_207 = vector.extract_strided_slice %get3A_1 {offsets = [832, 0], sizes = [8, 1024], strides = [1, 1]} : vector<4000x1024xf32> to vector<8x1024xf32>
    %add3A_208 = arith.addf %add3A_206, %slice3A_207 : vector<8x1024xf32>
    %slice3A_209 = vector.extract_strided_slice %get3A_1 {offsets = [840, 0], sizes = [8, 1024], strides = [1, 1]} : vector<4000x1024xf32> to vector<8x1024xf32>
    %add3A_210 = arith.addf %add3A_208, %slice3A_209 : vector<8x1024xf32>
    %slice3A_211 = vector.extract_strided_slice %get3A_1 {offsets = [848, 0], sizes = [8, 1024], strides = [1, 1]} : vector<4000x1024xf32> to vector<8x1024xf32>
    %add3A_212 = arith.addf %add3A_210, %slice3A_211 : vector<8x1024xf32>
    %slice3A_213 = vector.extract_strided_slice %get3A_1 {offsets = [856, 0], sizes = [8, 1024], strides = [1, 1]} : vector<4000x1024xf32> to vector<8x1024xf32>
    %add3A_214 = arith.addf %add3A_212, %slice3A_213 : vector<8x1024xf32>
    %slice3A_215 = vector.extract_strided_slice %get3A_1 {offsets = [864, 0], sizes = [8, 1024], strides = [1, 1]} : vector<4000x1024xf32> to vector<8x1024xf32>
    %add3A_216 = arith.addf %add3A_214, %slice3A_215 : vector<8x1024xf32>
    %slice3A_217 = vector.extract_strided_slice %get3A_1 {offsets = [872, 0], sizes = [8, 1024], strides = [1, 1]} : vector<4000x1024xf32> to vector<8x1024xf32>
    %add3A_218 = arith.addf %add3A_216, %slice3A_217 : vector<8x1024xf32>
    %slice3A_219 = vector.extract_strided_slice %get3A_1 {offsets = [880, 0], sizes = [8, 1024], strides = [1, 1]} : vector<4000x1024xf32> to vector<8x1024xf32>
    %add3A_220 = arith.addf %add3A_218, %slice3A_219 : vector<8x1024xf32>
    %slice3A_221 = vector.extract_strided_slice %get3A_1 {offsets = [888, 0], sizes = [8, 1024], strides = [1, 1]} : vector<4000x1024xf32> to vector<8x1024xf32>
    %add3A_222 = arith.addf %add3A_220, %slice3A_221 : vector<8x1024xf32>
    %slice3A_223 = vector.extract_strided_slice %get3A_1 {offsets = [896, 0], sizes = [8, 1024], strides = [1, 1]} : vector<4000x1024xf32> to vector<8x1024xf32>
    %add3A_224 = arith.addf %add3A_222, %slice3A_223 : vector<8x1024xf32>
    %slice3A_225 = vector.extract_strided_slice %get3A_1 {offsets = [904, 0], sizes = [8, 1024], strides = [1, 1]} : vector<4000x1024xf32> to vector<8x1024xf32>
    %add3A_226 = arith.addf %add3A_224, %slice3A_225 : vector<8x1024xf32>
    %slice3A_227 = vector.extract_strided_slice %get3A_1 {offsets = [912, 0], sizes = [8, 1024], strides = [1, 1]} : vector<4000x1024xf32> to vector<8x1024xf32>
    %add3A_228 = arith.addf %add3A_226, %slice3A_227 : vector<8x1024xf32>
    %slice3A_229 = vector.extract_strided_slice %get3A_1 {offsets = [920, 0], sizes = [8, 1024], strides = [1, 1]} : vector<4000x1024xf32> to vector<8x1024xf32>
    %add3A_230 = arith.addf %add3A_228, %slice3A_229 : vector<8x1024xf32>
    %slice3A_231 = vector.extract_strided_slice %get3A_1 {offsets = [928, 0], sizes = [8, 1024], strides = [1, 1]} : vector<4000x1024xf32> to vector<8x1024xf32>
    %add3A_232 = arith.addf %add3A_230, %slice3A_231 : vector<8x1024xf32>
    %slice3A_233 = vector.extract_strided_slice %get3A_1 {offsets = [936, 0], sizes = [8, 1024], strides = [1, 1]} : vector<4000x1024xf32> to vector<8x1024xf32>
    %add3A_234 = arith.addf %add3A_232, %slice3A_233 : vector<8x1024xf32>
    %slice3A_235 = vector.extract_strided_slice %get3A_1 {offsets = [944, 0], sizes = [8, 1024], strides = [1, 1]} : vector<4000x1024xf32> to vector<8x1024xf32>
    %add3A_236 = arith.addf %add3A_234, %slice3A_235 : vector<8x1024xf32>
    %slice3A_237 = vector.extract_strided_slice %get3A_1 {offsets = [952, 0], sizes = [8, 1024], strides = [1, 1]} : vector<4000x1024xf32> to vector<8x1024xf32>
    %add3A_238 = arith.addf %add3A_236, %slice3A_237 : vector<8x1024xf32>
    %slice3A_239 = vector.extract_strided_slice %get3A_1 {offsets = [960, 0], sizes = [8, 1024], strides = [1, 1]} : vector<4000x1024xf32> to vector<8x1024xf32>
    %add3A_240 = arith.addf %add3A_238, %slice3A_239 : vector<8x1024xf32>
    %slice3A_241 = vector.extract_strided_slice %get3A_1 {offsets = [968, 0], sizes = [8, 1024], strides = [1, 1]} : vector<4000x1024xf32> to vector<8x1024xf32>
    %add3A_242 = arith.addf %add3A_240, %slice3A_241 : vector<8x1024xf32>
    %slice3A_243 = vector.extract_strided_slice %get3A_1 {offsets = [976, 0], sizes = [8, 1024], strides = [1, 1]} : vector<4000x1024xf32> to vector<8x1024xf32>
    %add3A_244 = arith.addf %add3A_242, %slice3A_243 : vector<8x1024xf32>
    %slice3A_245 = vector.extract_strided_slice %get3A_1 {offsets = [984, 0], sizes = [8, 1024], strides = [1, 1]} : vector<4000x1024xf32> to vector<8x1024xf32>
    %add3A_246 = arith.addf %add3A_244, %slice3A_245 : vector<8x1024xf32>
    %slice3A_247 = vector.extract_strided_slice %get3A_1 {offsets = [992, 0], sizes = [8, 1024], strides = [1, 1]} : vector<4000x1024xf32> to vector<8x1024xf32>
    %add3A_248 = arith.addf %add3A_246, %slice3A_247 : vector<8x1024xf32>
    %slice3A_249 = vector.extract_strided_slice %get3A_1 {offsets = [1000, 0], sizes = [8, 1024], strides = [1, 1]} : vector<4000x1024xf32> to vector<8x1024xf32>
    %add3A_250 = arith.addf %add3A_248, %slice3A_249 : vector<8x1024xf32>
    %slice3A_251 = vector.extract_strided_slice %get3A_1 {offsets = [1008, 0], sizes = [8, 1024], strides = [1, 1]} : vector<4000x1024xf32> to vector<8x1024xf32>
    %add3A_252 = arith.addf %add3A_250, %slice3A_251 : vector<8x1024xf32>
    %slice3A_253 = vector.extract_strided_slice %get3A_1 {offsets = [1016, 0], sizes = [8, 1024], strides = [1, 1]} : vector<4000x1024xf32> to vector<8x1024xf32>
    %add3A_254 = arith.addf %add3A_252, %slice3A_253 : vector<8x1024xf32>
    %slice3A_255 = vector.extract_strided_slice %get3A_1 {offsets = [1024, 0], sizes = [8, 1024], strides = [1, 1]} : vector<4000x1024xf32> to vector<8x1024xf32>
    %add3A_256 = arith.addf %add3A_254, %slice3A_255 : vector<8x1024xf32>
    %slice3A_257 = vector.extract_strided_slice %get3A_1 {offsets = [1032, 0], sizes = [8, 1024], strides = [1, 1]} : vector<4000x1024xf32> to vector<8x1024xf32>
    %add3A_258 = arith.addf %add3A_256, %slice3A_257 : vector<8x1024xf32>
    %slice3A_259 = vector.extract_strided_slice %get3A_1 {offsets = [1040, 0], sizes = [8, 1024], strides = [1, 1]} : vector<4000x1024xf32> to vector<8x1024xf32>
    %add3A_260 = arith.addf %add3A_258, %slice3A_259 : vector<8x1024xf32>
    %slice3A_261 = vector.extract_strided_slice %get3A_1 {offsets = [1048, 0], sizes = [8, 1024], strides = [1, 1]} : vector<4000x1024xf32> to vector<8x1024xf32>
    %add3A_262 = arith.addf %add3A_260, %slice3A_261 : vector<8x1024xf32>
    %slice3A_263 = vector.extract_strided_slice %get3A_1 {offsets = [1056, 0], sizes = [8, 1024], strides = [1, 1]} : vector<4000x1024xf32> to vector<8x1024xf32>
    %add3A_264 = arith.addf %add3A_262, %slice3A_263 : vector<8x1024xf32>
    %slice3A_265 = vector.extract_strided_slice %get3A_1 {offsets = [1064, 0], sizes = [8, 1024], strides = [1, 1]} : vector<4000x1024xf32> to vector<8x1024xf32>
    %add3A_266 = arith.addf %add3A_264, %slice3A_265 : vector<8x1024xf32>
    %slice3A_267 = vector.extract_strided_slice %get3A_1 {offsets = [1072, 0], sizes = [8, 1024], strides = [1, 1]} : vector<4000x1024xf32> to vector<8x1024xf32>
    %add3A_268 = arith.addf %add3A_266, %slice3A_267 : vector<8x1024xf32>
    %slice3A_269 = vector.extract_strided_slice %get3A_1 {offsets = [1080, 0], sizes = [8, 1024], strides = [1, 1]} : vector<4000x1024xf32> to vector<8x1024xf32>
    %add3A_270 = arith.addf %add3A_268, %slice3A_269 : vector<8x1024xf32>
    %slice3A_271 = vector.extract_strided_slice %get3A_1 {offsets = [1088, 0], sizes = [8, 1024], strides = [1, 1]} : vector<4000x1024xf32> to vector<8x1024xf32>
    %add3A_272 = arith.addf %add3A_270, %slice3A_271 : vector<8x1024xf32>
    %slice3A_273 = vector.extract_strided_slice %get3A_1 {offsets = [1096, 0], sizes = [8, 1024], strides = [1, 1]} : vector<4000x1024xf32> to vector<8x1024xf32>
    %add3A_274 = arith.addf %add3A_272, %slice3A_273 : vector<8x1024xf32>
    %slice3A_275 = vector.extract_strided_slice %get3A_1 {offsets = [1104, 0], sizes = [8, 1024], strides = [1, 1]} : vector<4000x1024xf32> to vector<8x1024xf32>
    %add3A_276 = arith.addf %add3A_274, %slice3A_275 : vector<8x1024xf32>
    %slice3A_277 = vector.extract_strided_slice %get3A_1 {offsets = [1112, 0], sizes = [8, 1024], strides = [1, 1]} : vector<4000x1024xf32> to vector<8x1024xf32>
    %add3A_278 = arith.addf %add3A_276, %slice3A_277 : vector<8x1024xf32>
    %slice3A_279 = vector.extract_strided_slice %get3A_1 {offsets = [1120, 0], sizes = [8, 1024], strides = [1, 1]} : vector<4000x1024xf32> to vector<8x1024xf32>
    %add3A_280 = arith.addf %add3A_278, %slice3A_279 : vector<8x1024xf32>
    %slice3A_281 = vector.extract_strided_slice %get3A_1 {offsets = [1128, 0], sizes = [8, 1024], strides = [1, 1]} : vector<4000x1024xf32> to vector<8x1024xf32>
    %add3A_282 = arith.addf %add3A_280, %slice3A_281 : vector<8x1024xf32>
    %slice3A_283 = vector.extract_strided_slice %get3A_1 {offsets = [1136, 0], sizes = [8, 1024], strides = [1, 1]} : vector<4000x1024xf32> to vector<8x1024xf32>
    %add3A_284 = arith.addf %add3A_282, %slice3A_283 : vector<8x1024xf32>
    %slice3A_285 = vector.extract_strided_slice %get3A_1 {offsets = [1144, 0], sizes = [8, 1024], strides = [1, 1]} : vector<4000x1024xf32> to vector<8x1024xf32>
    %add3A_286 = arith.addf %add3A_284, %slice3A_285 : vector<8x1024xf32>
    %slice3A_287 = vector.extract_strided_slice %get3A_1 {offsets = [1152, 0], sizes = [8, 1024], strides = [1, 1]} : vector<4000x1024xf32> to vector<8x1024xf32>
    %add3A_288 = arith.addf %add3A_286, %slice3A_287 : vector<8x1024xf32>
    %slice3A_289 = vector.extract_strided_slice %get3A_1 {offsets = [1160, 0], sizes = [8, 1024], strides = [1, 1]} : vector<4000x1024xf32> to vector<8x1024xf32>
    %add3A_290 = arith.addf %add3A_288, %slice3A_289 : vector<8x1024xf32>
    %slice3A_291 = vector.extract_strided_slice %get3A_1 {offsets = [1168, 0], sizes = [8, 1024], strides = [1, 1]} : vector<4000x1024xf32> to vector<8x1024xf32>
    %add3A_292 = arith.addf %add3A_290, %slice3A_291 : vector<8x1024xf32>
    %slice3A_293 = vector.extract_strided_slice %get3A_1 {offsets = [1176, 0], sizes = [8, 1024], strides = [1, 1]} : vector<4000x1024xf32> to vector<8x1024xf32>
    %add3A_294 = arith.addf %add3A_292, %slice3A_293 : vector<8x1024xf32>
    %slice3A_295 = vector.extract_strided_slice %get3A_1 {offsets = [1184, 0], sizes = [8, 1024], strides = [1, 1]} : vector<4000x1024xf32> to vector<8x1024xf32>
    %add3A_296 = arith.addf %add3A_294, %slice3A_295 : vector<8x1024xf32>
    %slice3A_297 = vector.extract_strided_slice %get3A_1 {offsets = [1192, 0], sizes = [8, 1024], strides = [1, 1]} : vector<4000x1024xf32> to vector<8x1024xf32>
    %add3A_298 = arith.addf %add3A_296, %slice3A_297 : vector<8x1024xf32>
    %slice3A_299 = vector.extract_strided_slice %get3A_1 {offsets = [1200, 0], sizes = [8, 1024], strides = [1, 1]} : vector<4000x1024xf32> to vector<8x1024xf32>
    %add3A_300 = arith.addf %add3A_298, %slice3A_299 : vector<8x1024xf32>
    %slice3A_301 = vector.extract_strided_slice %get3A_1 {offsets = [1208, 0], sizes = [8, 1024], strides = [1, 1]} : vector<4000x1024xf32> to vector<8x1024xf32>
    %add3A_302 = arith.addf %add3A_300, %slice3A_301 : vector<8x1024xf32>
    %slice3A_303 = vector.extract_strided_slice %get3A_1 {offsets = [1216, 0], sizes = [8, 1024], strides = [1, 1]} : vector<4000x1024xf32> to vector<8x1024xf32>
    %add3A_304 = arith.addf %add3A_302, %slice3A_303 : vector<8x1024xf32>
    %slice3A_305 = vector.extract_strided_slice %get3A_1 {offsets = [1224, 0], sizes = [8, 1024], strides = [1, 1]} : vector<4000x1024xf32> to vector<8x1024xf32>
    %add3A_306 = arith.addf %add3A_304, %slice3A_305 : vector<8x1024xf32>
    %slice3A_307 = vector.extract_strided_slice %get3A_1 {offsets = [1232, 0], sizes = [8, 1024], strides = [1, 1]} : vector<4000x1024xf32> to vector<8x1024xf32>
    %add3A_308 = arith.addf %add3A_306, %slice3A_307 : vector<8x1024xf32>
    %slice3A_309 = vector.extract_strided_slice %get3A_1 {offsets = [1240, 0], sizes = [8, 1024], strides = [1, 1]} : vector<4000x1024xf32> to vector<8x1024xf32>
    %add3A_310 = arith.addf %add3A_308, %slice3A_309 : vector<8x1024xf32>
    %slice3A_311 = vector.extract_strided_slice %get3A_1 {offsets = [1248, 0], sizes = [8, 1024], strides = [1, 1]} : vector<4000x1024xf32> to vector<8x1024xf32>
    %add3A_312 = arith.addf %add3A_310, %slice3A_311 : vector<8x1024xf32>
    %slice3A_313 = vector.extract_strided_slice %get3A_1 {offsets = [1256, 0], sizes = [8, 1024], strides = [1, 1]} : vector<4000x1024xf32> to vector<8x1024xf32>
    %add3A_314 = arith.addf %add3A_312, %slice3A_313 : vector<8x1024xf32>
    %slice3A_315 = vector.extract_strided_slice %get3A_1 {offsets = [1264, 0], sizes = [8, 1024], strides = [1, 1]} : vector<4000x1024xf32> to vector<8x1024xf32>
    %add3A_316 = arith.addf %add3A_314, %slice3A_315 : vector<8x1024xf32>
    %slice3A_317 = vector.extract_strided_slice %get3A_1 {offsets = [1272, 0], sizes = [8, 1024], strides = [1, 1]} : vector<4000x1024xf32> to vector<8x1024xf32>
    %add3A_318 = arith.addf %add3A_316, %slice3A_317 : vector<8x1024xf32>
    %slice3A_319 = vector.extract_strided_slice %get3A_1 {offsets = [1280, 0], sizes = [8, 1024], strides = [1, 1]} : vector<4000x1024xf32> to vector<8x1024xf32>
    %add3A_320 = arith.addf %add3A_318, %slice3A_319 : vector<8x1024xf32>
    %slice3A_321 = vector.extract_strided_slice %get3A_1 {offsets = [1288, 0], sizes = [8, 1024], strides = [1, 1]} : vector<4000x1024xf32> to vector<8x1024xf32>
    %add3A_322 = arith.addf %add3A_320, %slice3A_321 : vector<8x1024xf32>
    %slice3A_323 = vector.extract_strided_slice %get3A_1 {offsets = [1296, 0], sizes = [8, 1024], strides = [1, 1]} : vector<4000x1024xf32> to vector<8x1024xf32>
    %add3A_324 = arith.addf %add3A_322, %slice3A_323 : vector<8x1024xf32>
    %slice3A_325 = vector.extract_strided_slice %get3A_1 {offsets = [1304, 0], sizes = [8, 1024], strides = [1, 1]} : vector<4000x1024xf32> to vector<8x1024xf32>
    %add3A_326 = arith.addf %add3A_324, %slice3A_325 : vector<8x1024xf32>
    %slice3A_327 = vector.extract_strided_slice %get3A_1 {offsets = [1312, 0], sizes = [8, 1024], strides = [1, 1]} : vector<4000x1024xf32> to vector<8x1024xf32>
    %add3A_328 = arith.addf %add3A_326, %slice3A_327 : vector<8x1024xf32>
    %slice3A_329 = vector.extract_strided_slice %get3A_1 {offsets = [1320, 0], sizes = [8, 1024], strides = [1, 1]} : vector<4000x1024xf32> to vector<8x1024xf32>
    %add3A_330 = arith.addf %add3A_328, %slice3A_329 : vector<8x1024xf32>
    %slice3A_331 = vector.extract_strided_slice %get3A_1 {offsets = [1328, 0], sizes = [8, 1024], strides = [1, 1]} : vector<4000x1024xf32> to vector<8x1024xf32>
    %add3A_332 = arith.addf %add3A_330, %slice3A_331 : vector<8x1024xf32>
    %slice3A_333 = vector.extract_strided_slice %get3A_1 {offsets = [1336, 0], sizes = [8, 1024], strides = [1, 1]} : vector<4000x1024xf32> to vector<8x1024xf32>
    %add3A_334 = arith.addf %add3A_332, %slice3A_333 : vector<8x1024xf32>
    %slice3A_335 = vector.extract_strided_slice %get3A_1 {offsets = [1344, 0], sizes = [8, 1024], strides = [1, 1]} : vector<4000x1024xf32> to vector<8x1024xf32>
    %add3A_336 = arith.addf %add3A_334, %slice3A_335 : vector<8x1024xf32>
    %slice3A_337 = vector.extract_strided_slice %get3A_1 {offsets = [1352, 0], sizes = [8, 1024], strides = [1, 1]} : vector<4000x1024xf32> to vector<8x1024xf32>
    %add3A_338 = arith.addf %add3A_336, %slice3A_337 : vector<8x1024xf32>
    %slice3A_339 = vector.extract_strided_slice %get3A_1 {offsets = [1360, 0], sizes = [8, 1024], strides = [1, 1]} : vector<4000x1024xf32> to vector<8x1024xf32>
    %add3A_340 = arith.addf %add3A_338, %slice3A_339 : vector<8x1024xf32>
    %slice3A_341 = vector.extract_strided_slice %get3A_1 {offsets = [1368, 0], sizes = [8, 1024], strides = [1, 1]} : vector<4000x1024xf32> to vector<8x1024xf32>
    %add3A_342 = arith.addf %add3A_340, %slice3A_341 : vector<8x1024xf32>
    %slice3A_343 = vector.extract_strided_slice %get3A_1 {offsets = [1376, 0], sizes = [8, 1024], strides = [1, 1]} : vector<4000x1024xf32> to vector<8x1024xf32>
    %add3A_344 = arith.addf %add3A_342, %slice3A_343 : vector<8x1024xf32>
    %slice3A_345 = vector.extract_strided_slice %get3A_1 {offsets = [1384, 0], sizes = [8, 1024], strides = [1, 1]} : vector<4000x1024xf32> to vector<8x1024xf32>
    %add3A_346 = arith.addf %add3A_344, %slice3A_345 : vector<8x1024xf32>
    %slice3A_347 = vector.extract_strided_slice %get3A_1 {offsets = [1392, 0], sizes = [8, 1024], strides = [1, 1]} : vector<4000x1024xf32> to vector<8x1024xf32>
    %add3A_348 = arith.addf %add3A_346, %slice3A_347 : vector<8x1024xf32>
    %slice3A_349 = vector.extract_strided_slice %get3A_1 {offsets = [1400, 0], sizes = [8, 1024], strides = [1, 1]} : vector<4000x1024xf32> to vector<8x1024xf32>
    %add3A_350 = arith.addf %add3A_348, %slice3A_349 : vector<8x1024xf32>
    %slice3A_351 = vector.extract_strided_slice %get3A_1 {offsets = [1408, 0], sizes = [8, 1024], strides = [1, 1]} : vector<4000x1024xf32> to vector<8x1024xf32>
    %add3A_352 = arith.addf %add3A_350, %slice3A_351 : vector<8x1024xf32>
    %slice3A_353 = vector.extract_strided_slice %get3A_1 {offsets = [1416, 0], sizes = [8, 1024], strides = [1, 1]} : vector<4000x1024xf32> to vector<8x1024xf32>
    %add3A_354 = arith.addf %add3A_352, %slice3A_353 : vector<8x1024xf32>
    %slice3A_355 = vector.extract_strided_slice %get3A_1 {offsets = [1424, 0], sizes = [8, 1024], strides = [1, 1]} : vector<4000x1024xf32> to vector<8x1024xf32>
    %add3A_356 = arith.addf %add3A_354, %slice3A_355 : vector<8x1024xf32>
    %slice3A_357 = vector.extract_strided_slice %get3A_1 {offsets = [1432, 0], sizes = [8, 1024], strides = [1, 1]} : vector<4000x1024xf32> to vector<8x1024xf32>
    %add3A_358 = arith.addf %add3A_356, %slice3A_357 : vector<8x1024xf32>
    %slice3A_359 = vector.extract_strided_slice %get3A_1 {offsets = [1440, 0], sizes = [8, 1024], strides = [1, 1]} : vector<4000x1024xf32> to vector<8x1024xf32>
    %add3A_360 = arith.addf %add3A_358, %slice3A_359 : vector<8x1024xf32>
    %slice3A_361 = vector.extract_strided_slice %get3A_1 {offsets = [1448, 0], sizes = [8, 1024], strides = [1, 1]} : vector<4000x1024xf32> to vector<8x1024xf32>
    %add3A_362 = arith.addf %add3A_360, %slice3A_361 : vector<8x1024xf32>
    %slice3A_363 = vector.extract_strided_slice %get3A_1 {offsets = [1456, 0], sizes = [8, 1024], strides = [1, 1]} : vector<4000x1024xf32> to vector<8x1024xf32>
    %add3A_364 = arith.addf %add3A_362, %slice3A_363 : vector<8x1024xf32>
    %slice3A_365 = vector.extract_strided_slice %get3A_1 {offsets = [1464, 0], sizes = [8, 1024], strides = [1, 1]} : vector<4000x1024xf32> to vector<8x1024xf32>
    %add3A_366 = arith.addf %add3A_364, %slice3A_365 : vector<8x1024xf32>
    %slice3A_367 = vector.extract_strided_slice %get3A_1 {offsets = [1472, 0], sizes = [8, 1024], strides = [1, 1]} : vector<4000x1024xf32> to vector<8x1024xf32>
    %add3A_368 = arith.addf %add3A_366, %slice3A_367 : vector<8x1024xf32>
    %slice3A_369 = vector.extract_strided_slice %get3A_1 {offsets = [1480, 0], sizes = [8, 1024], strides = [1, 1]} : vector<4000x1024xf32> to vector<8x1024xf32>
    %add3A_370 = arith.addf %add3A_368, %slice3A_369 : vector<8x1024xf32>
    %slice3A_371 = vector.extract_strided_slice %get3A_1 {offsets = [1488, 0], sizes = [8, 1024], strides = [1, 1]} : vector<4000x1024xf32> to vector<8x1024xf32>
    %add3A_372 = arith.addf %add3A_370, %slice3A_371 : vector<8x1024xf32>
    %slice3A_373 = vector.extract_strided_slice %get3A_1 {offsets = [1496, 0], sizes = [8, 1024], strides = [1, 1]} : vector<4000x1024xf32> to vector<8x1024xf32>
    %add3A_374 = arith.addf %add3A_372, %slice3A_373 : vector<8x1024xf32>
    %slice3A_375 = vector.extract_strided_slice %get3A_1 {offsets = [1504, 0], sizes = [8, 1024], strides = [1, 1]} : vector<4000x1024xf32> to vector<8x1024xf32>
    %add3A_376 = arith.addf %add3A_374, %slice3A_375 : vector<8x1024xf32>
    %slice3A_377 = vector.extract_strided_slice %get3A_1 {offsets = [1512, 0], sizes = [8, 1024], strides = [1, 1]} : vector<4000x1024xf32> to vector<8x1024xf32>
    %add3A_378 = arith.addf %add3A_376, %slice3A_377 : vector<8x1024xf32>
    %slice3A_379 = vector.extract_strided_slice %get3A_1 {offsets = [1520, 0], sizes = [8, 1024], strides = [1, 1]} : vector<4000x1024xf32> to vector<8x1024xf32>
    %add3A_380 = arith.addf %add3A_378, %slice3A_379 : vector<8x1024xf32>
    %slice3A_381 = vector.extract_strided_slice %get3A_1 {offsets = [1528, 0], sizes = [8, 1024], strides = [1, 1]} : vector<4000x1024xf32> to vector<8x1024xf32>
    %add3A_382 = arith.addf %add3A_380, %slice3A_381 : vector<8x1024xf32>
    %slice3A_383 = vector.extract_strided_slice %get3A_1 {offsets = [1536, 0], sizes = [8, 1024], strides = [1, 1]} : vector<4000x1024xf32> to vector<8x1024xf32>
    %add3A_384 = arith.addf %add3A_382, %slice3A_383 : vector<8x1024xf32>
    %slice3A_385 = vector.extract_strided_slice %get3A_1 {offsets = [1544, 0], sizes = [8, 1024], strides = [1, 1]} : vector<4000x1024xf32> to vector<8x1024xf32>
    %add3A_386 = arith.addf %add3A_384, %slice3A_385 : vector<8x1024xf32>
    %slice3A_387 = vector.extract_strided_slice %get3A_1 {offsets = [1552, 0], sizes = [8, 1024], strides = [1, 1]} : vector<4000x1024xf32> to vector<8x1024xf32>
    %add3A_388 = arith.addf %add3A_386, %slice3A_387 : vector<8x1024xf32>
    %slice3A_389 = vector.extract_strided_slice %get3A_1 {offsets = [1560, 0], sizes = [8, 1024], strides = [1, 1]} : vector<4000x1024xf32> to vector<8x1024xf32>
    %add3A_390 = arith.addf %add3A_388, %slice3A_389 : vector<8x1024xf32>
    %slice3A_391 = vector.extract_strided_slice %get3A_1 {offsets = [1568, 0], sizes = [8, 1024], strides = [1, 1]} : vector<4000x1024xf32> to vector<8x1024xf32>
    %add3A_392 = arith.addf %add3A_390, %slice3A_391 : vector<8x1024xf32>
    %slice3A_393 = vector.extract_strided_slice %get3A_1 {offsets = [1576, 0], sizes = [8, 1024], strides = [1, 1]} : vector<4000x1024xf32> to vector<8x1024xf32>
    %add3A_394 = arith.addf %add3A_392, %slice3A_393 : vector<8x1024xf32>
    %slice3A_395 = vector.extract_strided_slice %get3A_1 {offsets = [1584, 0], sizes = [8, 1024], strides = [1, 1]} : vector<4000x1024xf32> to vector<8x1024xf32>
    %add3A_396 = arith.addf %add3A_394, %slice3A_395 : vector<8x1024xf32>
    %slice3A_397 = vector.extract_strided_slice %get3A_1 {offsets = [1592, 0], sizes = [8, 1024], strides = [1, 1]} : vector<4000x1024xf32> to vector<8x1024xf32>
    %add3A_398 = arith.addf %add3A_396, %slice3A_397 : vector<8x1024xf32>
    %slice3A_399 = vector.extract_strided_slice %get3A_1 {offsets = [1600, 0], sizes = [8, 1024], strides = [1, 1]} : vector<4000x1024xf32> to vector<8x1024xf32>
    %add3A_400 = arith.addf %add3A_398, %slice3A_399 : vector<8x1024xf32>
    %slice3A_401 = vector.extract_strided_slice %get3A_1 {offsets = [1608, 0], sizes = [8, 1024], strides = [1, 1]} : vector<4000x1024xf32> to vector<8x1024xf32>
    %add3A_402 = arith.addf %add3A_400, %slice3A_401 : vector<8x1024xf32>
    %slice3A_403 = vector.extract_strided_slice %get3A_1 {offsets = [1616, 0], sizes = [8, 1024], strides = [1, 1]} : vector<4000x1024xf32> to vector<8x1024xf32>
    %add3A_404 = arith.addf %add3A_402, %slice3A_403 : vector<8x1024xf32>
    %slice3A_405 = vector.extract_strided_slice %get3A_1 {offsets = [1624, 0], sizes = [8, 1024], strides = [1, 1]} : vector<4000x1024xf32> to vector<8x1024xf32>
    %add3A_406 = arith.addf %add3A_404, %slice3A_405 : vector<8x1024xf32>
    %slice3A_407 = vector.extract_strided_slice %get3A_1 {offsets = [1632, 0], sizes = [8, 1024], strides = [1, 1]} : vector<4000x1024xf32> to vector<8x1024xf32>
    %add3A_408 = arith.addf %add3A_406, %slice3A_407 : vector<8x1024xf32>
    %slice3A_409 = vector.extract_strided_slice %get3A_1 {offsets = [1640, 0], sizes = [8, 1024], strides = [1, 1]} : vector<4000x1024xf32> to vector<8x1024xf32>
    %add3A_410 = arith.addf %add3A_408, %slice3A_409 : vector<8x1024xf32>
    %slice3A_411 = vector.extract_strided_slice %get3A_1 {offsets = [1648, 0], sizes = [8, 1024], strides = [1, 1]} : vector<4000x1024xf32> to vector<8x1024xf32>
    %add3A_412 = arith.addf %add3A_410, %slice3A_411 : vector<8x1024xf32>
    %slice3A_413 = vector.extract_strided_slice %get3A_1 {offsets = [1656, 0], sizes = [8, 1024], strides = [1, 1]} : vector<4000x1024xf32> to vector<8x1024xf32>
    %add3A_414 = arith.addf %add3A_412, %slice3A_413 : vector<8x1024xf32>
    %slice3A_415 = vector.extract_strided_slice %get3A_1 {offsets = [1664, 0], sizes = [8, 1024], strides = [1, 1]} : vector<4000x1024xf32> to vector<8x1024xf32>
    %add3A_416 = arith.addf %add3A_414, %slice3A_415 : vector<8x1024xf32>
    %slice3A_417 = vector.extract_strided_slice %get3A_1 {offsets = [1672, 0], sizes = [8, 1024], strides = [1, 1]} : vector<4000x1024xf32> to vector<8x1024xf32>
    %add3A_418 = arith.addf %add3A_416, %slice3A_417 : vector<8x1024xf32>
    %slice3A_419 = vector.extract_strided_slice %get3A_1 {offsets = [1680, 0], sizes = [8, 1024], strides = [1, 1]} : vector<4000x1024xf32> to vector<8x1024xf32>
    %add3A_420 = arith.addf %add3A_418, %slice3A_419 : vector<8x1024xf32>
    %slice3A_421 = vector.extract_strided_slice %get3A_1 {offsets = [1688, 0], sizes = [8, 1024], strides = [1, 1]} : vector<4000x1024xf32> to vector<8x1024xf32>
    %add3A_422 = arith.addf %add3A_420, %slice3A_421 : vector<8x1024xf32>
    %slice3A_423 = vector.extract_strided_slice %get3A_1 {offsets = [1696, 0], sizes = [8, 1024], strides = [1, 1]} : vector<4000x1024xf32> to vector<8x1024xf32>
    %add3A_424 = arith.addf %add3A_422, %slice3A_423 : vector<8x1024xf32>
    %slice3A_425 = vector.extract_strided_slice %get3A_1 {offsets = [1704, 0], sizes = [8, 1024], strides = [1, 1]} : vector<4000x1024xf32> to vector<8x1024xf32>
    %add3A_426 = arith.addf %add3A_424, %slice3A_425 : vector<8x1024xf32>
    %slice3A_427 = vector.extract_strided_slice %get3A_1 {offsets = [1712, 0], sizes = [8, 1024], strides = [1, 1]} : vector<4000x1024xf32> to vector<8x1024xf32>
    %add3A_428 = arith.addf %add3A_426, %slice3A_427 : vector<8x1024xf32>
    %slice3A_429 = vector.extract_strided_slice %get3A_1 {offsets = [1720, 0], sizes = [8, 1024], strides = [1, 1]} : vector<4000x1024xf32> to vector<8x1024xf32>
    %add3A_430 = arith.addf %add3A_428, %slice3A_429 : vector<8x1024xf32>
    %slice3A_431 = vector.extract_strided_slice %get3A_1 {offsets = [1728, 0], sizes = [8, 1024], strides = [1, 1]} : vector<4000x1024xf32> to vector<8x1024xf32>
    %add3A_432 = arith.addf %add3A_430, %slice3A_431 : vector<8x1024xf32>
    %slice3A_433 = vector.extract_strided_slice %get3A_1 {offsets = [1736, 0], sizes = [8, 1024], strides = [1, 1]} : vector<4000x1024xf32> to vector<8x1024xf32>
    %add3A_434 = arith.addf %add3A_432, %slice3A_433 : vector<8x1024xf32>
    %slice3A_435 = vector.extract_strided_slice %get3A_1 {offsets = [1744, 0], sizes = [8, 1024], strides = [1, 1]} : vector<4000x1024xf32> to vector<8x1024xf32>
    %add3A_436 = arith.addf %add3A_434, %slice3A_435 : vector<8x1024xf32>
    %slice3A_437 = vector.extract_strided_slice %get3A_1 {offsets = [1752, 0], sizes = [8, 1024], strides = [1, 1]} : vector<4000x1024xf32> to vector<8x1024xf32>
    %add3A_438 = arith.addf %add3A_436, %slice3A_437 : vector<8x1024xf32>
    %slice3A_439 = vector.extract_strided_slice %get3A_1 {offsets = [1760, 0], sizes = [8, 1024], strides = [1, 1]} : vector<4000x1024xf32> to vector<8x1024xf32>
    %add3A_440 = arith.addf %add3A_438, %slice3A_439 : vector<8x1024xf32>
    %slice3A_441 = vector.extract_strided_slice %get3A_1 {offsets = [1768, 0], sizes = [8, 1024], strides = [1, 1]} : vector<4000x1024xf32> to vector<8x1024xf32>
    %add3A_442 = arith.addf %add3A_440, %slice3A_441 : vector<8x1024xf32>
    %slice3A_443 = vector.extract_strided_slice %get3A_1 {offsets = [1776, 0], sizes = [8, 1024], strides = [1, 1]} : vector<4000x1024xf32> to vector<8x1024xf32>
    %add3A_444 = arith.addf %add3A_442, %slice3A_443 : vector<8x1024xf32>
    %slice3A_445 = vector.extract_strided_slice %get3A_1 {offsets = [1784, 0], sizes = [8, 1024], strides = [1, 1]} : vector<4000x1024xf32> to vector<8x1024xf32>
    %add3A_446 = arith.addf %add3A_444, %slice3A_445 : vector<8x1024xf32>
    %slice3A_447 = vector.extract_strided_slice %get3A_1 {offsets = [1792, 0], sizes = [8, 1024], strides = [1, 1]} : vector<4000x1024xf32> to vector<8x1024xf32>
    %add3A_448 = arith.addf %add3A_446, %slice3A_447 : vector<8x1024xf32>
    %slice3A_449 = vector.extract_strided_slice %get3A_1 {offsets = [1800, 0], sizes = [8, 1024], strides = [1, 1]} : vector<4000x1024xf32> to vector<8x1024xf32>
    %add3A_450 = arith.addf %add3A_448, %slice3A_449 : vector<8x1024xf32>
    %slice3A_451 = vector.extract_strided_slice %get3A_1 {offsets = [1808, 0], sizes = [8, 1024], strides = [1, 1]} : vector<4000x1024xf32> to vector<8x1024xf32>
    %add3A_452 = arith.addf %add3A_450, %slice3A_451 : vector<8x1024xf32>
    %slice3A_453 = vector.extract_strided_slice %get3A_1 {offsets = [1816, 0], sizes = [8, 1024], strides = [1, 1]} : vector<4000x1024xf32> to vector<8x1024xf32>
    %add3A_454 = arith.addf %add3A_452, %slice3A_453 : vector<8x1024xf32>
    %slice3A_455 = vector.extract_strided_slice %get3A_1 {offsets = [1824, 0], sizes = [8, 1024], strides = [1, 1]} : vector<4000x1024xf32> to vector<8x1024xf32>
    %add3A_456 = arith.addf %add3A_454, %slice3A_455 : vector<8x1024xf32>
    %slice3A_457 = vector.extract_strided_slice %get3A_1 {offsets = [1832, 0], sizes = [8, 1024], strides = [1, 1]} : vector<4000x1024xf32> to vector<8x1024xf32>
    %add3A_458 = arith.addf %add3A_456, %slice3A_457 : vector<8x1024xf32>
    %slice3A_459 = vector.extract_strided_slice %get3A_1 {offsets = [1840, 0], sizes = [8, 1024], strides = [1, 1]} : vector<4000x1024xf32> to vector<8x1024xf32>
    %add3A_460 = arith.addf %add3A_458, %slice3A_459 : vector<8x1024xf32>
    %slice3A_461 = vector.extract_strided_slice %get3A_1 {offsets = [1848, 0], sizes = [8, 1024], strides = [1, 1]} : vector<4000x1024xf32> to vector<8x1024xf32>
    %add3A_462 = arith.addf %add3A_460, %slice3A_461 : vector<8x1024xf32>
    %slice3A_463 = vector.extract_strided_slice %get3A_1 {offsets = [1856, 0], sizes = [8, 1024], strides = [1, 1]} : vector<4000x1024xf32> to vector<8x1024xf32>
    %add3A_464 = arith.addf %add3A_462, %slice3A_463 : vector<8x1024xf32>
    %slice3A_465 = vector.extract_strided_slice %get3A_1 {offsets = [1864, 0], sizes = [8, 1024], strides = [1, 1]} : vector<4000x1024xf32> to vector<8x1024xf32>
    %add3A_466 = arith.addf %add3A_464, %slice3A_465 : vector<8x1024xf32>
    %slice3A_467 = vector.extract_strided_slice %get3A_1 {offsets = [1872, 0], sizes = [8, 1024], strides = [1, 1]} : vector<4000x1024xf32> to vector<8x1024xf32>
    %add3A_468 = arith.addf %add3A_466, %slice3A_467 : vector<8x1024xf32>
    %slice3A_469 = vector.extract_strided_slice %get3A_1 {offsets = [1880, 0], sizes = [8, 1024], strides = [1, 1]} : vector<4000x1024xf32> to vector<8x1024xf32>
    %add3A_470 = arith.addf %add3A_468, %slice3A_469 : vector<8x1024xf32>
    %slice3A_471 = vector.extract_strided_slice %get3A_1 {offsets = [1888, 0], sizes = [8, 1024], strides = [1, 1]} : vector<4000x1024xf32> to vector<8x1024xf32>
    %add3A_472 = arith.addf %add3A_470, %slice3A_471 : vector<8x1024xf32>
    %slice3A_473 = vector.extract_strided_slice %get3A_1 {offsets = [1896, 0], sizes = [8, 1024], strides = [1, 1]} : vector<4000x1024xf32> to vector<8x1024xf32>
    %add3A_474 = arith.addf %add3A_472, %slice3A_473 : vector<8x1024xf32>
    %slice3A_475 = vector.extract_strided_slice %get3A_1 {offsets = [1904, 0], sizes = [8, 1024], strides = [1, 1]} : vector<4000x1024xf32> to vector<8x1024xf32>
    %add3A_476 = arith.addf %add3A_474, %slice3A_475 : vector<8x1024xf32>
    %slice3A_477 = vector.extract_strided_slice %get3A_1 {offsets = [1912, 0], sizes = [8, 1024], strides = [1, 1]} : vector<4000x1024xf32> to vector<8x1024xf32>
    %add3A_478 = arith.addf %add3A_476, %slice3A_477 : vector<8x1024xf32>
    %slice3A_479 = vector.extract_strided_slice %get3A_1 {offsets = [1920, 0], sizes = [8, 1024], strides = [1, 1]} : vector<4000x1024xf32> to vector<8x1024xf32>
    %add3A_480 = arith.addf %add3A_478, %slice3A_479 : vector<8x1024xf32>
    %slice3A_481 = vector.extract_strided_slice %get3A_1 {offsets = [1928, 0], sizes = [8, 1024], strides = [1, 1]} : vector<4000x1024xf32> to vector<8x1024xf32>
    %add3A_482 = arith.addf %add3A_480, %slice3A_481 : vector<8x1024xf32>
    %slice3A_483 = vector.extract_strided_slice %get3A_1 {offsets = [1936, 0], sizes = [8, 1024], strides = [1, 1]} : vector<4000x1024xf32> to vector<8x1024xf32>
    %add3A_484 = arith.addf %add3A_482, %slice3A_483 : vector<8x1024xf32>
    %slice3A_485 = vector.extract_strided_slice %get3A_1 {offsets = [1944, 0], sizes = [8, 1024], strides = [1, 1]} : vector<4000x1024xf32> to vector<8x1024xf32>
    %add3A_486 = arith.addf %add3A_484, %slice3A_485 : vector<8x1024xf32>
    %slice3A_487 = vector.extract_strided_slice %get3A_1 {offsets = [1952, 0], sizes = [8, 1024], strides = [1, 1]} : vector<4000x1024xf32> to vector<8x1024xf32>
    %add3A_488 = arith.addf %add3A_486, %slice3A_487 : vector<8x1024xf32>
    %slice3A_489 = vector.extract_strided_slice %get3A_1 {offsets = [1960, 0], sizes = [8, 1024], strides = [1, 1]} : vector<4000x1024xf32> to vector<8x1024xf32>
    %add3A_490 = arith.addf %add3A_488, %slice3A_489 : vector<8x1024xf32>
    %slice3A_491 = vector.extract_strided_slice %get3A_1 {offsets = [1968, 0], sizes = [8, 1024], strides = [1, 1]} : vector<4000x1024xf32> to vector<8x1024xf32>
    %add3A_492 = arith.addf %add3A_490, %slice3A_491 : vector<8x1024xf32>
    %slice3A_493 = vector.extract_strided_slice %get3A_1 {offsets = [1976, 0], sizes = [8, 1024], strides = [1, 1]} : vector<4000x1024xf32> to vector<8x1024xf32>
    %add3A_494 = arith.addf %add3A_492, %slice3A_493 : vector<8x1024xf32>
    %slice3A_495 = vector.extract_strided_slice %get3A_1 {offsets = [1984, 0], sizes = [8, 1024], strides = [1, 1]} : vector<4000x1024xf32> to vector<8x1024xf32>
    %add3A_496 = arith.addf %add3A_494, %slice3A_495 : vector<8x1024xf32>
    %slice3A_497 = vector.extract_strided_slice %get3A_1 {offsets = [1992, 0], sizes = [8, 1024], strides = [1, 1]} : vector<4000x1024xf32> to vector<8x1024xf32>
    %add3A_498 = arith.addf %add3A_496, %slice3A_497 : vector<8x1024xf32>
    %slice3A_499 = vector.extract_strided_slice %get3A_1 {offsets = [2000, 0], sizes = [8, 1024], strides = [1, 1]} : vector<4000x1024xf32> to vector<8x1024xf32>
    %add3A_500 = arith.addf %add3A_498, %slice3A_499 : vector<8x1024xf32>
    %slice3A_501 = vector.extract_strided_slice %get3A_1 {offsets = [2008, 0], sizes = [8, 1024], strides = [1, 1]} : vector<4000x1024xf32> to vector<8x1024xf32>
    %add3A_502 = arith.addf %add3A_500, %slice3A_501 : vector<8x1024xf32>
    %slice3A_503 = vector.extract_strided_slice %get3A_1 {offsets = [2016, 0], sizes = [8, 1024], strides = [1, 1]} : vector<4000x1024xf32> to vector<8x1024xf32>
    %add3A_504 = arith.addf %add3A_502, %slice3A_503 : vector<8x1024xf32>
    %slice3A_505 = vector.extract_strided_slice %get3A_1 {offsets = [2024, 0], sizes = [8, 1024], strides = [1, 1]} : vector<4000x1024xf32> to vector<8x1024xf32>
    %add3A_506 = arith.addf %add3A_504, %slice3A_505 : vector<8x1024xf32>
    %slice3A_507 = vector.extract_strided_slice %get3A_1 {offsets = [2032, 0], sizes = [8, 1024], strides = [1, 1]} : vector<4000x1024xf32> to vector<8x1024xf32>
    %add3A_508 = arith.addf %add3A_506, %slice3A_507 : vector<8x1024xf32>
    %slice3A_509 = vector.extract_strided_slice %get3A_1 {offsets = [2040, 0], sizes = [8, 1024], strides = [1, 1]} : vector<4000x1024xf32> to vector<8x1024xf32>
    %add3A_510 = arith.addf %add3A_508, %slice3A_509 : vector<8x1024xf32>
    %slice3A_511 = vector.extract_strided_slice %get3A_1 {offsets = [2048, 0], sizes = [8, 1024], strides = [1, 1]} : vector<4000x1024xf32> to vector<8x1024xf32>
    %add3A_512 = arith.addf %add3A_510, %slice3A_511 : vector<8x1024xf32>
    %slice3A_513 = vector.extract_strided_slice %get3A_1 {offsets = [2056, 0], sizes = [8, 1024], strides = [1, 1]} : vector<4000x1024xf32> to vector<8x1024xf32>
    %add3A_514 = arith.addf %add3A_512, %slice3A_513 : vector<8x1024xf32>
    %slice3A_515 = vector.extract_strided_slice %get3A_1 {offsets = [2064, 0], sizes = [8, 1024], strides = [1, 1]} : vector<4000x1024xf32> to vector<8x1024xf32>
    %add3A_516 = arith.addf %add3A_514, %slice3A_515 : vector<8x1024xf32>
    %slice3A_517 = vector.extract_strided_slice %get3A_1 {offsets = [2072, 0], sizes = [8, 1024], strides = [1, 1]} : vector<4000x1024xf32> to vector<8x1024xf32>
    %add3A_518 = arith.addf %add3A_516, %slice3A_517 : vector<8x1024xf32>
    %slice3A_519 = vector.extract_strided_slice %get3A_1 {offsets = [2080, 0], sizes = [8, 1024], strides = [1, 1]} : vector<4000x1024xf32> to vector<8x1024xf32>
    %add3A_520 = arith.addf %add3A_518, %slice3A_519 : vector<8x1024xf32>
    %slice3A_521 = vector.extract_strided_slice %get3A_1 {offsets = [2088, 0], sizes = [8, 1024], strides = [1, 1]} : vector<4000x1024xf32> to vector<8x1024xf32>
    %add3A_522 = arith.addf %add3A_520, %slice3A_521 : vector<8x1024xf32>
    %slice3A_523 = vector.extract_strided_slice %get3A_1 {offsets = [2096, 0], sizes = [8, 1024], strides = [1, 1]} : vector<4000x1024xf32> to vector<8x1024xf32>
    %add3A_524 = arith.addf %add3A_522, %slice3A_523 : vector<8x1024xf32>
    %slice3A_525 = vector.extract_strided_slice %get3A_1 {offsets = [2104, 0], sizes = [8, 1024], strides = [1, 1]} : vector<4000x1024xf32> to vector<8x1024xf32>
    %add3A_526 = arith.addf %add3A_524, %slice3A_525 : vector<8x1024xf32>
    %slice3A_527 = vector.extract_strided_slice %get3A_1 {offsets = [2112, 0], sizes = [8, 1024], strides = [1, 1]} : vector<4000x1024xf32> to vector<8x1024xf32>
    %add3A_528 = arith.addf %add3A_526, %slice3A_527 : vector<8x1024xf32>
    %slice3A_529 = vector.extract_strided_slice %get3A_1 {offsets = [2120, 0], sizes = [8, 1024], strides = [1, 1]} : vector<4000x1024xf32> to vector<8x1024xf32>
    %add3A_530 = arith.addf %add3A_528, %slice3A_529 : vector<8x1024xf32>
    %slice3A_531 = vector.extract_strided_slice %get3A_1 {offsets = [2128, 0], sizes = [8, 1024], strides = [1, 1]} : vector<4000x1024xf32> to vector<8x1024xf32>
    %add3A_532 = arith.addf %add3A_530, %slice3A_531 : vector<8x1024xf32>
    %slice3A_533 = vector.extract_strided_slice %get3A_1 {offsets = [2136, 0], sizes = [8, 1024], strides = [1, 1]} : vector<4000x1024xf32> to vector<8x1024xf32>
    %add3A_534 = arith.addf %add3A_532, %slice3A_533 : vector<8x1024xf32>
    %slice3A_535 = vector.extract_strided_slice %get3A_1 {offsets = [2144, 0], sizes = [8, 1024], strides = [1, 1]} : vector<4000x1024xf32> to vector<8x1024xf32>
    %add3A_536 = arith.addf %add3A_534, %slice3A_535 : vector<8x1024xf32>
    %slice3A_537 = vector.extract_strided_slice %get3A_1 {offsets = [2152, 0], sizes = [8, 1024], strides = [1, 1]} : vector<4000x1024xf32> to vector<8x1024xf32>
    %add3A_538 = arith.addf %add3A_536, %slice3A_537 : vector<8x1024xf32>
    %slice3A_539 = vector.extract_strided_slice %get3A_1 {offsets = [2160, 0], sizes = [8, 1024], strides = [1, 1]} : vector<4000x1024xf32> to vector<8x1024xf32>
    %add3A_540 = arith.addf %add3A_538, %slice3A_539 : vector<8x1024xf32>
    %slice3A_541 = vector.extract_strided_slice %get3A_1 {offsets = [2168, 0], sizes = [8, 1024], strides = [1, 1]} : vector<4000x1024xf32> to vector<8x1024xf32>
    %add3A_542 = arith.addf %add3A_540, %slice3A_541 : vector<8x1024xf32>
    %slice3A_543 = vector.extract_strided_slice %get3A_1 {offsets = [2176, 0], sizes = [8, 1024], strides = [1, 1]} : vector<4000x1024xf32> to vector<8x1024xf32>
    %add3A_544 = arith.addf %add3A_542, %slice3A_543 : vector<8x1024xf32>
    %slice3A_545 = vector.extract_strided_slice %get3A_1 {offsets = [2184, 0], sizes = [8, 1024], strides = [1, 1]} : vector<4000x1024xf32> to vector<8x1024xf32>
    %add3A_546 = arith.addf %add3A_544, %slice3A_545 : vector<8x1024xf32>
    %slice3A_547 = vector.extract_strided_slice %get3A_1 {offsets = [2192, 0], sizes = [8, 1024], strides = [1, 1]} : vector<4000x1024xf32> to vector<8x1024xf32>
    %add3A_548 = arith.addf %add3A_546, %slice3A_547 : vector<8x1024xf32>
    %slice3A_549 = vector.extract_strided_slice %get3A_1 {offsets = [2200, 0], sizes = [8, 1024], strides = [1, 1]} : vector<4000x1024xf32> to vector<8x1024xf32>
    %add3A_550 = arith.addf %add3A_548, %slice3A_549 : vector<8x1024xf32>
    %slice3A_551 = vector.extract_strided_slice %get3A_1 {offsets = [2208, 0], sizes = [8, 1024], strides = [1, 1]} : vector<4000x1024xf32> to vector<8x1024xf32>
    %add3A_552 = arith.addf %add3A_550, %slice3A_551 : vector<8x1024xf32>
    %slice3A_553 = vector.extract_strided_slice %get3A_1 {offsets = [2216, 0], sizes = [8, 1024], strides = [1, 1]} : vector<4000x1024xf32> to vector<8x1024xf32>
    %add3A_554 = arith.addf %add3A_552, %slice3A_553 : vector<8x1024xf32>
    %slice3A_555 = vector.extract_strided_slice %get3A_1 {offsets = [2224, 0], sizes = [8, 1024], strides = [1, 1]} : vector<4000x1024xf32> to vector<8x1024xf32>
    %add3A_556 = arith.addf %add3A_554, %slice3A_555 : vector<8x1024xf32>
    %slice3A_557 = vector.extract_strided_slice %get3A_1 {offsets = [2232, 0], sizes = [8, 1024], strides = [1, 1]} : vector<4000x1024xf32> to vector<8x1024xf32>
    %add3A_558 = arith.addf %add3A_556, %slice3A_557 : vector<8x1024xf32>
    %slice3A_559 = vector.extract_strided_slice %get3A_1 {offsets = [2240, 0], sizes = [8, 1024], strides = [1, 1]} : vector<4000x1024xf32> to vector<8x1024xf32>
    %add3A_560 = arith.addf %add3A_558, %slice3A_559 : vector<8x1024xf32>
    %slice3A_561 = vector.extract_strided_slice %get3A_1 {offsets = [2248, 0], sizes = [8, 1024], strides = [1, 1]} : vector<4000x1024xf32> to vector<8x1024xf32>
    %add3A_562 = arith.addf %add3A_560, %slice3A_561 : vector<8x1024xf32>
    %slice3A_563 = vector.extract_strided_slice %get3A_1 {offsets = [2256, 0], sizes = [8, 1024], strides = [1, 1]} : vector<4000x1024xf32> to vector<8x1024xf32>
    %add3A_564 = arith.addf %add3A_562, %slice3A_563 : vector<8x1024xf32>
    %slice3A_565 = vector.extract_strided_slice %get3A_1 {offsets = [2264, 0], sizes = [8, 1024], strides = [1, 1]} : vector<4000x1024xf32> to vector<8x1024xf32>
    %add3A_566 = arith.addf %add3A_564, %slice3A_565 : vector<8x1024xf32>
    %slice3A_567 = vector.extract_strided_slice %get3A_1 {offsets = [2272, 0], sizes = [8, 1024], strides = [1, 1]} : vector<4000x1024xf32> to vector<8x1024xf32>
    %add3A_568 = arith.addf %add3A_566, %slice3A_567 : vector<8x1024xf32>
    %slice3A_569 = vector.extract_strided_slice %get3A_1 {offsets = [2280, 0], sizes = [8, 1024], strides = [1, 1]} : vector<4000x1024xf32> to vector<8x1024xf32>
    %add3A_570 = arith.addf %add3A_568, %slice3A_569 : vector<8x1024xf32>
    %slice3A_571 = vector.extract_strided_slice %get3A_1 {offsets = [2288, 0], sizes = [8, 1024], strides = [1, 1]} : vector<4000x1024xf32> to vector<8x1024xf32>
    %add3A_572 = arith.addf %add3A_570, %slice3A_571 : vector<8x1024xf32>
    %slice3A_573 = vector.extract_strided_slice %get3A_1 {offsets = [2296, 0], sizes = [8, 1024], strides = [1, 1]} : vector<4000x1024xf32> to vector<8x1024xf32>
    %add3A_574 = arith.addf %add3A_572, %slice3A_573 : vector<8x1024xf32>
    %slice3A_575 = vector.extract_strided_slice %get3A_1 {offsets = [2304, 0], sizes = [8, 1024], strides = [1, 1]} : vector<4000x1024xf32> to vector<8x1024xf32>
    %add3A_576 = arith.addf %add3A_574, %slice3A_575 : vector<8x1024xf32>
    %slice3A_577 = vector.extract_strided_slice %get3A_1 {offsets = [2312, 0], sizes = [8, 1024], strides = [1, 1]} : vector<4000x1024xf32> to vector<8x1024xf32>
    %add3A_578 = arith.addf %add3A_576, %slice3A_577 : vector<8x1024xf32>
    %slice3A_579 = vector.extract_strided_slice %get3A_1 {offsets = [2320, 0], sizes = [8, 1024], strides = [1, 1]} : vector<4000x1024xf32> to vector<8x1024xf32>
    %add3A_580 = arith.addf %add3A_578, %slice3A_579 : vector<8x1024xf32>
    %slice3A_581 = vector.extract_strided_slice %get3A_1 {offsets = [2328, 0], sizes = [8, 1024], strides = [1, 1]} : vector<4000x1024xf32> to vector<8x1024xf32>
    %add3A_582 = arith.addf %add3A_580, %slice3A_581 : vector<8x1024xf32>
    %slice3A_583 = vector.extract_strided_slice %get3A_1 {offsets = [2336, 0], sizes = [8, 1024], strides = [1, 1]} : vector<4000x1024xf32> to vector<8x1024xf32>
    %add3A_584 = arith.addf %add3A_582, %slice3A_583 : vector<8x1024xf32>
    %slice3A_585 = vector.extract_strided_slice %get3A_1 {offsets = [2344, 0], sizes = [8, 1024], strides = [1, 1]} : vector<4000x1024xf32> to vector<8x1024xf32>
    %add3A_586 = arith.addf %add3A_584, %slice3A_585 : vector<8x1024xf32>
    %slice3A_587 = vector.extract_strided_slice %get3A_1 {offsets = [2352, 0], sizes = [8, 1024], strides = [1, 1]} : vector<4000x1024xf32> to vector<8x1024xf32>
    %add3A_588 = arith.addf %add3A_586, %slice3A_587 : vector<8x1024xf32>
    %slice3A_589 = vector.extract_strided_slice %get3A_1 {offsets = [2360, 0], sizes = [8, 1024], strides = [1, 1]} : vector<4000x1024xf32> to vector<8x1024xf32>
    %add3A_590 = arith.addf %add3A_588, %slice3A_589 : vector<8x1024xf32>
    %slice3A_591 = vector.extract_strided_slice %get3A_1 {offsets = [2368, 0], sizes = [8, 1024], strides = [1, 1]} : vector<4000x1024xf32> to vector<8x1024xf32>
    %add3A_592 = arith.addf %add3A_590, %slice3A_591 : vector<8x1024xf32>
    %slice3A_593 = vector.extract_strided_slice %get3A_1 {offsets = [2376, 0], sizes = [8, 1024], strides = [1, 1]} : vector<4000x1024xf32> to vector<8x1024xf32>
    %add3A_594 = arith.addf %add3A_592, %slice3A_593 : vector<8x1024xf32>
    %slice3A_595 = vector.extract_strided_slice %get3A_1 {offsets = [2384, 0], sizes = [8, 1024], strides = [1, 1]} : vector<4000x1024xf32> to vector<8x1024xf32>
    %add3A_596 = arith.addf %add3A_594, %slice3A_595 : vector<8x1024xf32>
    %slice3A_597 = vector.extract_strided_slice %get3A_1 {offsets = [2392, 0], sizes = [8, 1024], strides = [1, 1]} : vector<4000x1024xf32> to vector<8x1024xf32>
    %add3A_598 = arith.addf %add3A_596, %slice3A_597 : vector<8x1024xf32>
    %slice3A_599 = vector.extract_strided_slice %get3A_1 {offsets = [2400, 0], sizes = [8, 1024], strides = [1, 1]} : vector<4000x1024xf32> to vector<8x1024xf32>
    %add3A_600 = arith.addf %add3A_598, %slice3A_599 : vector<8x1024xf32>
    %slice3A_601 = vector.extract_strided_slice %get3A_1 {offsets = [2408, 0], sizes = [8, 1024], strides = [1, 1]} : vector<4000x1024xf32> to vector<8x1024xf32>
    %add3A_602 = arith.addf %add3A_600, %slice3A_601 : vector<8x1024xf32>
    %slice3A_603 = vector.extract_strided_slice %get3A_1 {offsets = [2416, 0], sizes = [8, 1024], strides = [1, 1]} : vector<4000x1024xf32> to vector<8x1024xf32>
    %add3A_604 = arith.addf %add3A_602, %slice3A_603 : vector<8x1024xf32>
    %slice3A_605 = vector.extract_strided_slice %get3A_1 {offsets = [2424, 0], sizes = [8, 1024], strides = [1, 1]} : vector<4000x1024xf32> to vector<8x1024xf32>
    %add3A_606 = arith.addf %add3A_604, %slice3A_605 : vector<8x1024xf32>
    %slice3A_607 = vector.extract_strided_slice %get3A_1 {offsets = [2432, 0], sizes = [8, 1024], strides = [1, 1]} : vector<4000x1024xf32> to vector<8x1024xf32>
    %add3A_608 = arith.addf %add3A_606, %slice3A_607 : vector<8x1024xf32>
    %slice3A_609 = vector.extract_strided_slice %get3A_1 {offsets = [2440, 0], sizes = [8, 1024], strides = [1, 1]} : vector<4000x1024xf32> to vector<8x1024xf32>
    %add3A_610 = arith.addf %add3A_608, %slice3A_609 : vector<8x1024xf32>
    %slice3A_611 = vector.extract_strided_slice %get3A_1 {offsets = [2448, 0], sizes = [8, 1024], strides = [1, 1]} : vector<4000x1024xf32> to vector<8x1024xf32>
    %add3A_612 = arith.addf %add3A_610, %slice3A_611 : vector<8x1024xf32>
    %slice3A_613 = vector.extract_strided_slice %get3A_1 {offsets = [2456, 0], sizes = [8, 1024], strides = [1, 1]} : vector<4000x1024xf32> to vector<8x1024xf32>
    %add3A_614 = arith.addf %add3A_612, %slice3A_613 : vector<8x1024xf32>
    %slice3A_615 = vector.extract_strided_slice %get3A_1 {offsets = [2464, 0], sizes = [8, 1024], strides = [1, 1]} : vector<4000x1024xf32> to vector<8x1024xf32>
    %add3A_616 = arith.addf %add3A_614, %slice3A_615 : vector<8x1024xf32>
    %slice3A_617 = vector.extract_strided_slice %get3A_1 {offsets = [2472, 0], sizes = [8, 1024], strides = [1, 1]} : vector<4000x1024xf32> to vector<8x1024xf32>
    %add3A_618 = arith.addf %add3A_616, %slice3A_617 : vector<8x1024xf32>
    %slice3A_619 = vector.extract_strided_slice %get3A_1 {offsets = [2480, 0], sizes = [8, 1024], strides = [1, 1]} : vector<4000x1024xf32> to vector<8x1024xf32>
    %add3A_620 = arith.addf %add3A_618, %slice3A_619 : vector<8x1024xf32>
    %slice3A_621 = vector.extract_strided_slice %get3A_1 {offsets = [2488, 0], sizes = [8, 1024], strides = [1, 1]} : vector<4000x1024xf32> to vector<8x1024xf32>
    %add3A_622 = arith.addf %add3A_620, %slice3A_621 : vector<8x1024xf32>
    %slice3A_623 = vector.extract_strided_slice %get3A_1 {offsets = [2496, 0], sizes = [8, 1024], strides = [1, 1]} : vector<4000x1024xf32> to vector<8x1024xf32>
    %add3A_624 = arith.addf %add3A_622, %slice3A_623 : vector<8x1024xf32>
    %slice3A_625 = vector.extract_strided_slice %get3A_1 {offsets = [2504, 0], sizes = [8, 1024], strides = [1, 1]} : vector<4000x1024xf32> to vector<8x1024xf32>
    %add3A_626 = arith.addf %add3A_624, %slice3A_625 : vector<8x1024xf32>
    %slice3A_627 = vector.extract_strided_slice %get3A_1 {offsets = [2512, 0], sizes = [8, 1024], strides = [1, 1]} : vector<4000x1024xf32> to vector<8x1024xf32>
    %add3A_628 = arith.addf %add3A_626, %slice3A_627 : vector<8x1024xf32>
    %slice3A_629 = vector.extract_strided_slice %get3A_1 {offsets = [2520, 0], sizes = [8, 1024], strides = [1, 1]} : vector<4000x1024xf32> to vector<8x1024xf32>
    %add3A_630 = arith.addf %add3A_628, %slice3A_629 : vector<8x1024xf32>
    %slice3A_631 = vector.extract_strided_slice %get3A_1 {offsets = [2528, 0], sizes = [8, 1024], strides = [1, 1]} : vector<4000x1024xf32> to vector<8x1024xf32>
    %add3A_632 = arith.addf %add3A_630, %slice3A_631 : vector<8x1024xf32>
    %slice3A_633 = vector.extract_strided_slice %get3A_1 {offsets = [2536, 0], sizes = [8, 1024], strides = [1, 1]} : vector<4000x1024xf32> to vector<8x1024xf32>
    %add3A_634 = arith.addf %add3A_632, %slice3A_633 : vector<8x1024xf32>
    %slice3A_635 = vector.extract_strided_slice %get3A_1 {offsets = [2544, 0], sizes = [8, 1024], strides = [1, 1]} : vector<4000x1024xf32> to vector<8x1024xf32>
    %add3A_636 = arith.addf %add3A_634, %slice3A_635 : vector<8x1024xf32>
    %slice3A_637 = vector.extract_strided_slice %get3A_1 {offsets = [2552, 0], sizes = [8, 1024], strides = [1, 1]} : vector<4000x1024xf32> to vector<8x1024xf32>
    %add3A_638 = arith.addf %add3A_636, %slice3A_637 : vector<8x1024xf32>
    %slice3A_639 = vector.extract_strided_slice %get3A_1 {offsets = [2560, 0], sizes = [8, 1024], strides = [1, 1]} : vector<4000x1024xf32> to vector<8x1024xf32>
    %add3A_640 = arith.addf %add3A_638, %slice3A_639 : vector<8x1024xf32>
    %slice3A_641 = vector.extract_strided_slice %get3A_1 {offsets = [2568, 0], sizes = [8, 1024], strides = [1, 1]} : vector<4000x1024xf32> to vector<8x1024xf32>
    %add3A_642 = arith.addf %add3A_640, %slice3A_641 : vector<8x1024xf32>
    %slice3A_643 = vector.extract_strided_slice %get3A_1 {offsets = [2576, 0], sizes = [8, 1024], strides = [1, 1]} : vector<4000x1024xf32> to vector<8x1024xf32>
    %add3A_644 = arith.addf %add3A_642, %slice3A_643 : vector<8x1024xf32>
    %slice3A_645 = vector.extract_strided_slice %get3A_1 {offsets = [2584, 0], sizes = [8, 1024], strides = [1, 1]} : vector<4000x1024xf32> to vector<8x1024xf32>
    %add3A_646 = arith.addf %add3A_644, %slice3A_645 : vector<8x1024xf32>
    %slice3A_647 = vector.extract_strided_slice %get3A_1 {offsets = [2592, 0], sizes = [8, 1024], strides = [1, 1]} : vector<4000x1024xf32> to vector<8x1024xf32>
    %add3A_648 = arith.addf %add3A_646, %slice3A_647 : vector<8x1024xf32>
    %slice3A_649 = vector.extract_strided_slice %get3A_1 {offsets = [2600, 0], sizes = [8, 1024], strides = [1, 1]} : vector<4000x1024xf32> to vector<8x1024xf32>
    %add3A_650 = arith.addf %add3A_648, %slice3A_649 : vector<8x1024xf32>
    %slice3A_651 = vector.extract_strided_slice %get3A_1 {offsets = [2608, 0], sizes = [8, 1024], strides = [1, 1]} : vector<4000x1024xf32> to vector<8x1024xf32>
    %add3A_652 = arith.addf %add3A_650, %slice3A_651 : vector<8x1024xf32>
    %slice3A_653 = vector.extract_strided_slice %get3A_1 {offsets = [2616, 0], sizes = [8, 1024], strides = [1, 1]} : vector<4000x1024xf32> to vector<8x1024xf32>
    %add3A_654 = arith.addf %add3A_652, %slice3A_653 : vector<8x1024xf32>
    %slice3A_655 = vector.extract_strided_slice %get3A_1 {offsets = [2624, 0], sizes = [8, 1024], strides = [1, 1]} : vector<4000x1024xf32> to vector<8x1024xf32>
    %add3A_656 = arith.addf %add3A_654, %slice3A_655 : vector<8x1024xf32>
    %slice3A_657 = vector.extract_strided_slice %get3A_1 {offsets = [2632, 0], sizes = [8, 1024], strides = [1, 1]} : vector<4000x1024xf32> to vector<8x1024xf32>
    %add3A_658 = arith.addf %add3A_656, %slice3A_657 : vector<8x1024xf32>
    %slice3A_659 = vector.extract_strided_slice %get3A_1 {offsets = [2640, 0], sizes = [8, 1024], strides = [1, 1]} : vector<4000x1024xf32> to vector<8x1024xf32>
    %add3A_660 = arith.addf %add3A_658, %slice3A_659 : vector<8x1024xf32>
    %slice3A_661 = vector.extract_strided_slice %get3A_1 {offsets = [2648, 0], sizes = [8, 1024], strides = [1, 1]} : vector<4000x1024xf32> to vector<8x1024xf32>
    %add3A_662 = arith.addf %add3A_660, %slice3A_661 : vector<8x1024xf32>
    %slice3A_663 = vector.extract_strided_slice %get3A_1 {offsets = [2656, 0], sizes = [8, 1024], strides = [1, 1]} : vector<4000x1024xf32> to vector<8x1024xf32>
    %add3A_664 = arith.addf %add3A_662, %slice3A_663 : vector<8x1024xf32>
    %slice3A_665 = vector.extract_strided_slice %get3A_1 {offsets = [2664, 0], sizes = [8, 1024], strides = [1, 1]} : vector<4000x1024xf32> to vector<8x1024xf32>
    %add3A_666 = arith.addf %add3A_664, %slice3A_665 : vector<8x1024xf32>
    %slice3A_667 = vector.extract_strided_slice %get3A_1 {offsets = [2672, 0], sizes = [8, 1024], strides = [1, 1]} : vector<4000x1024xf32> to vector<8x1024xf32>
    %add3A_668 = arith.addf %add3A_666, %slice3A_667 : vector<8x1024xf32>
    %slice3A_669 = vector.extract_strided_slice %get3A_1 {offsets = [2680, 0], sizes = [8, 1024], strides = [1, 1]} : vector<4000x1024xf32> to vector<8x1024xf32>
    %add3A_670 = arith.addf %add3A_668, %slice3A_669 : vector<8x1024xf32>
    %slice3A_671 = vector.extract_strided_slice %get3A_1 {offsets = [2688, 0], sizes = [8, 1024], strides = [1, 1]} : vector<4000x1024xf32> to vector<8x1024xf32>
    %add3A_672 = arith.addf %add3A_670, %slice3A_671 : vector<8x1024xf32>
    %slice3A_673 = vector.extract_strided_slice %get3A_1 {offsets = [2696, 0], sizes = [8, 1024], strides = [1, 1]} : vector<4000x1024xf32> to vector<8x1024xf32>
    %add3A_674 = arith.addf %add3A_672, %slice3A_673 : vector<8x1024xf32>
    %slice3A_675 = vector.extract_strided_slice %get3A_1 {offsets = [2704, 0], sizes = [8, 1024], strides = [1, 1]} : vector<4000x1024xf32> to vector<8x1024xf32>
    %add3A_676 = arith.addf %add3A_674, %slice3A_675 : vector<8x1024xf32>
    %slice3A_677 = vector.extract_strided_slice %get3A_1 {offsets = [2712, 0], sizes = [8, 1024], strides = [1, 1]} : vector<4000x1024xf32> to vector<8x1024xf32>
    %add3A_678 = arith.addf %add3A_676, %slice3A_677 : vector<8x1024xf32>
    %slice3A_679 = vector.extract_strided_slice %get3A_1 {offsets = [2720, 0], sizes = [8, 1024], strides = [1, 1]} : vector<4000x1024xf32> to vector<8x1024xf32>
    %add3A_680 = arith.addf %add3A_678, %slice3A_679 : vector<8x1024xf32>
    %slice3A_681 = vector.extract_strided_slice %get3A_1 {offsets = [2728, 0], sizes = [8, 1024], strides = [1, 1]} : vector<4000x1024xf32> to vector<8x1024xf32>
    %add3A_682 = arith.addf %add3A_680, %slice3A_681 : vector<8x1024xf32>
    %slice3A_683 = vector.extract_strided_slice %get3A_1 {offsets = [2736, 0], sizes = [8, 1024], strides = [1, 1]} : vector<4000x1024xf32> to vector<8x1024xf32>
    %add3A_684 = arith.addf %add3A_682, %slice3A_683 : vector<8x1024xf32>
    %slice3A_685 = vector.extract_strided_slice %get3A_1 {offsets = [2744, 0], sizes = [8, 1024], strides = [1, 1]} : vector<4000x1024xf32> to vector<8x1024xf32>
    %add3A_686 = arith.addf %add3A_684, %slice3A_685 : vector<8x1024xf32>
    %slice3A_687 = vector.extract_strided_slice %get3A_1 {offsets = [2752, 0], sizes = [8, 1024], strides = [1, 1]} : vector<4000x1024xf32> to vector<8x1024xf32>
    %add3A_688 = arith.addf %add3A_686, %slice3A_687 : vector<8x1024xf32>
    %slice3A_689 = vector.extract_strided_slice %get3A_1 {offsets = [2760, 0], sizes = [8, 1024], strides = [1, 1]} : vector<4000x1024xf32> to vector<8x1024xf32>
    %add3A_690 = arith.addf %add3A_688, %slice3A_689 : vector<8x1024xf32>
    %slice3A_691 = vector.extract_strided_slice %get3A_1 {offsets = [2768, 0], sizes = [8, 1024], strides = [1, 1]} : vector<4000x1024xf32> to vector<8x1024xf32>
    %add3A_692 = arith.addf %add3A_690, %slice3A_691 : vector<8x1024xf32>
    %slice3A_693 = vector.extract_strided_slice %get3A_1 {offsets = [2776, 0], sizes = [8, 1024], strides = [1, 1]} : vector<4000x1024xf32> to vector<8x1024xf32>
    %add3A_694 = arith.addf %add3A_692, %slice3A_693 : vector<8x1024xf32>
    %slice3A_695 = vector.extract_strided_slice %get3A_1 {offsets = [2784, 0], sizes = [8, 1024], strides = [1, 1]} : vector<4000x1024xf32> to vector<8x1024xf32>
    %add3A_696 = arith.addf %add3A_694, %slice3A_695 : vector<8x1024xf32>
    %slice3A_697 = vector.extract_strided_slice %get3A_1 {offsets = [2792, 0], sizes = [8, 1024], strides = [1, 1]} : vector<4000x1024xf32> to vector<8x1024xf32>
    %add3A_698 = arith.addf %add3A_696, %slice3A_697 : vector<8x1024xf32>
    %slice3A_699 = vector.extract_strided_slice %get3A_1 {offsets = [2800, 0], sizes = [8, 1024], strides = [1, 1]} : vector<4000x1024xf32> to vector<8x1024xf32>
    %add3A_700 = arith.addf %add3A_698, %slice3A_699 : vector<8x1024xf32>
    %slice3A_701 = vector.extract_strided_slice %get3A_1 {offsets = [2808, 0], sizes = [8, 1024], strides = [1, 1]} : vector<4000x1024xf32> to vector<8x1024xf32>
    %add3A_702 = arith.addf %add3A_700, %slice3A_701 : vector<8x1024xf32>
    %slice3A_703 = vector.extract_strided_slice %get3A_1 {offsets = [2816, 0], sizes = [8, 1024], strides = [1, 1]} : vector<4000x1024xf32> to vector<8x1024xf32>
    %add3A_704 = arith.addf %add3A_702, %slice3A_703 : vector<8x1024xf32>
    %slice3A_705 = vector.extract_strided_slice %get3A_1 {offsets = [2824, 0], sizes = [8, 1024], strides = [1, 1]} : vector<4000x1024xf32> to vector<8x1024xf32>
    %add3A_706 = arith.addf %add3A_704, %slice3A_705 : vector<8x1024xf32>
    %slice3A_707 = vector.extract_strided_slice %get3A_1 {offsets = [2832, 0], sizes = [8, 1024], strides = [1, 1]} : vector<4000x1024xf32> to vector<8x1024xf32>
    %add3A_708 = arith.addf %add3A_706, %slice3A_707 : vector<8x1024xf32>
    %slice3A_709 = vector.extract_strided_slice %get3A_1 {offsets = [2840, 0], sizes = [8, 1024], strides = [1, 1]} : vector<4000x1024xf32> to vector<8x1024xf32>
    %add3A_710 = arith.addf %add3A_708, %slice3A_709 : vector<8x1024xf32>
    %slice3A_711 = vector.extract_strided_slice %get3A_1 {offsets = [2848, 0], sizes = [8, 1024], strides = [1, 1]} : vector<4000x1024xf32> to vector<8x1024xf32>
    %add3A_712 = arith.addf %add3A_710, %slice3A_711 : vector<8x1024xf32>
    %slice3A_713 = vector.extract_strided_slice %get3A_1 {offsets = [2856, 0], sizes = [8, 1024], strides = [1, 1]} : vector<4000x1024xf32> to vector<8x1024xf32>
    %add3A_714 = arith.addf %add3A_712, %slice3A_713 : vector<8x1024xf32>
    %slice3A_715 = vector.extract_strided_slice %get3A_1 {offsets = [2864, 0], sizes = [8, 1024], strides = [1, 1]} : vector<4000x1024xf32> to vector<8x1024xf32>
    %add3A_716 = arith.addf %add3A_714, %slice3A_715 : vector<8x1024xf32>
    %slice3A_717 = vector.extract_strided_slice %get3A_1 {offsets = [2872, 0], sizes = [8, 1024], strides = [1, 1]} : vector<4000x1024xf32> to vector<8x1024xf32>
    %add3A_718 = arith.addf %add3A_716, %slice3A_717 : vector<8x1024xf32>
    %slice3A_719 = vector.extract_strided_slice %get3A_1 {offsets = [2880, 0], sizes = [8, 1024], strides = [1, 1]} : vector<4000x1024xf32> to vector<8x1024xf32>
    %add3A_720 = arith.addf %add3A_718, %slice3A_719 : vector<8x1024xf32>
    %slice3A_721 = vector.extract_strided_slice %get3A_1 {offsets = [2888, 0], sizes = [8, 1024], strides = [1, 1]} : vector<4000x1024xf32> to vector<8x1024xf32>
    %add3A_722 = arith.addf %add3A_720, %slice3A_721 : vector<8x1024xf32>
    %slice3A_723 = vector.extract_strided_slice %get3A_1 {offsets = [2896, 0], sizes = [8, 1024], strides = [1, 1]} : vector<4000x1024xf32> to vector<8x1024xf32>
    %add3A_724 = arith.addf %add3A_722, %slice3A_723 : vector<8x1024xf32>
    %slice3A_725 = vector.extract_strided_slice %get3A_1 {offsets = [2904, 0], sizes = [8, 1024], strides = [1, 1]} : vector<4000x1024xf32> to vector<8x1024xf32>
    %add3A_726 = arith.addf %add3A_724, %slice3A_725 : vector<8x1024xf32>
    %slice3A_727 = vector.extract_strided_slice %get3A_1 {offsets = [2912, 0], sizes = [8, 1024], strides = [1, 1]} : vector<4000x1024xf32> to vector<8x1024xf32>
    %add3A_728 = arith.addf %add3A_726, %slice3A_727 : vector<8x1024xf32>
    %slice3A_729 = vector.extract_strided_slice %get3A_1 {offsets = [2920, 0], sizes = [8, 1024], strides = [1, 1]} : vector<4000x1024xf32> to vector<8x1024xf32>
    %add3A_730 = arith.addf %add3A_728, %slice3A_729 : vector<8x1024xf32>
    %slice3A_731 = vector.extract_strided_slice %get3A_1 {offsets = [2928, 0], sizes = [8, 1024], strides = [1, 1]} : vector<4000x1024xf32> to vector<8x1024xf32>
    %add3A_732 = arith.addf %add3A_730, %slice3A_731 : vector<8x1024xf32>
    %slice3A_733 = vector.extract_strided_slice %get3A_1 {offsets = [2936, 0], sizes = [8, 1024], strides = [1, 1]} : vector<4000x1024xf32> to vector<8x1024xf32>
    %add3A_734 = arith.addf %add3A_732, %slice3A_733 : vector<8x1024xf32>
    %slice3A_735 = vector.extract_strided_slice %get3A_1 {offsets = [2944, 0], sizes = [8, 1024], strides = [1, 1]} : vector<4000x1024xf32> to vector<8x1024xf32>
    %add3A_736 = arith.addf %add3A_734, %slice3A_735 : vector<8x1024xf32>
    %slice3A_737 = vector.extract_strided_slice %get3A_1 {offsets = [2952, 0], sizes = [8, 1024], strides = [1, 1]} : vector<4000x1024xf32> to vector<8x1024xf32>
    %add3A_738 = arith.addf %add3A_736, %slice3A_737 : vector<8x1024xf32>
    %slice3A_739 = vector.extract_strided_slice %get3A_1 {offsets = [2960, 0], sizes = [8, 1024], strides = [1, 1]} : vector<4000x1024xf32> to vector<8x1024xf32>
    %add3A_740 = arith.addf %add3A_738, %slice3A_739 : vector<8x1024xf32>
    %slice3A_741 = vector.extract_strided_slice %get3A_1 {offsets = [2968, 0], sizes = [8, 1024], strides = [1, 1]} : vector<4000x1024xf32> to vector<8x1024xf32>
    %add3A_742 = arith.addf %add3A_740, %slice3A_741 : vector<8x1024xf32>
    %slice3A_743 = vector.extract_strided_slice %get3A_1 {offsets = [2976, 0], sizes = [8, 1024], strides = [1, 1]} : vector<4000x1024xf32> to vector<8x1024xf32>
    %add3A_744 = arith.addf %add3A_742, %slice3A_743 : vector<8x1024xf32>
    %slice3A_745 = vector.extract_strided_slice %get3A_1 {offsets = [2984, 0], sizes = [8, 1024], strides = [1, 1]} : vector<4000x1024xf32> to vector<8x1024xf32>
    %add3A_746 = arith.addf %add3A_744, %slice3A_745 : vector<8x1024xf32>
    %slice3A_747 = vector.extract_strided_slice %get3A_1 {offsets = [2992, 0], sizes = [8, 1024], strides = [1, 1]} : vector<4000x1024xf32> to vector<8x1024xf32>
    %add3A_748 = arith.addf %add3A_746, %slice3A_747 : vector<8x1024xf32>
    %slice3A_749 = vector.extract_strided_slice %get3A_1 {offsets = [3000, 0], sizes = [8, 1024], strides = [1, 1]} : vector<4000x1024xf32> to vector<8x1024xf32>
    %add3A_750 = arith.addf %add3A_748, %slice3A_749 : vector<8x1024xf32>
    %slice3A_751 = vector.extract_strided_slice %get3A_1 {offsets = [3008, 0], sizes = [8, 1024], strides = [1, 1]} : vector<4000x1024xf32> to vector<8x1024xf32>
    %add3A_752 = arith.addf %add3A_750, %slice3A_751 : vector<8x1024xf32>
    %slice3A_753 = vector.extract_strided_slice %get3A_1 {offsets = [3016, 0], sizes = [8, 1024], strides = [1, 1]} : vector<4000x1024xf32> to vector<8x1024xf32>
    %add3A_754 = arith.addf %add3A_752, %slice3A_753 : vector<8x1024xf32>
    %slice3A_755 = vector.extract_strided_slice %get3A_1 {offsets = [3024, 0], sizes = [8, 1024], strides = [1, 1]} : vector<4000x1024xf32> to vector<8x1024xf32>
    %add3A_756 = arith.addf %add3A_754, %slice3A_755 : vector<8x1024xf32>
    %slice3A_757 = vector.extract_strided_slice %get3A_1 {offsets = [3032, 0], sizes = [8, 1024], strides = [1, 1]} : vector<4000x1024xf32> to vector<8x1024xf32>
    %add3A_758 = arith.addf %add3A_756, %slice3A_757 : vector<8x1024xf32>
    %slice3A_759 = vector.extract_strided_slice %get3A_1 {offsets = [3040, 0], sizes = [8, 1024], strides = [1, 1]} : vector<4000x1024xf32> to vector<8x1024xf32>
    %add3A_760 = arith.addf %add3A_758, %slice3A_759 : vector<8x1024xf32>
    %slice3A_761 = vector.extract_strided_slice %get3A_1 {offsets = [3048, 0], sizes = [8, 1024], strides = [1, 1]} : vector<4000x1024xf32> to vector<8x1024xf32>
    %add3A_762 = arith.addf %add3A_760, %slice3A_761 : vector<8x1024xf32>
    %slice3A_763 = vector.extract_strided_slice %get3A_1 {offsets = [3056, 0], sizes = [8, 1024], strides = [1, 1]} : vector<4000x1024xf32> to vector<8x1024xf32>
    %add3A_764 = arith.addf %add3A_762, %slice3A_763 : vector<8x1024xf32>
    %slice3A_765 = vector.extract_strided_slice %get3A_1 {offsets = [3064, 0], sizes = [8, 1024], strides = [1, 1]} : vector<4000x1024xf32> to vector<8x1024xf32>
    %add3A_766 = arith.addf %add3A_764, %slice3A_765 : vector<8x1024xf32>
    %slice3A_767 = vector.extract_strided_slice %get3A_1 {offsets = [3072, 0], sizes = [8, 1024], strides = [1, 1]} : vector<4000x1024xf32> to vector<8x1024xf32>
    %add3A_768 = arith.addf %add3A_766, %slice3A_767 : vector<8x1024xf32>
    %slice3A_769 = vector.extract_strided_slice %get3A_1 {offsets = [3080, 0], sizes = [8, 1024], strides = [1, 1]} : vector<4000x1024xf32> to vector<8x1024xf32>
    %add3A_770 = arith.addf %add3A_768, %slice3A_769 : vector<8x1024xf32>
    %slice3A_771 = vector.extract_strided_slice %get3A_1 {offsets = [3088, 0], sizes = [8, 1024], strides = [1, 1]} : vector<4000x1024xf32> to vector<8x1024xf32>
    %add3A_772 = arith.addf %add3A_770, %slice3A_771 : vector<8x1024xf32>
    %slice3A_773 = vector.extract_strided_slice %get3A_1 {offsets = [3096, 0], sizes = [8, 1024], strides = [1, 1]} : vector<4000x1024xf32> to vector<8x1024xf32>
    %add3A_774 = arith.addf %add3A_772, %slice3A_773 : vector<8x1024xf32>
    %slice3A_775 = vector.extract_strided_slice %get3A_1 {offsets = [3104, 0], sizes = [8, 1024], strides = [1, 1]} : vector<4000x1024xf32> to vector<8x1024xf32>
    %add3A_776 = arith.addf %add3A_774, %slice3A_775 : vector<8x1024xf32>
    %slice3A_777 = vector.extract_strided_slice %get3A_1 {offsets = [3112, 0], sizes = [8, 1024], strides = [1, 1]} : vector<4000x1024xf32> to vector<8x1024xf32>
    %add3A_778 = arith.addf %add3A_776, %slice3A_777 : vector<8x1024xf32>
    %slice3A_779 = vector.extract_strided_slice %get3A_1 {offsets = [3120, 0], sizes = [8, 1024], strides = [1, 1]} : vector<4000x1024xf32> to vector<8x1024xf32>
    %add3A_780 = arith.addf %add3A_778, %slice3A_779 : vector<8x1024xf32>
    %slice3A_781 = vector.extract_strided_slice %get3A_1 {offsets = [3128, 0], sizes = [8, 1024], strides = [1, 1]} : vector<4000x1024xf32> to vector<8x1024xf32>
    %add3A_782 = arith.addf %add3A_780, %slice3A_781 : vector<8x1024xf32>
    %slice3A_783 = vector.extract_strided_slice %get3A_1 {offsets = [3136, 0], sizes = [8, 1024], strides = [1, 1]} : vector<4000x1024xf32> to vector<8x1024xf32>
    %add3A_784 = arith.addf %add3A_782, %slice3A_783 : vector<8x1024xf32>
    %slice3A_785 = vector.extract_strided_slice %get3A_1 {offsets = [3144, 0], sizes = [8, 1024], strides = [1, 1]} : vector<4000x1024xf32> to vector<8x1024xf32>
    %add3A_786 = arith.addf %add3A_784, %slice3A_785 : vector<8x1024xf32>
    %slice3A_787 = vector.extract_strided_slice %get3A_1 {offsets = [3152, 0], sizes = [8, 1024], strides = [1, 1]} : vector<4000x1024xf32> to vector<8x1024xf32>
    %add3A_788 = arith.addf %add3A_786, %slice3A_787 : vector<8x1024xf32>
    %slice3A_789 = vector.extract_strided_slice %get3A_1 {offsets = [3160, 0], sizes = [8, 1024], strides = [1, 1]} : vector<4000x1024xf32> to vector<8x1024xf32>
    %add3A_790 = arith.addf %add3A_788, %slice3A_789 : vector<8x1024xf32>
    %slice3A_791 = vector.extract_strided_slice %get3A_1 {offsets = [3168, 0], sizes = [8, 1024], strides = [1, 1]} : vector<4000x1024xf32> to vector<8x1024xf32>
    %add3A_792 = arith.addf %add3A_790, %slice3A_791 : vector<8x1024xf32>
    %slice3A_793 = vector.extract_strided_slice %get3A_1 {offsets = [3176, 0], sizes = [8, 1024], strides = [1, 1]} : vector<4000x1024xf32> to vector<8x1024xf32>
    %add3A_794 = arith.addf %add3A_792, %slice3A_793 : vector<8x1024xf32>
    %slice3A_795 = vector.extract_strided_slice %get3A_1 {offsets = [3184, 0], sizes = [8, 1024], strides = [1, 1]} : vector<4000x1024xf32> to vector<8x1024xf32>
    %add3A_796 = arith.addf %add3A_794, %slice3A_795 : vector<8x1024xf32>
    %slice3A_797 = vector.extract_strided_slice %get3A_1 {offsets = [3192, 0], sizes = [8, 1024], strides = [1, 1]} : vector<4000x1024xf32> to vector<8x1024xf32>
    %add3A_798 = arith.addf %add3A_796, %slice3A_797 : vector<8x1024xf32>
    %slice3A_799 = vector.extract_strided_slice %get3A_1 {offsets = [3200, 0], sizes = [8, 1024], strides = [1, 1]} : vector<4000x1024xf32> to vector<8x1024xf32>
    %add3A_800 = arith.addf %add3A_798, %slice3A_799 : vector<8x1024xf32>
    %slice3A_801 = vector.extract_strided_slice %get3A_1 {offsets = [3208, 0], sizes = [8, 1024], strides = [1, 1]} : vector<4000x1024xf32> to vector<8x1024xf32>
    %add3A_802 = arith.addf %add3A_800, %slice3A_801 : vector<8x1024xf32>
    %slice3A_803 = vector.extract_strided_slice %get3A_1 {offsets = [3216, 0], sizes = [8, 1024], strides = [1, 1]} : vector<4000x1024xf32> to vector<8x1024xf32>
    %add3A_804 = arith.addf %add3A_802, %slice3A_803 : vector<8x1024xf32>
    %slice3A_805 = vector.extract_strided_slice %get3A_1 {offsets = [3224, 0], sizes = [8, 1024], strides = [1, 1]} : vector<4000x1024xf32> to vector<8x1024xf32>
    %add3A_806 = arith.addf %add3A_804, %slice3A_805 : vector<8x1024xf32>
    %slice3A_807 = vector.extract_strided_slice %get3A_1 {offsets = [3232, 0], sizes = [8, 1024], strides = [1, 1]} : vector<4000x1024xf32> to vector<8x1024xf32>
    %add3A_808 = arith.addf %add3A_806, %slice3A_807 : vector<8x1024xf32>
    %slice3A_809 = vector.extract_strided_slice %get3A_1 {offsets = [3240, 0], sizes = [8, 1024], strides = [1, 1]} : vector<4000x1024xf32> to vector<8x1024xf32>
    %add3A_810 = arith.addf %add3A_808, %slice3A_809 : vector<8x1024xf32>
    %slice3A_811 = vector.extract_strided_slice %get3A_1 {offsets = [3248, 0], sizes = [8, 1024], strides = [1, 1]} : vector<4000x1024xf32> to vector<8x1024xf32>
    %add3A_812 = arith.addf %add3A_810, %slice3A_811 : vector<8x1024xf32>
    %slice3A_813 = vector.extract_strided_slice %get3A_1 {offsets = [3256, 0], sizes = [8, 1024], strides = [1, 1]} : vector<4000x1024xf32> to vector<8x1024xf32>
    %add3A_814 = arith.addf %add3A_812, %slice3A_813 : vector<8x1024xf32>
    %slice3A_815 = vector.extract_strided_slice %get3A_1 {offsets = [3264, 0], sizes = [8, 1024], strides = [1, 1]} : vector<4000x1024xf32> to vector<8x1024xf32>
    %add3A_816 = arith.addf %add3A_814, %slice3A_815 : vector<8x1024xf32>
    %slice3A_817 = vector.extract_strided_slice %get3A_1 {offsets = [3272, 0], sizes = [8, 1024], strides = [1, 1]} : vector<4000x1024xf32> to vector<8x1024xf32>
    %add3A_818 = arith.addf %add3A_816, %slice3A_817 : vector<8x1024xf32>
    %slice3A_819 = vector.extract_strided_slice %get3A_1 {offsets = [3280, 0], sizes = [8, 1024], strides = [1, 1]} : vector<4000x1024xf32> to vector<8x1024xf32>
    %add3A_820 = arith.addf %add3A_818, %slice3A_819 : vector<8x1024xf32>
    %slice3A_821 = vector.extract_strided_slice %get3A_1 {offsets = [3288, 0], sizes = [8, 1024], strides = [1, 1]} : vector<4000x1024xf32> to vector<8x1024xf32>
    %add3A_822 = arith.addf %add3A_820, %slice3A_821 : vector<8x1024xf32>
    %slice3A_823 = vector.extract_strided_slice %get3A_1 {offsets = [3296, 0], sizes = [8, 1024], strides = [1, 1]} : vector<4000x1024xf32> to vector<8x1024xf32>
    %add3A_824 = arith.addf %add3A_822, %slice3A_823 : vector<8x1024xf32>
    %slice3A_825 = vector.extract_strided_slice %get3A_1 {offsets = [3304, 0], sizes = [8, 1024], strides = [1, 1]} : vector<4000x1024xf32> to vector<8x1024xf32>
    %add3A_826 = arith.addf %add3A_824, %slice3A_825 : vector<8x1024xf32>
    %slice3A_827 = vector.extract_strided_slice %get3A_1 {offsets = [3312, 0], sizes = [8, 1024], strides = [1, 1]} : vector<4000x1024xf32> to vector<8x1024xf32>
    %add3A_828 = arith.addf %add3A_826, %slice3A_827 : vector<8x1024xf32>
    %slice3A_829 = vector.extract_strided_slice %get3A_1 {offsets = [3320, 0], sizes = [8, 1024], strides = [1, 1]} : vector<4000x1024xf32> to vector<8x1024xf32>
    %add3A_830 = arith.addf %add3A_828, %slice3A_829 : vector<8x1024xf32>
    %slice3A_831 = vector.extract_strided_slice %get3A_1 {offsets = [3328, 0], sizes = [8, 1024], strides = [1, 1]} : vector<4000x1024xf32> to vector<8x1024xf32>
    %add3A_832 = arith.addf %add3A_830, %slice3A_831 : vector<8x1024xf32>
    %slice3A_833 = vector.extract_strided_slice %get3A_1 {offsets = [3336, 0], sizes = [8, 1024], strides = [1, 1]} : vector<4000x1024xf32> to vector<8x1024xf32>
    %add3A_834 = arith.addf %add3A_832, %slice3A_833 : vector<8x1024xf32>
    %slice3A_835 = vector.extract_strided_slice %get3A_1 {offsets = [3344, 0], sizes = [8, 1024], strides = [1, 1]} : vector<4000x1024xf32> to vector<8x1024xf32>
    %add3A_836 = arith.addf %add3A_834, %slice3A_835 : vector<8x1024xf32>
    %slice3A_837 = vector.extract_strided_slice %get3A_1 {offsets = [3352, 0], sizes = [8, 1024], strides = [1, 1]} : vector<4000x1024xf32> to vector<8x1024xf32>
    %add3A_838 = arith.addf %add3A_836, %slice3A_837 : vector<8x1024xf32>
    %slice3A_839 = vector.extract_strided_slice %get3A_1 {offsets = [3360, 0], sizes = [8, 1024], strides = [1, 1]} : vector<4000x1024xf32> to vector<8x1024xf32>
    %add3A_840 = arith.addf %add3A_838, %slice3A_839 : vector<8x1024xf32>
    %slice3A_841 = vector.extract_strided_slice %get3A_1 {offsets = [3368, 0], sizes = [8, 1024], strides = [1, 1]} : vector<4000x1024xf32> to vector<8x1024xf32>
    %add3A_842 = arith.addf %add3A_840, %slice3A_841 : vector<8x1024xf32>
    %slice3A_843 = vector.extract_strided_slice %get3A_1 {offsets = [3376, 0], sizes = [8, 1024], strides = [1, 1]} : vector<4000x1024xf32> to vector<8x1024xf32>
    %add3A_844 = arith.addf %add3A_842, %slice3A_843 : vector<8x1024xf32>
    %slice3A_845 = vector.extract_strided_slice %get3A_1 {offsets = [3384, 0], sizes = [8, 1024], strides = [1, 1]} : vector<4000x1024xf32> to vector<8x1024xf32>
    %add3A_846 = arith.addf %add3A_844, %slice3A_845 : vector<8x1024xf32>
    %slice3A_847 = vector.extract_strided_slice %get3A_1 {offsets = [3392, 0], sizes = [8, 1024], strides = [1, 1]} : vector<4000x1024xf32> to vector<8x1024xf32>
    %add3A_848 = arith.addf %add3A_846, %slice3A_847 : vector<8x1024xf32>
    %slice3A_849 = vector.extract_strided_slice %get3A_1 {offsets = [3400, 0], sizes = [8, 1024], strides = [1, 1]} : vector<4000x1024xf32> to vector<8x1024xf32>
    %add3A_850 = arith.addf %add3A_848, %slice3A_849 : vector<8x1024xf32>
    %slice3A_851 = vector.extract_strided_slice %get3A_1 {offsets = [3408, 0], sizes = [8, 1024], strides = [1, 1]} : vector<4000x1024xf32> to vector<8x1024xf32>
    %add3A_852 = arith.addf %add3A_850, %slice3A_851 : vector<8x1024xf32>
    %slice3A_853 = vector.extract_strided_slice %get3A_1 {offsets = [3416, 0], sizes = [8, 1024], strides = [1, 1]} : vector<4000x1024xf32> to vector<8x1024xf32>
    %add3A_854 = arith.addf %add3A_852, %slice3A_853 : vector<8x1024xf32>
    %slice3A_855 = vector.extract_strided_slice %get3A_1 {offsets = [3424, 0], sizes = [8, 1024], strides = [1, 1]} : vector<4000x1024xf32> to vector<8x1024xf32>
    %add3A_856 = arith.addf %add3A_854, %slice3A_855 : vector<8x1024xf32>
    %slice3A_857 = vector.extract_strided_slice %get3A_1 {offsets = [3432, 0], sizes = [8, 1024], strides = [1, 1]} : vector<4000x1024xf32> to vector<8x1024xf32>
    %add3A_858 = arith.addf %add3A_856, %slice3A_857 : vector<8x1024xf32>
    %slice3A_859 = vector.extract_strided_slice %get3A_1 {offsets = [3440, 0], sizes = [8, 1024], strides = [1, 1]} : vector<4000x1024xf32> to vector<8x1024xf32>
    %add3A_860 = arith.addf %add3A_858, %slice3A_859 : vector<8x1024xf32>
    %slice3A_861 = vector.extract_strided_slice %get3A_1 {offsets = [3448, 0], sizes = [8, 1024], strides = [1, 1]} : vector<4000x1024xf32> to vector<8x1024xf32>
    %add3A_862 = arith.addf %add3A_860, %slice3A_861 : vector<8x1024xf32>
    %slice3A_863 = vector.extract_strided_slice %get3A_1 {offsets = [3456, 0], sizes = [8, 1024], strides = [1, 1]} : vector<4000x1024xf32> to vector<8x1024xf32>
    %add3A_864 = arith.addf %add3A_862, %slice3A_863 : vector<8x1024xf32>
    %slice3A_865 = vector.extract_strided_slice %get3A_1 {offsets = [3464, 0], sizes = [8, 1024], strides = [1, 1]} : vector<4000x1024xf32> to vector<8x1024xf32>
    %add3A_866 = arith.addf %add3A_864, %slice3A_865 : vector<8x1024xf32>
    %slice3A_867 = vector.extract_strided_slice %get3A_1 {offsets = [3472, 0], sizes = [8, 1024], strides = [1, 1]} : vector<4000x1024xf32> to vector<8x1024xf32>
    %add3A_868 = arith.addf %add3A_866, %slice3A_867 : vector<8x1024xf32>
    %slice3A_869 = vector.extract_strided_slice %get3A_1 {offsets = [3480, 0], sizes = [8, 1024], strides = [1, 1]} : vector<4000x1024xf32> to vector<8x1024xf32>
    %add3A_870 = arith.addf %add3A_868, %slice3A_869 : vector<8x1024xf32>
    %slice3A_871 = vector.extract_strided_slice %get3A_1 {offsets = [3488, 0], sizes = [8, 1024], strides = [1, 1]} : vector<4000x1024xf32> to vector<8x1024xf32>
    %add3A_872 = arith.addf %add3A_870, %slice3A_871 : vector<8x1024xf32>
    %slice3A_873 = vector.extract_strided_slice %get3A_1 {offsets = [3496, 0], sizes = [8, 1024], strides = [1, 1]} : vector<4000x1024xf32> to vector<8x1024xf32>
    %add3A_874 = arith.addf %add3A_872, %slice3A_873 : vector<8x1024xf32>
    %slice3A_875 = vector.extract_strided_slice %get3A_1 {offsets = [3504, 0], sizes = [8, 1024], strides = [1, 1]} : vector<4000x1024xf32> to vector<8x1024xf32>
    %add3A_876 = arith.addf %add3A_874, %slice3A_875 : vector<8x1024xf32>
    %slice3A_877 = vector.extract_strided_slice %get3A_1 {offsets = [3512, 0], sizes = [8, 1024], strides = [1, 1]} : vector<4000x1024xf32> to vector<8x1024xf32>
    %add3A_878 = arith.addf %add3A_876, %slice3A_877 : vector<8x1024xf32>
    %slice3A_879 = vector.extract_strided_slice %get3A_1 {offsets = [3520, 0], sizes = [8, 1024], strides = [1, 1]} : vector<4000x1024xf32> to vector<8x1024xf32>
    %add3A_880 = arith.addf %add3A_878, %slice3A_879 : vector<8x1024xf32>
    %slice3A_881 = vector.extract_strided_slice %get3A_1 {offsets = [3528, 0], sizes = [8, 1024], strides = [1, 1]} : vector<4000x1024xf32> to vector<8x1024xf32>
    %add3A_882 = arith.addf %add3A_880, %slice3A_881 : vector<8x1024xf32>
    %slice3A_883 = vector.extract_strided_slice %get3A_1 {offsets = [3536, 0], sizes = [8, 1024], strides = [1, 1]} : vector<4000x1024xf32> to vector<8x1024xf32>
    %add3A_884 = arith.addf %add3A_882, %slice3A_883 : vector<8x1024xf32>
    %slice3A_885 = vector.extract_strided_slice %get3A_1 {offsets = [3544, 0], sizes = [8, 1024], strides = [1, 1]} : vector<4000x1024xf32> to vector<8x1024xf32>
    %add3A_886 = arith.addf %add3A_884, %slice3A_885 : vector<8x1024xf32>
    %slice3A_887 = vector.extract_strided_slice %get3A_1 {offsets = [3552, 0], sizes = [8, 1024], strides = [1, 1]} : vector<4000x1024xf32> to vector<8x1024xf32>
    %add3A_888 = arith.addf %add3A_886, %slice3A_887 : vector<8x1024xf32>
    %slice3A_889 = vector.extract_strided_slice %get3A_1 {offsets = [3560, 0], sizes = [8, 1024], strides = [1, 1]} : vector<4000x1024xf32> to vector<8x1024xf32>
    %add3A_890 = arith.addf %add3A_888, %slice3A_889 : vector<8x1024xf32>
    %slice3A_891 = vector.extract_strided_slice %get3A_1 {offsets = [3568, 0], sizes = [8, 1024], strides = [1, 1]} : vector<4000x1024xf32> to vector<8x1024xf32>
    %add3A_892 = arith.addf %add3A_890, %slice3A_891 : vector<8x1024xf32>
    %slice3A_893 = vector.extract_strided_slice %get3A_1 {offsets = [3576, 0], sizes = [8, 1024], strides = [1, 1]} : vector<4000x1024xf32> to vector<8x1024xf32>
    %add3A_894 = arith.addf %add3A_892, %slice3A_893 : vector<8x1024xf32>
    %slice3A_895 = vector.extract_strided_slice %get3A_1 {offsets = [3584, 0], sizes = [8, 1024], strides = [1, 1]} : vector<4000x1024xf32> to vector<8x1024xf32>
    %add3A_896 = arith.addf %add3A_894, %slice3A_895 : vector<8x1024xf32>
    %slice3A_897 = vector.extract_strided_slice %get3A_1 {offsets = [3592, 0], sizes = [8, 1024], strides = [1, 1]} : vector<4000x1024xf32> to vector<8x1024xf32>
    %add3A_898 = arith.addf %add3A_896, %slice3A_897 : vector<8x1024xf32>
    %slice3A_899 = vector.extract_strided_slice %get3A_1 {offsets = [3600, 0], sizes = [8, 1024], strides = [1, 1]} : vector<4000x1024xf32> to vector<8x1024xf32>
    %add3A_900 = arith.addf %add3A_898, %slice3A_899 : vector<8x1024xf32>
    %slice3A_901 = vector.extract_strided_slice %get3A_1 {offsets = [3608, 0], sizes = [8, 1024], strides = [1, 1]} : vector<4000x1024xf32> to vector<8x1024xf32>
    %add3A_902 = arith.addf %add3A_900, %slice3A_901 : vector<8x1024xf32>
    %slice3A_903 = vector.extract_strided_slice %get3A_1 {offsets = [3616, 0], sizes = [8, 1024], strides = [1, 1]} : vector<4000x1024xf32> to vector<8x1024xf32>
    %add3A_904 = arith.addf %add3A_902, %slice3A_903 : vector<8x1024xf32>
    %slice3A_905 = vector.extract_strided_slice %get3A_1 {offsets = [3624, 0], sizes = [8, 1024], strides = [1, 1]} : vector<4000x1024xf32> to vector<8x1024xf32>
    %add3A_906 = arith.addf %add3A_904, %slice3A_905 : vector<8x1024xf32>
    %slice3A_907 = vector.extract_strided_slice %get3A_1 {offsets = [3632, 0], sizes = [8, 1024], strides = [1, 1]} : vector<4000x1024xf32> to vector<8x1024xf32>
    %add3A_908 = arith.addf %add3A_906, %slice3A_907 : vector<8x1024xf32>
    %slice3A_909 = vector.extract_strided_slice %get3A_1 {offsets = [3640, 0], sizes = [8, 1024], strides = [1, 1]} : vector<4000x1024xf32> to vector<8x1024xf32>
    %add3A_910 = arith.addf %add3A_908, %slice3A_909 : vector<8x1024xf32>
    %slice3A_911 = vector.extract_strided_slice %get3A_1 {offsets = [3648, 0], sizes = [8, 1024], strides = [1, 1]} : vector<4000x1024xf32> to vector<8x1024xf32>
    %add3A_912 = arith.addf %add3A_910, %slice3A_911 : vector<8x1024xf32>
    %slice3A_913 = vector.extract_strided_slice %get3A_1 {offsets = [3656, 0], sizes = [8, 1024], strides = [1, 1]} : vector<4000x1024xf32> to vector<8x1024xf32>
    %add3A_914 = arith.addf %add3A_912, %slice3A_913 : vector<8x1024xf32>
    %slice3A_915 = vector.extract_strided_slice %get3A_1 {offsets = [3664, 0], sizes = [8, 1024], strides = [1, 1]} : vector<4000x1024xf32> to vector<8x1024xf32>
    %add3A_916 = arith.addf %add3A_914, %slice3A_915 : vector<8x1024xf32>
    %slice3A_917 = vector.extract_strided_slice %get3A_1 {offsets = [3672, 0], sizes = [8, 1024], strides = [1, 1]} : vector<4000x1024xf32> to vector<8x1024xf32>
    %add3A_918 = arith.addf %add3A_916, %slice3A_917 : vector<8x1024xf32>
    %slice3A_919 = vector.extract_strided_slice %get3A_1 {offsets = [3680, 0], sizes = [8, 1024], strides = [1, 1]} : vector<4000x1024xf32> to vector<8x1024xf32>
    %add3A_920 = arith.addf %add3A_918, %slice3A_919 : vector<8x1024xf32>
    %slice3A_921 = vector.extract_strided_slice %get3A_1 {offsets = [3688, 0], sizes = [8, 1024], strides = [1, 1]} : vector<4000x1024xf32> to vector<8x1024xf32>
    %add3A_922 = arith.addf %add3A_920, %slice3A_921 : vector<8x1024xf32>
    %slice3A_923 = vector.extract_strided_slice %get3A_1 {offsets = [3696, 0], sizes = [8, 1024], strides = [1, 1]} : vector<4000x1024xf32> to vector<8x1024xf32>
    %add3A_924 = arith.addf %add3A_922, %slice3A_923 : vector<8x1024xf32>
    %slice3A_925 = vector.extract_strided_slice %get3A_1 {offsets = [3704, 0], sizes = [8, 1024], strides = [1, 1]} : vector<4000x1024xf32> to vector<8x1024xf32>
    %add3A_926 = arith.addf %add3A_924, %slice3A_925 : vector<8x1024xf32>
    %slice3A_927 = vector.extract_strided_slice %get3A_1 {offsets = [3712, 0], sizes = [8, 1024], strides = [1, 1]} : vector<4000x1024xf32> to vector<8x1024xf32>
    %add3A_928 = arith.addf %add3A_926, %slice3A_927 : vector<8x1024xf32>
    %slice3A_929 = vector.extract_strided_slice %get3A_1 {offsets = [3720, 0], sizes = [8, 1024], strides = [1, 1]} : vector<4000x1024xf32> to vector<8x1024xf32>
    %add3A_930 = arith.addf %add3A_928, %slice3A_929 : vector<8x1024xf32>
    %slice3A_931 = vector.extract_strided_slice %get3A_1 {offsets = [3728, 0], sizes = [8, 1024], strides = [1, 1]} : vector<4000x1024xf32> to vector<8x1024xf32>
    %add3A_932 = arith.addf %add3A_930, %slice3A_931 : vector<8x1024xf32>
    %slice3A_933 = vector.extract_strided_slice %get3A_1 {offsets = [3736, 0], sizes = [8, 1024], strides = [1, 1]} : vector<4000x1024xf32> to vector<8x1024xf32>
    %add3A_934 = arith.addf %add3A_932, %slice3A_933 : vector<8x1024xf32>
    %slice3A_935 = vector.extract_strided_slice %get3A_1 {offsets = [3744, 0], sizes = [8, 1024], strides = [1, 1]} : vector<4000x1024xf32> to vector<8x1024xf32>
    %add3A_936 = arith.addf %add3A_934, %slice3A_935 : vector<8x1024xf32>
    %slice3A_937 = vector.extract_strided_slice %get3A_1 {offsets = [3752, 0], sizes = [8, 1024], strides = [1, 1]} : vector<4000x1024xf32> to vector<8x1024xf32>
    %add3A_938 = arith.addf %add3A_936, %slice3A_937 : vector<8x1024xf32>
    %slice3A_939 = vector.extract_strided_slice %get3A_1 {offsets = [3760, 0], sizes = [8, 1024], strides = [1, 1]} : vector<4000x1024xf32> to vector<8x1024xf32>
    %add3A_940 = arith.addf %add3A_938, %slice3A_939 : vector<8x1024xf32>
    %slice3A_941 = vector.extract_strided_slice %get3A_1 {offsets = [3768, 0], sizes = [8, 1024], strides = [1, 1]} : vector<4000x1024xf32> to vector<8x1024xf32>
    %add3A_942 = arith.addf %add3A_940, %slice3A_941 : vector<8x1024xf32>
    %slice3A_943 = vector.extract_strided_slice %get3A_1 {offsets = [3776, 0], sizes = [8, 1024], strides = [1, 1]} : vector<4000x1024xf32> to vector<8x1024xf32>
    %add3A_944 = arith.addf %add3A_942, %slice3A_943 : vector<8x1024xf32>
    %slice3A_945 = vector.extract_strided_slice %get3A_1 {offsets = [3784, 0], sizes = [8, 1024], strides = [1, 1]} : vector<4000x1024xf32> to vector<8x1024xf32>
    %add3A_946 = arith.addf %add3A_944, %slice3A_945 : vector<8x1024xf32>
    %slice3A_947 = vector.extract_strided_slice %get3A_1 {offsets = [3792, 0], sizes = [8, 1024], strides = [1, 1]} : vector<4000x1024xf32> to vector<8x1024xf32>
    %add3A_948 = arith.addf %add3A_946, %slice3A_947 : vector<8x1024xf32>
    %slice3A_949 = vector.extract_strided_slice %get3A_1 {offsets = [3800, 0], sizes = [8, 1024], strides = [1, 1]} : vector<4000x1024xf32> to vector<8x1024xf32>
    %add3A_950 = arith.addf %add3A_948, %slice3A_949 : vector<8x1024xf32>
    %slice3A_951 = vector.extract_strided_slice %get3A_1 {offsets = [3808, 0], sizes = [8, 1024], strides = [1, 1]} : vector<4000x1024xf32> to vector<8x1024xf32>
    %add3A_952 = arith.addf %add3A_950, %slice3A_951 : vector<8x1024xf32>
    %slice3A_953 = vector.extract_strided_slice %get3A_1 {offsets = [3816, 0], sizes = [8, 1024], strides = [1, 1]} : vector<4000x1024xf32> to vector<8x1024xf32>
    %add3A_954 = arith.addf %add3A_952, %slice3A_953 : vector<8x1024xf32>
    %slice3A_955 = vector.extract_strided_slice %get3A_1 {offsets = [3824, 0], sizes = [8, 1024], strides = [1, 1]} : vector<4000x1024xf32> to vector<8x1024xf32>
    %add3A_956 = arith.addf %add3A_954, %slice3A_955 : vector<8x1024xf32>
    %slice3A_957 = vector.extract_strided_slice %get3A_1 {offsets = [3832, 0], sizes = [8, 1024], strides = [1, 1]} : vector<4000x1024xf32> to vector<8x1024xf32>
    %add3A_958 = arith.addf %add3A_956, %slice3A_957 : vector<8x1024xf32>
    %slice3A_959 = vector.extract_strided_slice %get3A_1 {offsets = [3840, 0], sizes = [8, 1024], strides = [1, 1]} : vector<4000x1024xf32> to vector<8x1024xf32>
    %add3A_960 = arith.addf %add3A_958, %slice3A_959 : vector<8x1024xf32>
    %slice3A_961 = vector.extract_strided_slice %get3A_1 {offsets = [3848, 0], sizes = [8, 1024], strides = [1, 1]} : vector<4000x1024xf32> to vector<8x1024xf32>
    %add3A_962 = arith.addf %add3A_960, %slice3A_961 : vector<8x1024xf32>
    %slice3A_963 = vector.extract_strided_slice %get3A_1 {offsets = [3856, 0], sizes = [8, 1024], strides = [1, 1]} : vector<4000x1024xf32> to vector<8x1024xf32>
    %add3A_964 = arith.addf %add3A_962, %slice3A_963 : vector<8x1024xf32>
    %slice3A_965 = vector.extract_strided_slice %get3A_1 {offsets = [3864, 0], sizes = [8, 1024], strides = [1, 1]} : vector<4000x1024xf32> to vector<8x1024xf32>
    %add3A_966 = arith.addf %add3A_964, %slice3A_965 : vector<8x1024xf32>
    %slice3A_967 = vector.extract_strided_slice %get3A_1 {offsets = [3872, 0], sizes = [8, 1024], strides = [1, 1]} : vector<4000x1024xf32> to vector<8x1024xf32>
    %add3A_968 = arith.addf %add3A_966, %slice3A_967 : vector<8x1024xf32>
    %slice3A_969 = vector.extract_strided_slice %get3A_1 {offsets = [3880, 0], sizes = [8, 1024], strides = [1, 1]} : vector<4000x1024xf32> to vector<8x1024xf32>
    %add3A_970 = arith.addf %add3A_968, %slice3A_969 : vector<8x1024xf32>
    %slice3A_971 = vector.extract_strided_slice %get3A_1 {offsets = [3888, 0], sizes = [8, 1024], strides = [1, 1]} : vector<4000x1024xf32> to vector<8x1024xf32>
    %add3A_972 = arith.addf %add3A_970, %slice3A_971 : vector<8x1024xf32>
    %slice3A_973 = vector.extract_strided_slice %get3A_1 {offsets = [3896, 0], sizes = [8, 1024], strides = [1, 1]} : vector<4000x1024xf32> to vector<8x1024xf32>
    %add3A_974 = arith.addf %add3A_972, %slice3A_973 : vector<8x1024xf32>
    %slice3A_975 = vector.extract_strided_slice %get3A_1 {offsets = [3904, 0], sizes = [8, 1024], strides = [1, 1]} : vector<4000x1024xf32> to vector<8x1024xf32>
    %add3A_976 = arith.addf %add3A_974, %slice3A_975 : vector<8x1024xf32>
    %slice3A_977 = vector.extract_strided_slice %get3A_1 {offsets = [3912, 0], sizes = [8, 1024], strides = [1, 1]} : vector<4000x1024xf32> to vector<8x1024xf32>
    %add3A_978 = arith.addf %add3A_976, %slice3A_977 : vector<8x1024xf32>
    %slice3A_979 = vector.extract_strided_slice %get3A_1 {offsets = [3920, 0], sizes = [8, 1024], strides = [1, 1]} : vector<4000x1024xf32> to vector<8x1024xf32>
    %add3A_980 = arith.addf %add3A_978, %slice3A_979 : vector<8x1024xf32>
    %slice3A_981 = vector.extract_strided_slice %get3A_1 {offsets = [3928, 0], sizes = [8, 1024], strides = [1, 1]} : vector<4000x1024xf32> to vector<8x1024xf32>
    %add3A_982 = arith.addf %add3A_980, %slice3A_981 : vector<8x1024xf32>
    %slice3A_983 = vector.extract_strided_slice %get3A_1 {offsets = [3936, 0], sizes = [8, 1024], strides = [1, 1]} : vector<4000x1024xf32> to vector<8x1024xf32>
    %add3A_984 = arith.addf %add3A_982, %slice3A_983 : vector<8x1024xf32>
    %slice3A_985 = vector.extract_strided_slice %get3A_1 {offsets = [3944, 0], sizes = [8, 1024], strides = [1, 1]} : vector<4000x1024xf32> to vector<8x1024xf32>
    %add3A_986 = arith.addf %add3A_984, %slice3A_985 : vector<8x1024xf32>
    %slice3A_987 = vector.extract_strided_slice %get3A_1 {offsets = [3952, 0], sizes = [8, 1024], strides = [1, 1]} : vector<4000x1024xf32> to vector<8x1024xf32>
    %add3A_988 = arith.addf %add3A_986, %slice3A_987 : vector<8x1024xf32>
    %slice3A_989 = vector.extract_strided_slice %get3A_1 {offsets = [3960, 0], sizes = [8, 1024], strides = [1, 1]} : vector<4000x1024xf32> to vector<8x1024xf32>
    %add3A_990 = arith.addf %add3A_988, %slice3A_989 : vector<8x1024xf32>
    %slice3A_991 = vector.extract_strided_slice %get3A_1 {offsets = [3968, 0], sizes = [8, 1024], strides = [1, 1]} : vector<4000x1024xf32> to vector<8x1024xf32>
    %add3A_992 = arith.addf %add3A_990, %slice3A_991 : vector<8x1024xf32>
    %slice3A_993 = vector.extract_strided_slice %get3A_1 {offsets = [3976, 0], sizes = [8, 1024], strides = [1, 1]} : vector<4000x1024xf32> to vector<8x1024xf32>
    %add3A_994 = arith.addf %add3A_992, %slice3A_993 : vector<8x1024xf32>
    %slice3A_995 = vector.extract_strided_slice %get3A_1 {offsets = [3984, 0], sizes = [8, 1024], strides = [1, 1]} : vector<4000x1024xf32> to vector<8x1024xf32>
    %add3A_996 = arith.addf %add3A_994, %slice3A_995 : vector<8x1024xf32>
    %slice3A_997 = vector.extract_strided_slice %get3A_1 {offsets = [3992, 0], sizes = [8, 1024], strides = [1, 1]} : vector<4000x1024xf32> to vector<8x1024xf32>
    %add3A_998 = arith.addf %add3A_996, %slice3A_997 : vector<8x1024xf32>
    %eq3A = arith.constant 0 : i32
    %eq3A_999 = arith.cmpi eq, %arg0, %eq3A : i32
    %convert_element_type3A = arith.extui %eq3A_999 : i1 to i32
    %cond3A = arith.constant 0 : i32
    %cond3A_1000 = arith.cmpi ne, %convert_element_type3A, %cond3A : i32
    scf.if %cond3A_1000 {
      %swap3A = arith.constant 0 : index
      %swap3A_1011 = arith.constant 0 : index
      %swap3A_1012 = vector.load %arg4[%swap3A, %swap3A_1011] : memref<8x1024xf32, #tpu.memory_space<vmem>>, vector<8x1024xf32>
      tpu.vector_store %arg4[%swap3A, %swap3A_1011], %add3A_998 {strides = array<i32>} : memref<8x1024xf32, #tpu.memory_space<vmem>>, vector<8x1024xf32>,
      %get3A_1013 = arith.constant 0 : index
      %get3A_1014 = arith.constant 0 : index
      %get3A_1015 = vector.load %arg2[%get3A_1013, %get3A_1014] : memref<1x1024xi32, #tpu.memory_space<vmem>>, vector<1x1024xi32>
      %ne3A = arith.constant 0 : i32
      %ne3A_1016 = vector.broadcast %ne3A : i32 to vector<1x1024xi32>
      %ne3A_1017 = arith.cmpi ne, %get3A_1015, %ne3A_1016 : vector<1x1024xi32>
      %convert_element_type3A_1018 = arith.extui %ne3A_1017 : vector<1x1024xi1> to vector<1x1024xi32>
      %convert_element_type3A_1019 = arith.sitofp %convert_element_type3A_1018 : vector<1x1024xi32> to vector<1x1024xf32>
      %reduce_sum3A = vector.shape_cast %convert_element_type3A_1019 : vector<1x1024xf32> to vector<1x1x1024xf32>
      %reduce_sum3A_1020 = arith.constant dense<0.000000e+00> : vector<1xf32>
      %reduce_sum3A_1021 = vector.multi_reduction <add>, %reduce_sum3A, %reduce_sum3A_1020 [1, 2] : vector<1x1x1024xf32> to vector<1xf32>
      %reduce_sum3A_1022 = vector.shape_cast %reduce_sum3A_1021 : vector<1xf32> to vector<1x1x1xf32>
      %reduce_sum3A_1023 = vector.extract %reduce_sum3A_1022[0, 0, 0] : f32 from vector<1x1x1xf32>
      %slice3A_1024 = vector.extract_strided_slice %get3A_1 {offsets = [0, 0], sizes = [1, 1024], strides = [1, 1]} : vector<4000x1024xf32> to vector<1x1024xf32>
      %mul3A = arith.mulf %convert_element_type3A_1019, %slice3A_1024 : vector<1x1024xf32>
      %reduce_sum3A_1025 = vector.shape_cast %mul3A : vector<1x1024xf32> to vector<1x1x1024xf32>
      %reduce_sum3A_1026 = arith.constant dense<0.000000e+00> : vector<1xf32>
      %reduce_sum3A_1027 = vector.multi_reduction <add>, %reduce_sum3A_1025, %reduce_sum3A_1026 [1, 2] : vector<1x1x1024xf32> to vector<1xf32>
      %reduce_sum3A_1028 = vector.shape_cast %reduce_sum3A_1027 : vector<1xf32> to vector<1x1x1xf32>
      %reduce_sum3A_1029 = vector.extract %reduce_sum3A_1028[0, 0, 0] : f32 from vector<1x1x1xf32>
      %mul3A_1030 = arith.constant -1.47637355 : f32
      %mul3A_1031 = arith.mulf %mul3A_1030, %reduce_sum3A_1023 : f32
      %mul3A_1032 = arith.constant 1.000020e-06 : f32
      %mul3A_1033 = arith.mulf %mul3A_1032, %reduce_sum3A_1029 : f32
      %add3A_1034 = arith.addf %mul3A_1031, %mul3A_1033 : f32
      %swap3A_1035 = arith.constant 0 : index
      %swap3A_1036 = arith.constant 0 : index
      %swap3A_1037 = memref.load %arg3[%swap3A_1035, %swap3A_1036] : memref<1x1xf32, #tpu.memory_space<smem>>
      memref.store %add3A_1034, %arg3[%swap3A_1035, %swap3A_1036] : memref<1x1xf32, #tpu.memory_space<smem>>
    } else {
    }
    %gt3A = arith.constant 0 : i32
    %gt3A_1001 = arith.cmpi sgt, %arg0, %gt3A : i32
    %lt3A = arith.constant 24 : i32
    %lt3A_1002 = arith.cmpi slt, %arg0, %lt3A : i32
    %and3A = arith.andi %gt3A_1001, %lt3A_1002 : i1
    %convert_element_type3A_1003 = arith.extui %and3A : i1 to i32
    %cond3A_1004 = arith.constant 0 : i32
    %cond3A_1005 = arith.cmpi ne, %convert_element_type3A_1003, %cond3A_1004 : i32
    scf.if %cond3A_1005 {
      %get3A_1011 = arith.constant 0 : index
      %get3A_1012 = arith.constant 0 : index
      %get3A_1013 = vector.load %arg4[%get3A_1011, %get3A_1012] : memref<8x1024xf32, #tpu.memory_space<vmem>>, vector<8x1024xf32>
      %add3A_1014 = arith.addf %get3A_1013, %add3A_998 : vector<8x1024xf32>
      %swap3A = arith.constant 0 : index
      %swap3A_1015 = arith.constant 0 : index
      %swap3A_1016 = vector.load %arg4[%swap3A, %swap3A_1015] : memref<8x1024xf32, #tpu.memory_space<vmem>>, vector<8x1024xf32>
      tpu.vector_store %arg4[%swap3A, %swap3A_1015], %add3A_1014 {strides = array<i32>} : memref<8x1024xf32, #tpu.memory_space<vmem>>, vector<8x1024xf32>,
    } else {
    }
    %eq3A_1006 = arith.constant 24 : i32
    %eq3A_1007 = arith.cmpi eq, %arg0, %eq3A_1006 : i32
    %convert_element_type3A_1008 = arith.extui %eq3A_1007 : i1 to i32
    %cond3A_1009 = arith.constant 0 : i32
    %cond3A_1010 = arith.cmpi ne, %convert_element_type3A_1008, %cond3A_1009 : i32
    scf.if %cond3A_1010 {
      %get3A_1011 = arith.constant 0 : index
      %get3A_1012 = arith.constant 0 : index
      %get3A_1013 = vector.load %arg4[%get3A_1011, %get3A_1012] : memref<8x1024xf32, #tpu.memory_space<vmem>>, vector<8x1024xf32>
      %add3A_1014 = arith.addf %get3A_1013, %add3A_998 : vector<8x1024xf32>
      %reduce_sum3A = arith.constant dense<0.000000e+00> : vector<1024xf32>
      %reduce_sum3A_1015 = vector.multi_reduction <add>, %add3A_1014, %reduce_sum3A [0] : vector<8x1024xf32> to vector<1024xf32>
      %broadcast_in_dim3A = vector.shape_cast %reduce_sum3A_1015 : vector<1024xf32> to vector<1x1024xf32>
      %get3A_1016 = arith.constant 0 : index
      %get3A_1017 = arith.constant 0 : index
      %get3A_1018 = vector.load %arg2[%get3A_1016, %get3A_1017] : memref<1x1024xi32, #tpu.memory_space<vmem>>, vector<1x1024xi32>
      %ne3A = arith.constant 0 : i32
      %ne3A_1019 = vector.broadcast %ne3A : i32 to vector<1x1024xi32>
      %ne3A_1020 = arith.cmpi ne, %get3A_1018, %ne3A_1019 : vector<1x1024xi32>
      %convert_element_type3A_1021 = arith.extui %ne3A_1020 : vector<1x1024xi1> to vector<1x1024xi32>
      %convert_element_type3A_1022 = arith.sitofp %convert_element_type3A_1021 : vector<1x1024xi32> to vector<1x1024xf32>
      %get3A_1023 = arith.constant 0 : index
      %get3A_1024 = arith.constant 0 : index
      %get3A_1025 = memref.load %arg3[%get3A_1023, %get3A_1024] : memref<1x1xf32, #tpu.memory_space<smem>>
      %mul3A = arith.mulf %convert_element_type3A_1022, %broadcast_in_dim3A : vector<1x1024xf32>
      %reduce_sum3A_1026 = vector.shape_cast %mul3A : vector<1x1024xf32> to vector<1x1x1024xf32>
      %reduce_sum3A_1027 = arith.constant dense<0.000000e+00> : vector<1xf32>
      %reduce_sum3A_1028 = vector.multi_reduction <add>, %reduce_sum3A_1026, %reduce_sum3A_1027 [1, 2] : vector<1x1x1024xf32> to vector<1xf32>
      %reduce_sum3A_1029 = vector.shape_cast %reduce_sum3A_1028 : vector<1xf32> to vector<1x1x1xf32>
      %reduce_sum3A_1030 = vector.extract %reduce_sum3A_1029[0, 0, 0] : f32 from vector<1x1x1xf32>
      %mul3A_1031 = arith.constant -1.000020e-06 : f32
      %mul3A_1032 = arith.mulf %mul3A_1031, %reduce_sum3A_1030 : f32
      %add3A_1033 = arith.addf %get3A_1025, %mul3A_1032 : f32
      %swap3A = arith.constant 0 : index
      %swap3A_1034 = arith.constant 0 : index
      %swap3A_1035 = memref.load %arg3[%swap3A, %swap3A_1034] : memref<1x1xf32, #tpu.memory_space<smem>>
      memref.store %add3A_1033, %arg3[%swap3A, %swap3A_1034] : memref<1x1xf32, #tpu.memory_space<smem>>
    } else {
    }
    return
  }
  func.func @transform_0(%arg0: i32) -> (i32, i32) {
    %c0_i32 = arith.constant 0 : i32
    %c0_i32_0 = arith.constant 0 : i32
    return %arg0, %c0_i32 : i32, i32
  }
  func.func @transform_1(%arg0: i32) -> (i32, i32) {
    %c0_i32 = arith.constant 0 : i32
    %c0_i32_0 = arith.constant 0 : i32
    %c0_i32_1 = arith.constant 0 : i32
    return %c0_i32, %c0_i32_0 : i32, i32
  }
  func.func @transform_2(%arg0: i32) -> (i32, i32) {
    %c0_i32 = arith.constant 0 : i32
    %c0_i32_0 = arith.constant 0 : i32
    %c0_i32_1 = arith.constant 0 : i32
    return %c0_i32, %c0_i32_0 : i32, i32
  }
}

</mosaic_0001>

<sc_bundles>
// kernel: kernel.4.cloned.1.call-start
scs
__scs_entry_jumppad:
0x0: {  	(pc) =	sbr.rel $0x88, $3  }
0x1: {  	(tag) =	ssettag $0x0;
	lr =	simm.s32 $0x1  }
0x2: {  	[smem:$0x3F9F] =	sst lr;
	_ =	strace $0xD0000000  }
0x3: {  	_ = 	snop  }
0x4: {  	_ = 	snop  }
0x5: {  	_ = 	snop  }
0x6: {  	_ = 	snop  }
0x7: {  	_ = 	snop  }
__scs_overlays_trampoline_lowered:
0x8: {  	[smem:$0x3FAE] =	sst s0  }
0x9: {  	[smem:$0x3FAF] =	sst s1  }
0xa: {  	[smem:$0x3FB0] =	sst s2  }
0xb: {  	[smem:$0x3FB1] =	sst s3  }
0xc: {  	[smem:$0x3FB2] =	sst s4  }
0xd: {  	[smem:$0x3FB3] =	sst s5  }
0xe: {  	[smem:$0x3FB4] =	sst s6  }
0xf: {  	[smem:$0x3FB5] =	sst s7  }
0x10: {  	[smem:$0x3FB6] =	sst s8  }
0x11: {  	[smem:$0x3FB7] =	sst s9;
	s0 =	simm.s32 @!p0 $0x0  }
0x12: {  	s1 =	sld [smem:$0x3F9D];
	s0 =	simm.s32 @p0 $0x1  }
0x13: {  	[smem:$0x3FB8] =	sst s0;
	s0 =	simm.s32 @!p1 $0x0  }
0x14: {  	s2 =	sld [smem:$0x3F9C];
	s0 =	simm.s32 @p1 $0x1  }
0x15: {  	[smem:$0x3FB9] =	sst s0;
	s0 =	simm.s32 @!p2 $0x0  }
0x16: {  	s3 =	sld [smem:$0x3FDB];
	s0 =	simm.s32 @p2 $0x1  }
0x17: {  	s4 =	simm.s32 $0x1BF5;
	[smem:$0x3FBB] =	sst s0  }
0x18: {  	s0 =	sld [smem:$0x3F9E];
	_ =	swait.ge [sflag:s4], $0x0  }
0x19: {  	s7 =	sld [smem:$0x3F9F]  }
0x1a: {  	s8 =	sadd.s32 $0xFFFFE003, lr  }
0x1b: {  	s9 =	sadd.s32 $0xFFFFFEF7, lr;
	s5 =	simm.s32 $0xFFFFFFFF;
	p2 =	slt.u32 s8, $0xFFFFF086  }
0x1c: {  	p1 =	slt.u32 s9, $0xF7A;
	s5 =	simm.s32 @!p2 $0x0  }
0x1d: {  	s5 =	simm.s32 @p1 $0x1;
	p0 =	seq.s32 s7, s2  }
0x1e: {  	s7 =	smul.u32 @!p0 $0xF7A, s2;
	p2 =	seq.s32 @!p0 s5, $0x0  }
0x1f: {  	s9 =	smul.u32 $0xF7A, s1;
	s8 =	simm.s32 @!p0 $0x1BF5;
	p2 =	por !p2, p0  }
0x20: {  	[sflag:s8] =	ssyncset.s32 @!p0 $0xFFFFF086;
	s6 =	sadd.s32 @!p0 s3, s7;
	s7 =	simm.s32 @!p0 $0x108  }
0x21: {  	s3 =	sadd.s32 s3, s9;
	s6 =	sadd.s32 @!p0 $0x88, s6;
	s7 =	simm.s32 @p2 $0x1082  }
0x22: {  	[simem:s7], [sflag:s8] =	dma.local @!p0 [hbm:s6], $0xF7A  }
0x23: {  	s9 =	sor.u32 $0xD0000000, s2;
	s6 =	simm.s32 $0x108;
	_ =	swait.ge @!p0 [sflag:s8], $0x0  }
0x24: {  	s3 =	sadd.s32 $0x88, s3;
	s6 =	simm.s32 @!p1 $0x1082;
	[sflag:s4] =	ssyncset.s32 $0xFFFFF086  }
0x25: {  	[simem:s6], [sflag:s4] =	dma.local [hbm:s3], $0xF7A  }
0x26: {  	[smem:$0x3F9F] =	sst s1;
	(tag) =	ssettag s2;
	_ =	strace s9  }
0x27: {  	s1 =	sld [smem:$0x3FAF]  }
0x28: {  	s2 =	sld [smem:$0x3FB0]  }
0x29: {  	s4 =	sld [smem:$0x3FB2]  }
0x2a: {  	p0 =	seq.s32 s5, $0x0;
	s5 =	sld [smem:$0x3FB3]  }
0x2b: {  	s6 =	sld [smem:$0x3FB4]  }
0x2c: {  	s7 =	sld [smem:$0x3FB5]  }
0x2d: {  	s3 =	simm.s32 $0x108;
	s8 =	sld [smem:$0x3FB6]  }
0x2e: {  	s3 =	simm.s32 @!p0 $0x1082;
	s9 =	sld [smem:$0x3FB7]  }
0x2f: {  	lr =	sadd.s32 s0, s3;
	s0 =	sld [smem:$0x3FAE]  }
0x30: {  	s3 =	sld [smem:$0x3FB1]  }
0x31: {  	[smem:$0x3FBA] =	sst s10  }
0x32: {  	s10 =	sld [smem:$0x3FB8];
	_ =	sdelay $0x3  }
0x33: {  	p0 =	seq.s32 s10, $0x1;
	s10 =	sld [smem:$0x3FBA];
	_ =	sdelay $0x3  }
0x34: {  	[smem:$0x3FBA] =	sst s10  }
0x35: {  	s10 =	sld [smem:$0x3FB9];
	_ =	sdelay $0x3  }
0x36: {  	p1 =	seq.s32 s10, $0x1;
	s10 =	sld [smem:$0x3FBA];
	_ =	sdelay $0x3  }
0x37: {  	[smem:$0x3FBA] =	sst s10  }
0x38: {  	s10 =	sld [smem:$0x3FBB]  }
0x39: {  	_ = 	snop;
	(pc) =	sbr.ind lr, $3  }
0x3a: {  	_ = 	snop  }
0x3b: {  	_ = 	snop  }
0x3c: {  	p2 =	seq.s32 s10, $0x1;
	s10 =	sld [smem:$0x3FBA]  }
0x3d: {  	_ =	shalt  }
0x3e: {  	_ =	shalt  }
0x3f: {  	_ =	shalt  }
0x40: {  	_ =	shalt  }
0x41: {  	_ =	shalt  }
0x42: {  	_ =	shalt  }
0x43: {  	_ =	shalt  }
0x44: {  	_ =	shalt  }
0x45: {  	_ =	shalt  }
0x46: {  	_ =	shalt  }
0x47: {  	_ =	shalt  }
0x48: {  	_ =	shalt  }
0x49: {  	_ =	shalt  }
0x4a: {  	_ =	shalt  }
0x4b: {  	_ =	shalt  }
0x4c: {  	_ =	shalt  }
0x4d: {  	_ =	shalt  }
0x4e: {  	_ =	shalt  }
0x4f: {  	_ =	shalt  }
0x50: {  	_ =	shalt  }
0x51: {  	_ =	shalt  }
0x52: {  	_ =	shalt  }
0x53: {  	_ =	shalt  }
0x54: {  	_ =	shalt  }
0x55: {  	_ =	shalt  }
0x56: {  	_ =	shalt  }
0x57: {  	_ =	shalt  }
0x58: {  	_ =	shalt  }
0x59: {  	_ =	shalt  }
0x5a: {  	_ =	shalt  }
0x5b: {  	_ =	shalt  }
0x5c: {  	_ =	shalt  }
0x5d: {  	_ =	shalt  }
0x5e: {  	_ =	shalt  }
0x5f: {  	_ =	shalt  }
0x60: {  	_ =	shalt  }
0x61: {  	_ =	shalt  }
0x62: {  	_ =	shalt  }
0x63: {  	_ =	shalt  }
0x64: {  	_ =	shalt  }
0x65: {  	_ =	shalt  }
0x66: {  	_ =	shalt  }
0x67: {  	_ =	shalt  }
0x68: {  	_ =	shalt  }
0x69: {  	_ =	shalt  }
0x6a: {  	_ =	shalt  }
0x6b: {  	_ =	shalt  }
0x6c: {  	_ =	shalt  }
0x6d: {  	_ =	shalt  }
0x6e: {  	_ =	shalt  }
0x6f: {  	_ =	shalt  }
0x70: {  	_ =	shalt  }
0x71: {  	_ =	shalt  }
0x72: {  	_ =	shalt  }
0x73: {  	_ =	shalt  }
0x74: {  	_ =	shalt  }
0x75: {  	_ =	shalt  }
0x76: {  	_ =	shalt  }
0x77: {  	_ =	shalt  }
0x78: {  	_ =	shalt  }
0x79: {  	_ =	shalt  }
0x7a: {  	_ =	shalt  }
0x7b: {  	_ =	shalt  }
0x7c: {  	_ =	shalt  }
0x7d: {  	_ =	shalt  }
0x7e: {  	_ =	shalt  }
0x7f: {  	_ =	shalt  }
0x80: {  	_ =	shalt  }
0x81: {  	_ =	shalt  }
0x82: {  	_ =	shalt  }
0x83: {  	_ =	shalt  }
0x84: {  	_ =	shalt  }
0x85: {  	_ =	shalt  }
0x86: {  	_ =	shalt  }
0x87: {  	_ =	shalt  }
.Lfunc_end0:
.L_simem_size_0:
called_computation_lowered:
.L_overlay_start_0:
0x88: {  	s2 =	sld [smem:$0x3FD9]  }
0x89: {  	s3 =	sld [smem:$0x3FFE];
	_ =	sdelay $0x1  }
0x8a: {  	s1 =	srdreg.scid  }
0x8b: {  	s0 =	sand.u32 $0x1, s1  }
0x8c: {  	s17 =	sshll.u32 s0, $0xA;
	s2 =	sadd.s32 s3, s2  }
0x8d: {  	s2 =	sadd.s32 s2, s17  }
0x8e: {  	[smem:$0x3FC6] =	sst s2  }
0x8f: {  	_ = 	snop  }
0x90: {  	s2 =	sld [smem:$0x3FC9]  }
0x91: {  	s18 =	sld [smem:$0x3FC8];
	(tm) =	ssettm $0x1  }
0x92: {  	s4 =	sld [smem:$0x3FFB];
	_ =	sdelay $0x3  }
0x93: {  	_ =	strace s4  }
0x94: {  	s4 =	sld [smem:$0x3FFC];
	_ =	sdelay $0x3  }
0x95: {  	_ =	strace s4  }
0x96: {  	s4 =	sld [smem:$0x3FFD];
	_ =	sdelay $0x3  }
0x97: {  	_ =	strace s4  }
0x98: {  	_ =	strace $0x8FFFFFFF  }
0x99: {  	s19 =	sld [smem:$0x3FDB];
	_ =	sdelay $0x1  }
0x9a: {  	s5 =	simm.s32 $_scs_section_size  }
0x9b: {  	s6 =	simm.s32 $_size__tile_overlayer_lowered;
	s7 =	simm.s32 $_tile_overlayer_lowered  }
0x9c: {  	s22 =	simm.s32 $0x1BFF;
	s21 =	sshll.u32 s7, $0x1;
	s4 =	sadd.s32 s5, s19  }
0x9d: {  	s8 =	simm.s32 $0x0;
	s20 =	sshll.u32 s6, $0x1;
	s6 =	sadd.s32 s21, s4  }
0x9e: {  	[timem:s8], [sflag:s22] =	dma.local [hbm:s6], s20  }
0x9f: {  	_ =	swait.ge [sflag:s22], s20  }
0xa0: {  	s5 =	ssub.s32 $0x0, s20;
	[sflag:s22] =	ssyncset.done $0x0  }
0xa1: {  	[sflag:s22] =	ssyncadd.s32 s5;
	_ =	sdelay $0x1  }
0xa2: {  	s23 =	simm.s32 $0x1B8B  }
0xa3: {  	_ =	swait.ge [sflag:s23], $0x1  }
0xa4: {  	[sflag:s23] =	ssyncset.done $0x0  }
0xa5: {  	s25 =	simm.s32 $0x1B8E;
	s24 =	sld [smem:$0x3FFE];
	[sflag:s23] =	ssyncadd.s32 $0xFFFFFFFF  }
0xa6: {  	s26 =	simm.s32 $execute0_lowered;
	[smem:$0x3FD2] =	sst s25  }
0xa7: {  	s6 =	sshll.u32 s26, $0x1;
	_ =	strace $0x80000046;
	[dreg:$0x1] =	wrdreg $0xFFFFFFFF  }
0xa8: {  	s28 =	simm.s32 $_size_execute0_lowered;
	s4 =	sadd.s32 s4, s6;
	[dreg:$0x0] =	wrdreg $0x0  }
0xa9: {  	s6 =	sshll.u32 s28, $0x1;
	[dreg:$0x2] =	wrdreg s4  }
0xaa: {  	[dreg:$0x3] =	wrdreg s6  }
0xab: {  	[dreg:$0x4] =	wrdreg $0xC0  }
0xac: {  	_ =	task [dreg:s8], $0x5FFFF  }
0xad: {  	[dreg:$0x1] =	wrdreg $0xFFFFFFFF  }
0xae: {  	[dreg:$0x0] =	wrdreg $0x60  }
0xaf: {  	[dreg:$0x2] =	wrdreg s2  }
0xb0: {  	[dreg:$0x3] =	wrdreg s18  }
0xb1: {  	[dreg:$0x4] =	wrdreg s24  }
0xb2: {  	[dreg:$0x5] =	wrdreg $0x9  }
0xb3: {  	_ =	task.clear_ibuf [dreg:s8], $0x6FFFF;
	_ =	strace $0x90000046  }
0xb4: {  	s29 =	simm.s32 $0x9;
	_ =	strace $0x80000048  }
0xb5: {  	_ =	swait.ge [sflag:s29], $0x1  }
0xb6: {  	[sflag:s29] =	ssyncadd.s32 $0xFFFFFFFF  }
0xb7: {  	_ =	strace $0x90000048  }
0xb8: {  	_ =	sfence  }
0xb9: {  	s30 =	sld [smem:$0x0];
	_ =	sdelay $0x2  }
0xba: {  	s31 =	sshll.u32 s1, $0xD;
	s1 =	sshrl.u32 s1, $0x2  }
0xbb: {  	s3 =	sand.u32 $0x4000, s31;
	s1 =	sadd.s32 s1, s30  }
0xbc: {  	s0 =	sor.u32 s3, s0;
	s1 =	sshll.u32 s1, $0x11  }
0xbd: {  	s0 =	sor.u32 s1, s0  }
0xbe: {  	s0 =	sadd.s32 $0x8F2B, s0  }
0xbf: {  	[sflag:s0] =	ssyncadd.remote.s32 $0x1  }
0xc0: {  	_ =	sfence.sel $0xFFFF  }
0xc1: {  	[dreg:$0x0] =	wrdreg $0xFFFFFFFF;
	(pc) =	sbr.abs _section_cstart, $3  }
0xc2: {  	[dreg:$0x1] =	wrdreg $0xFFFFFFFF  }
0xc3: {  	_ =	task.clear_ibuf [dreg:s8], $0x2FFFF;
	_ =	strace $0x9FFFFFFF  }
0xc4: {  	(tm) =	ssettm $0x7FFFFFFF  }
0xc5: {  	_ =	shalt  }
tec
execute0_lowered:
.L_overlay_start_1:
0x0: {  	(tag) =	ssettag $0x1  }
0x1: {  	s1 =	rddreg [dreg:$0x0]  }
0x2: {  	s2 =	rddreg [dreg:$0x1]  }
0x3: {  	s5 =	rddreg [dreg:$0x2]  }
0x4: {  	s3 =	srdreg.scid;
	[dreg:$0x4] =	wrdreg s2  }
0x5: {  	s4 =	sand.u32 $0x1, s3;
	s2 =	rddreg [dreg:$0x3];
	s3 =	simm.s32 $0x0  }
0x6: {  	s22 =	simm.s32 $0x800;
	[smem:$0x7FF] =	sst s3  }
0x7: {  	s23 =	simm.s32 $0xC00;
	_ =	strace $0x80000047;
	[dreg:$0x6] =	wrdreg s22  }
0x8: {  	s24 =	simm.s32 $0x1000;
	[dreg:$0x7] =	wrdreg s23  }
0x9: {  	s25 =	simm.s32 $0x1400;
	[dreg:$0x8] =	wrdreg s24  }
0xa: {  	s26 =	simm.s32 $0x1800;
	[dreg:$0x9] =	wrdreg s25  }
0xb: {  	s28 =	simm.s32 $0x1C00;
	[dreg:$0xa] =	wrdreg s26  }
0xc: {  	s29 =	simm.s32 $0x2000;
	[dreg:$0xb] =	wrdreg s28  }
0xd: {  	s30 =	simm.s32 $0x2400;
	[dreg:$0xc] =	wrdreg s29  }
0xe: {  	s31 =	simm.s32 $0x2800;
	[dreg:$0xd] =	wrdreg s30  }
0xf: {  	s8 =	simm.s32 $0x3000;
	[dreg:$0xe] =	wrdreg s31  }
0x10: {  	s9 =	simm.s32 $0x3400;
	[dreg:$0x10] =	wrdreg s8  }
0x11: {  	s10 =	simm.s32 $0x3800;
	[dreg:$0x11] =	wrdreg s9  }
0x12: {  	s11 =	simm.s32 $0x3C00;
	[dreg:$0x12] =	wrdreg s10  }
0x13: {  	s12 =	simm.s32 $0x4000;
	[dreg:$0x13] =	wrdreg s11  }
0x14: {  	s13 =	simm.s32 $0x4400;
	[dreg:$0x14] =	wrdreg s12  }
0x15: {  	s14 =	simm.s32 $0x4800;
	[dreg:$0x15] =	wrdreg s13  }
0x16: {  	s15 =	simm.s32 $0x4C00;
	[dreg:$0x16] =	wrdreg s14  }
0x17: {  	s16 =	simm.s32 $0x5000;
	[dreg:$0x17] =	wrdreg s15  }
0x18: {  	s17 =	simm.s32 $0x5400;
	[dreg:$0x18] =	wrdreg s16  }
0x19: {  	s18 =	simm.s32 $0x5800;
	[dreg:$0x19] =	wrdreg s17  }
0x1a: {  	s19 =	simm.s32 $0x5C00;
	[dreg:$0x1a] =	wrdreg s18  }
0x1b: {  	s0 =	stileid.u32;
	s20 =	simm.s32 $0x6000;
	[dreg:$0x1b] =	wrdreg s19  }
0x1c: {  	s21 =	sshll.u32 s0, $0x1;
	[dreg:$0x1c] =	wrdreg s20;
	s22 =	simm.s32 $0x6400  }
0x1d: {  	s6 =	sor.u32 s4, s21;
	s23 =	simm.s32 $0x6800;
	[dreg:$0x1d] =	wrdreg s22  }
0x1e: {  	s4 =	ssub.s32 $0x2, s4;
	s24 =	simm.s32 $0x6C00;
	[dreg:$0x1e] =	wrdreg s23  }
0x1f: {  	s7 =	sshll.u32 s6, $0x2;
	s25 =	simm.s32 $0x7000;
	[dreg:$0x1f] =	wrdreg s24  }
0x20: {  	s21 =	sshrl.u32 s4, $0x1;
	s9 =	simm.s32 $0x7400;
	[smem:$0x7F8] =	sst s25  }
0x21: {  	s26 =	sshll.u32 s0, $0x9;
	s28 =	simm.s32 $0x7800;
	[smem:$0x7F9] =	sst s9  }
0x22: {  	s10 =	simm.s32 $0x7C00;
	s30 =	simm.s32 $0x8000;
	[smem:$0x7FA] =	sst s28  }
0x23: {  	s31 =	simm.s32 $0x8400;
	s5 =	sadd.s32 s7, s5;
	[smem:$0x7FB] =	sst s10  }
0x24: {  	s7 =	simm.s32 $0x2C00;
	[smem:$0x7FC] =	sst s30;
	s9 =	simm.s32 $0x1  }
0x25: {  	v2 =	vlaneseq.u32;
	[dreg:$0xf] =	wrdreg s7;
	s7 =	ssub.s32 s4, s21;
	s4 =	sshll.u32 s6, $0x5  }
0x26: {  	v0 =	vmul.u32 $0x400, v2;
	[smem:$0x7FD] =	sst s31;
	s5 =	sadd.s32 $0x200, s5;
	s8 =	sand.u32 $0x60, s4  }
0x27: {  	[dreg:$0x5] =	wrdreg s5;
	s5 =	sand.u32 $0x1C00, s26;
	s29 =	sor.u32 $0x10, s8  }
0x28: {  	v3 =	vor.u32 $0x4000, v0;
	s6 =	smax.u32 s7, $0x1;
	s7 =	simm.s32 $0x2;
	v1 =	vor.u32 s8, v2;
	s8 =	simm.s32 $0x400;
	v2 =	vor.u32 s29, v2  }
.LBB2_1:
0x29: {  	s10 =	rddreg [dreg:$0x4]  }
0x2a: {  	[tilespmem:s3], [sflag:$0x2] =	stream.linear.gather [hbm4b:s10+s3], $0x400, $0x38;
	[tilespmem:$0x8480] =	vst v63  }
0x2b: {  	_ =	swait.ge [sflag:s7], $0x400  }
0x2c: {  	[sflag:s7] =	ssyncset.done $0x0  }
0x2d: {  	[sflag:s7] =	ssyncadd.s32 $0xFFFFFC00  }
0x2e: {  	v4 =	vld [tilespmem:s4+$0x0];
	_ =	sdelay $0x4  }
0x2f: {  	v4 =	vshll.u32 v4, $0xA  }
0x30: {  	(v2sf) =	vpush v4, $0x0;
	_ =	sdelay $0x3  }
0x31: {  	(v2sf) =	vpush v4, $0x1;
	_ =	sdelay $0x4  }
0x32: {  	(v2sf) =	vpush v4, $0x2;
	_ =	sdelay $0x5  }
0x33: {  	s28 =	spop (v2sf)  }
0x34: {  	(v2sf) =	vpush v4, $0x3;
	s10 =	sand.u32 $0x7FFFE000, s28  }
0x35: {  	s10 =	sor.u32 s5, s10  }
0x36: {  	s10 =	sshrl.u32 s10, $0x3  }
0x37: {  	s29 =	spop (v2sf);
	s10 =	sadd.s32 s1, s10  }
0x38: {  	(v2sf) =	vpush v4, $0x4;
	[tilespmem:s8], [sflag:$0x1] =	stream.linear.gather [hbm4b:s10+s3], $0x400, $0x38;
	[tilespmem:$0x8480] =	vst v63  }
0x39: {  	s10 =	sand.u32 $0x7FFFE000, s29  }
0x3a: {  	s10 =	sor.u32 s5, s10  }
0x3b: {  	s10 =	sshrl.u32 s10, $0x3  }
0x3c: {  	s11 =	rddreg [dreg:$0x6];
	s30 =	spop (v2sf);
	s10 =	sadd.s32 s1, s10  }
0x3d: {  	(v2sf) =	vpush v4, $0x5;
	[tilespmem:s11], [sflag:$0x1] =	stream.linear.gather [hbm4b:s10+s3], $0x400, $0x38;
	[tilespmem:$0x8480] =	vst v63  }
0x3e: {  	s10 =	sand.u32 $0x7FFFE000, s30  }
0x3f: {  	s10 =	sor.u32 s5, s10  }
0x40: {  	s10 =	sshrl.u32 s10, $0x3  }
0x41: {  	s31 =	rddreg [dreg:$0x7];
	s10 =	sadd.s32 s1, s10  }
0x42: {  	[tilespmem:s31], [sflag:$0x1] =	stream.linear.gather [hbm4b:s10+s3], $0x400, $0x38;
	[tilespmem:$0x8480] =	vst v63  }
0x43: {  	s11 =	spop (v2sf)  }
0x44: {  	(v2sf) =	vpush v4, $0x6;
	s10 =	sand.u32 $0x7FFFE000, s11  }
0x45: {  	s10 =	sor.u32 s5, s10  }
0x46: {  	s10 =	sshrl.u32 s10, $0x3  }
0x47: {  	s12 =	rddreg [dreg:$0x8];
	s13 =	spop (v2sf);
	s10 =	sadd.s32 s1, s10  }
0x48: {  	(v2sf) =	vpush v4, $0x7;
	[tilespmem:s12], [sflag:$0x1] =	stream.linear.gather [hbm4b:s10+s3], $0x400, $0x38;
	[tilespmem:$0x8480] =	vst v63  }
0x49: {  	s10 =	sand.u32 $0x7FFFE000, s13  }
0x4a: {  	s10 =	sor.u32 s5, s10  }
0x4b: {  	s10 =	sshrl.u32 s10, $0x3  }
0x4c: {  	s14 =	rddreg [dreg:$0x9];
	s15 =	spop (v2sf);
	s10 =	sadd.s32 s1, s10  }
0x4d: {  	(v2sf) =	vpush v4, $0x8;
	[tilespmem:s14], [sflag:$0x1] =	stream.linear.gather [hbm4b:s10+s3], $0x400, $0x38;
	[tilespmem:$0x8480] =	vst v63  }
0x4e: {  	s10 =	sand.u32 $0x7FFFE000, s15  }
0x4f: {  	s10 =	sor.u32 s5, s10  }
0x50: {  	s10 =	sshrl.u32 s10, $0x3  }
0x51: {  	s16 =	rddreg [dreg:$0xa];
	s10 =	sadd.s32 s1, s10  }
0x52: {  	[tilespmem:s16], [sflag:$0x1] =	stream.linear.gather [hbm4b:s10+s3], $0x400, $0x38;
	[tilespmem:$0x8480] =	vst v63  }
0x53: {  	s17 =	spop (v2sf)  }
0x54: {  	(v2sf) =	vpush v4, $0x9;
	s10 =	sand.u32 $0x7FFFE000, s17  }
0x55: {  	s10 =	sor.u32 s5, s10  }
0x56: {  	s10 =	sshrl.u32 s10, $0x3  }
0x57: {  	s18 =	rddreg [dreg:$0xb];
	s19 =	spop (v2sf);
	s10 =	sadd.s32 s1, s10  }
0x58: {  	(v2sf) =	vpush v4, $0xA;
	[tilespmem:s18], [sflag:$0x1] =	stream.linear.gather [hbm4b:s10+s3], $0x400, $0x38;
	[tilespmem:$0x8480] =	vst v63  }
0x59: {  	s10 =	sand.u32 $0x7FFFE000, s19  }
0x5a: {  	s10 =	sor.u32 s5, s10  }
0x5b: {  	s10 =	sshrl.u32 s10, $0x3  }
0x5c: {  	s20 =	rddreg [dreg:$0xc];
	s21 =	spop (v2sf);
	s10 =	sadd.s32 s1, s10  }
0x5d: {  	(v2sf) =	vpush v4, $0xB;
	[tilespmem:s20], [sflag:$0x1] =	stream.linear.gather [hbm4b:s10+s3], $0x400, $0x38;
	[tilespmem:$0x8480] =	vst v63  }
0x5e: {  	s10 =	sand.u32 $0x7FFFE000, s21  }
0x5f: {  	s10 =	sor.u32 s5, s10  }
0x60: {  	s10 =	sshrl.u32 s10, $0x3  }
0x61: {  	s22 =	rddreg [dreg:$0xd];
	s10 =	sadd.s32 s1, s10  }
0x62: {  	[tilespmem:s22], [sflag:$0x1] =	stream.linear.gather [hbm4b:s10+s3], $0x400, $0x38;
	[tilespmem:$0x8480] =	vst v63  }
0x63: {  	s23 =	spop (v2sf)  }
0x64: {  	(v2sf) =	vpush v4, $0xC;
	s10 =	sand.u32 $0x7FFFE000, s23  }
0x65: {  	s10 =	sor.u32 s5, s10  }
0x66: {  	s10 =	sshrl.u32 s10, $0x3  }
0x67: {  	s24 =	rddreg [dreg:$0xe];
	s25 =	spop (v2sf);
	s10 =	sadd.s32 s1, s10  }
0x68: {  	(v2sf) =	vpush v4, $0xD;
	[tilespmem:s24], [sflag:$0x1] =	stream.linear.gather [hbm4b:s10+s3], $0x400, $0x38;
	[tilespmem:$0x8480] =	vst v63  }
0x69: {  	s10 =	sand.u32 $0x7FFFE000, s25  }
0x6a: {  	s10 =	sor.u32 s5, s10  }
0x6b: {  	s10 =	sshrl.u32 s10, $0x3  }
0x6c: {  	s26 =	rddreg [dreg:$0xf];
	s28 =	spop (v2sf);
	s10 =	sadd.s32 s1, s10  }
0x6d: {  	(v2sf) =	vpush v4, $0xE;
	[tilespmem:s26], [sflag:$0x1] =	stream.linear.gather [hbm4b:s10+s3], $0x400, $0x38;
	[tilespmem:$0x8480] =	vst v63  }
0x6e: {  	s10 =	sand.u32 $0x7FFFE000, s28  }
0x6f: {  	s10 =	sor.u32 s5, s10  }
0x70: {  	s10 =	sshrl.u32 s10, $0x3  }
0x71: {  	s29 =	rddreg [dreg:$0x10];
	s10 =	sadd.s32 s1, s10  }
0x72: {  	[tilespmem:s29], [sflag:$0x1] =	stream.linear.gather [hbm4b:s10+s3], $0x400, $0x38;
	[tilespmem:$0x8480] =	vst v63  }
0x73: {  	s30 =	spop (v2sf)  }
0x74: {  	(v2sf) =	vpush v4, $0xF;
	s10 =	sand.u32 $0x7FFFE000, s30  }
0x75: {  	s10 =	sor.u32 s5, s10  }
0x76: {  	s10 =	sshrl.u32 s10, $0x3  }
0x77: {  	s31 =	rddreg [dreg:$0x11];
	s11 =	spop (v2sf);
	s10 =	sadd.s32 s1, s10  }
0x78: {  	[tilespmem:s31], [sflag:$0x1] =	stream.linear.gather [hbm4b:s10+s3], $0x400, $0x38;
	[tilespmem:$0x8480] =	vst v63  }
0x79: {  	s10 =	sand.u32 $0x7FFFE000, s11  }
0x7a: {  	s10 =	sor.u32 s5, s10  }
0x7b: {  	s10 =	sshrl.u32 s10, $0x3  }
0x7c: {  	s12 =	rddreg [dreg:$0x12];
	s13 =	spop (v2sf);
	s10 =	sadd.s32 s1, s10  }
0x7d: {  	[tilespmem:s12], [sflag:$0x1] =	stream.linear.gather [hbm4b:s10+s3], $0x400, $0x38;
	[tilespmem:$0x8480] =	vst v63  }
0x7e: {  	s10 =	sand.u32 $0x7FFFE000, s13  }
0x7f: {  	s10 =	sor.u32 s5, s10  }
0x80: {  	s10 =	sshrl.u32 s10, $0x3  }
0x81: {  	s14 =	rddreg [dreg:$0x13];
	s10 =	sadd.s32 s1, s10  }
0x82: {  	[tilespmem:s14], [sflag:$0x1] =	stream.linear.gather [hbm4b:s10+s3], $0x400, $0x38;
	[tilespmem:$0x8480] =	vst v63  }
0x83: {  	s15 =	spop (v2sf)  }
0x84: {  	s10 =	sand.u32 $0x7FFFE000, s15  }
0x85: {  	s10 =	sor.u32 s5, s10  }
0x86: {  	s10 =	sshrl.u32 s10, $0x3  }
0x87: {  	s16 =	rddreg [dreg:$0x14];
	s10 =	sadd.s32 s1, s10  }
0x88: {  	[tilespmem:s16], [sflag:$0x1] =	stream.linear.gather [hbm4b:s10+s3], $0x400, $0x38;
	[tilespmem:$0x8480] =	vst v63  }
0x89: {  	v4 =	vld [tilespmem:s4+$0x10];
	_ =	sdelay $0x4  }
0x8a: {  	v4 =	vshll.u32 v4, $0xA  }
0x8b: {  	(v2sf) =	vpush v4, $0x0;
	_ =	sdelay $0x3  }
0x8c: {  	(v2sf) =	vpush v4, $0x1;
	_ =	sdelay $0x4  }
0x8d: {  	(v2sf) =	vpush v4, $0x2;
	_ =	sdelay $0x5  }
0x8e: {  	s17 =	spop (v2sf)  }
0x8f: {  	(v2sf) =	vpush v4, $0x3;
	s10 =	sand.u32 $0x7FFFE000, s17  }
0x90: {  	s10 =	sor.u32 s5, s10  }
0x91: {  	s10 =	sshrl.u32 s10, $0x3  }
0x92: {  	s18 =	rddreg [dreg:$0x15];
	s19 =	spop (v2sf);
	s10 =	sadd.s32 s1, s10  }
0x93: {  	(v2sf) =	vpush v4, $0x4;
	[tilespmem:s18], [sflag:$0x1] =	stream.linear.gather [hbm4b:s10+s3], $0x400, $0x38;
	[tilespmem:$0x8480] =	vst v63  }
0x94: {  	s10 =	sand.u32 $0x7FFFE000, s19  }
0x95: {  	s10 =	sor.u32 s5, s10  }
0x96: {  	s10 =	sshrl.u32 s10, $0x3  }
0x97: {  	s20 =	rddreg [dreg:$0x16];
	s21 =	spop (v2sf);
	s10 =	sadd.s32 s1, s10  }
0x98: {  	(v2sf) =	vpush v4, $0x5;
	[tilespmem:s20], [sflag:$0x1] =	stream.linear.gather [hbm4b:s10+s3], $0x400, $0x38;
	[tilespmem:$0x8480] =	vst v63  }
0x99: {  	s10 =	sand.u32 $0x7FFFE000, s21  }
0x9a: {  	s10 =	sor.u32 s5, s10  }
0x9b: {  	s10 =	sshrl.u32 s10, $0x3  }
0x9c: {  	s22 =	rddreg [dreg:$0x17];
	s10 =	sadd.s32 s1, s10  }
0x9d: {  	[tilespmem:s22], [sflag:$0x1] =	stream.linear.gather [hbm4b:s10+s3], $0x400, $0x38;
	[tilespmem:$0x8480] =	vst v63  }
0x9e: {  	s23 =	spop (v2sf)  }
0x9f: {  	(v2sf) =	vpush v4, $0x6;
	s10 =	sand.u32 $0x7FFFE000, s23  }
0xa0: {  	s10 =	sor.u32 s5, s10  }
0xa1: {  	s10 =	sshrl.u32 s10, $0x3  }
0xa2: {  	s24 =	rddreg [dreg:$0x18];
	s25 =	spop (v2sf);
	s10 =	sadd.s32 s1, s10  }
0xa3: {  	(v2sf) =	vpush v4, $0x7;
	[tilespmem:s24], [sflag:$0x1] =	stream.linear.gather [hbm4b:s10+s3], $0x400, $0x38;
	[tilespmem:$0x8480] =	vst v63  }
0xa4: {  	s10 =	sand.u32 $0x7FFFE000, s25  }
0xa5: {  	s10 =	sor.u32 s5, s10  }
0xa6: {  	s10 =	sshrl.u32 s10, $0x3  }
0xa7: {  	s26 =	rddreg [dreg:$0x19];
	s28 =	spop (v2sf);
	s10 =	sadd.s32 s1, s10  }
0xa8: {  	(v2sf) =	vpush v4, $0x8;
	[tilespmem:s26], [sflag:$0x1] =	stream.linear.gather [hbm4b:s10+s3], $0x400, $0x38;
	[tilespmem:$0x8480] =	vst v63  }
0xa9: {  	s10 =	sand.u32 $0x7FFFE000, s28  }
0xaa: {  	s10 =	sor.u32 s5, s10  }
0xab: {  	s10 =	sshrl.u32 s10, $0x3  }
0xac: {  	s29 =	rddreg [dreg:$0x1a];
	s10 =	sadd.s32 s1, s10  }
0xad: {  	[tilespmem:s29], [sflag:$0x1] =	stream.linear.gather [hbm4b:s10+s3], $0x400, $0x38;
	[tilespmem:$0x8480] =	vst v63  }
0xae: {  	s30 =	spop (v2sf)  }
0xaf: {  	(v2sf) =	vpush v4, $0x9;
	s10 =	sand.u32 $0x7FFFE000, s30  }
0xb0: {  	s10 =	sor.u32 s5, s10  }
0xb1: {  	s10 =	sshrl.u32 s10, $0x3  }
0xb2: {  	s31 =	rddreg [dreg:$0x1b];
	s11 =	spop (v2sf);
	s10 =	sadd.s32 s1, s10  }
0xb3: {  	(v2sf) =	vpush v4, $0xA;
	[tilespmem:s31], [sflag:$0x1] =	stream.linear.gather [hbm4b:s10+s3], $0x400, $0x38;
	[tilespmem:$0x8480] =	vst v63  }
0xb4: {  	s10 =	sand.u32 $0x7FFFE000, s11  }
0xb5: {  	s10 =	sor.u32 s5, s10  }
0xb6: {  	s10 =	sshrl.u32 s10, $0x3  }
0xb7: {  	s12 =	rddreg [dreg:$0x1c];
	s13 =	spop (v2sf);
	s10 =	sadd.s32 s1, s10  }
0xb8: {  	(v2sf) =	vpush v4, $0xB;
	[tilespmem:s12], [sflag:$0x1] =	stream.linear.gather [hbm4b:s10+s3], $0x400, $0x38;
	[tilespmem:$0x8480] =	vst v63  }
0xb9: {  	s10 =	sand.u32 $0x7FFFE000, s13  }
0xba: {  	s10 =	sor.u32 s5, s10  }
0xbb: {  	s10 =	sshrl.u32 s10, $0x3  }
0xbc: {  	s14 =	rddreg [dreg:$0x1d];
	s10 =	sadd.s32 s1, s10  }
0xbd: {  	[tilespmem:s14], [sflag:$0x1] =	stream.linear.gather [hbm4b:s10+s3], $0x400, $0x38;
	[tilespmem:$0x8480] =	vst v63  }
0xbe: {  	s15 =	spop (v2sf)  }
0xbf: {  	(v2sf) =	vpush v4, $0xC;
	s10 =	sand.u32 $0x7FFFE000, s15  }
0xc0: {  	s10 =	sor.u32 s5, s10  }
0xc1: {  	s10 =	sshrl.u32 s10, $0x3  }
0xc2: {  	s16 =	rddreg [dreg:$0x1e];
	s17 =	spop (v2sf);
	s10 =	sadd.s32 s1, s10  }
0xc3: {  	(v2sf) =	vpush v4, $0xD;
	[tilespmem:s16], [sflag:$0x1] =	stream.linear.gather [hbm4b:s10+s3], $0x400, $0x38;
	[tilespmem:$0x8480] =	vst v63  }
0xc4: {  	s10 =	sand.u32 $0x7FFFE000, s17  }
0xc5: {  	s10 =	sor.u32 s5, s10  }
0xc6: {  	s10 =	sshrl.u32 s10, $0x3  }
0xc7: {  	s18 =	rddreg [dreg:$0x1f];
	s19 =	spop (v2sf);
	s10 =	sadd.s32 s1, s10  }
0xc8: {  	(v2sf) =	vpush v4, $0xE;
	[tilespmem:s18], [sflag:$0x1] =	stream.linear.gather [hbm4b:s10+s3], $0x400, $0x38;
	[tilespmem:$0x8480] =	vst v63  }
0xc9: {  	s10 =	sand.u32 $0x7FFFE000, s19  }
0xca: {  	s20 =	sld [smem:$0x7F8];
	s10 =	sor.u32 s5, s10  }
0xcb: {  	s10 =	sshrl.u32 s10, $0x3  }
0xcc: {  	s10 =	sadd.s32 s1, s10  }
0xcd: {  	[tilespmem:s20], [sflag:$0x1] =	stream.linear.gather [hbm4b:s10+s3], $0x400, $0x38;
	[tilespmem:$0x8480] =	vst v63  }
0xce: {  	s21 =	spop (v2sf)  }
0xcf: {  	(v2sf) =	vpush v4, $0xF;
	s10 =	sand.u32 $0x7FFFE000, s21  }
0xd0: {  	s22 =	sld [smem:$0x7F9];
	s10 =	sor.u32 s5, s10  }
0xd1: {  	s10 =	sshrl.u32 s10, $0x3  }
0xd2: {  	s23 =	spop (v2sf);
	s10 =	sadd.s32 s1, s10  }
0xd3: {  	[tilespmem:s22], [sflag:$0x1] =	stream.linear.gather [hbm4b:s10+s3], $0x400, $0x38;
	[tilespmem:$0x8480] =	vst v63  }
0xd4: {  	s10 =	sand.u32 $0x7FFFE000, s23  }
0xd5: {  	s24 =	sld [smem:$0x7FA];
	s10 =	sor.u32 s5, s10  }
0xd6: {  	s10 =	sshrl.u32 s10, $0x3  }
0xd7: {  	s25 =	spop (v2sf);
	s10 =	sadd.s32 s1, s10  }
0xd8: {  	[tilespmem:s24], [sflag:$0x1] =	stream.linear.gather [hbm4b:s10+s3], $0x400, $0x38;
	[tilespmem:$0x8480] =	vst v63  }
0xd9: {  	s10 =	sand.u32 $0x7FFFE000, s25  }
0xda: {  	s26 =	sld [smem:$0x7FB];
	s10 =	sor.u32 s5, s10  }
0xdb: {  	s10 =	sshrl.u32 s10, $0x3  }
0xdc: {  	s10 =	sadd.s32 s1, s10  }
0xdd: {  	[tilespmem:s26], [sflag:$0x1] =	stream.linear.gather [hbm4b:s10+s3], $0x400, $0x38;
	[tilespmem:$0x8480] =	vst v63  }
0xde: {  	s28 =	spop (v2sf)  }
0xdf: {  	s10 =	sand.u32 $0x7FFFE000, s28  }
0xe0: {  	s29 =	sld [smem:$0x7FC];
	s10 =	sor.u32 s5, s10  }
0xe1: {  	s10 =	sshrl.u32 s10, $0x3  }
0xe2: {  	s10 =	sadd.s32 s1, s10  }
0xe3: {  	[tilespmem:s29], [sflag:$0x1] =	stream.linear.gather [hbm4b:s10+s3], $0x400, $0x38;
	[tilespmem:$0x8480] =	vst v63  }
0xe4: {  	_ =	swait.ge [sflag:s9], $0x400  }
0xe5: {  	[sflag:s9] =	ssyncset.done $0x0  }
0xe6: {  	[sflag:s9] =	ssyncadd.s32 $0xFFFFFC00  }
0xe7: {  	_ =	swait.ge [sflag:s9], $0x400  }
0xe8: {  	[sflag:s9] =	ssyncset.done $0x0  }
0xe9: {  	[sflag:s9] =	ssyncadd.s32 $0xFFFFFC00  }
0xea: {  	_ =	swait.ge [sflag:s9], $0x400  }
0xeb: {  	[sflag:s9] =	ssyncset.done $0x0  }
0xec: {  	[sflag:s9] =	ssyncadd.s32 $0xFFFFFC00  }
0xed: {  	_ =	swait.ge [sflag:s9], $0x400  }
0xee: {  	[sflag:s9] =	ssyncset.done $0x0  }
0xef: {  	[sflag:s9] =	ssyncadd.s32 $0xFFFFFC00  }
0xf0: {  	_ =	swait.ge [sflag:s9], $0x400  }
0xf1: {  	[sflag:s9] =	ssyncset.done $0x0  }
0xf2: {  	[sflag:s9] =	ssyncadd.s32 $0xFFFFFC00  }
0xf3: {  	_ =	swait.ge [sflag:s9], $0x400  }
0xf4: {  	[sflag:s9] =	ssyncset.done $0x0  }
0xf5: {  	[sflag:s9] =	ssyncadd.s32 $0xFFFFFC00  }
0xf6: {  	_ =	swait.ge [sflag:s9], $0x400  }
0xf7: {  	[sflag:s9] =	ssyncset.done $0x0  }
0xf8: {  	[sflag:s9] =	ssyncadd.s32 $0xFFFFFC00  }
0xf9: {  	_ =	swait.ge [sflag:s9], $0x400  }
0xfa: {  	[sflag:s9] =	ssyncset.done $0x0  }
0xfb: {  	[sflag:s9] =	ssyncadd.s32 $0xFFFFFC00  }
0xfc: {  	_ =	swait.ge [sflag:s9], $0x400  }
0xfd: {  	[sflag:s9] =	ssyncset.done $0x0  }
0xfe: {  	[sflag:s9] =	ssyncadd.s32 $0xFFFFFC00  }
0xff: {  	_ =	swait.ge [sflag:s9], $0x400  }
0x100: {  	[sflag:s9] =	ssyncset.done $0x0  }
0x101: {  	[sflag:s9] =	ssyncadd.s32 $0xFFFFFC00  }
0x102: {  	_ =	swait.ge [sflag:s9], $0x400  }
0x103: {  	[sflag:s9] =	ssyncset.done $0x0  }
0x104: {  	[sflag:s9] =	ssyncadd.s32 $0xFFFFFC00  }
0x105: {  	_ =	swait.ge [sflag:s9], $0x400  }
0x106: {  	[sflag:s9] =	ssyncset.done $0x0  }
0x107: {  	[sflag:s9] =	ssyncadd.s32 $0xFFFFFC00  }
0x108: {  	_ =	swait.ge [sflag:s9], $0x400  }
0x109: {  	[sflag:s9] =	ssyncset.done $0x0  }
0x10a: {  	[sflag:s9] =	ssyncadd.s32 $0xFFFFFC00  }
0x10b: {  	_ =	swait.ge [sflag:s9], $0x400  }
0x10c: {  	[sflag:s9] =	ssyncset.done $0x0  }
0x10d: {  	[sflag:s9] =	ssyncadd.s32 $0xFFFFFC00  }
0x10e: {  	_ =	swait.ge [sflag:s9], $0x400  }
0x10f: {  	[sflag:s9] =	ssyncset.done $0x0  }
0x110: {  	[sflag:s9] =	ssyncadd.s32 $0xFFFFFC00  }
0x111: {  	_ =	swait.ge [sflag:s9], $0x400  }
0x112: {  	[sflag:s9] =	ssyncset.done $0x0  }
0x113: {  	[sflag:s9] =	ssyncadd.s32 $0xFFFFFC00  }
0x114: {  	_ =	swait.ge [sflag:s9], $0x400  }
0x115: {  	[sflag:s9] =	ssyncset.done $0x0  }
0x116: {  	[sflag:s9] =	ssyncadd.s32 $0xFFFFFC00  }
0x117: {  	_ =	swait.ge [sflag:s9], $0x400  }
0x118: {  	[sflag:s9] =	ssyncset.done $0x0  }
0x119: {  	[sflag:s9] =	ssyncadd.s32 $0xFFFFFC00  }
0x11a: {  	_ =	swait.ge [sflag:s9], $0x400  }
0x11b: {  	[sflag:s9] =	ssyncset.done $0x0  }
0x11c: {  	[sflag:s9] =	ssyncadd.s32 $0xFFFFFC00  }
0x11d: {  	_ =	swait.ge [sflag:s9], $0x400  }
0x11e: {  	[sflag:s9] =	ssyncset.done $0x0  }
0x11f: {  	[sflag:s9] =	ssyncadd.s32 $0xFFFFFC00  }
0x120: {  	_ =	swait.ge [sflag:s9], $0x400  }
0x121: {  	[sflag:s9] =	ssyncset.done $0x0  }
0x122: {  	[sflag:s9] =	ssyncadd.s32 $0xFFFFFC00  }
0x123: {  	_ =	swait.ge [sflag:s9], $0x400  }
0x124: {  	[sflag:s9] =	ssyncset.done $0x0  }
0x125: {  	[sflag:s9] =	ssyncadd.s32 $0xFFFFFC00  }
0x126: {  	_ =	swait.ge [sflag:s9], $0x400  }
0x127: {  	[sflag:s9] =	ssyncset.done $0x0  }
0x128: {  	[sflag:s9] =	ssyncadd.s32 $0xFFFFFC00  }
0x129: {  	_ =	swait.ge [sflag:s9], $0x400  }
0x12a: {  	[sflag:s9] =	ssyncset.done $0x0  }
0x12b: {  	[sflag:s9] =	ssyncadd.s32 $0xFFFFFC00  }
0x12c: {  	_ =	swait.ge [sflag:s9], $0x400  }
0x12d: {  	[sflag:s9] =	ssyncset.done $0x0  }
0x12e: {  	[sflag:s9] =	ssyncadd.s32 $0xFFFFFC00  }
0x12f: {  	_ =	swait.ge [sflag:s9], $0x400  }
0x130: {  	[sflag:s9] =	ssyncset.done $0x0  }
0x131: {  	[sflag:s9] =	ssyncadd.s32 $0xFFFFFC00  }
0x132: {  	_ =	swait.ge [sflag:s9], $0x400  }
0x133: {  	[sflag:s9] =	ssyncset.done $0x0  }
0x134: {  	[sflag:s9] =	ssyncadd.s32 $0xFFFFFC00  }
0x135: {  	_ =	swait.ge [sflag:s9], $0x400  }
0x136: {  	[sflag:s9] =	ssyncset.done $0x0  }
0x137: {  	[sflag:s9] =	ssyncadd.s32 $0xFFFFFC00  }
0x138: {  	_ =	swait.ge [sflag:s9], $0x400  }
0x139: {  	[sflag:s9] =	ssyncset.done $0x0  }
0x13a: {  	[sflag:s9] =	ssyncadd.s32 $0xFFFFFC00  }
0x13b: {  	_ =	swait.ge [sflag:s9], $0x400  }
0x13c: {  	[sflag:s9] =	ssyncset.done $0x0  }
0x13d: {  	[sflag:s9] =	ssyncadd.s32 $0xFFFFFC00  }
0x13e: {  	_ =	swait.ge [sflag:s9], $0x400  }
0x13f: {  	[sflag:s9] =	ssyncset.done $0x0  }
0x140: {  	[sflag:s9] =	ssyncadd.s32 $0xFFFFFC00  }
0x141: {  	_ =	swait.ge [sflag:s9], $0x400  }
0x142: {  	[sflag:s9] =	ssyncset.done $0x0  }
0x143: {  	[sflag:s9] =	ssyncadd.s32 $0xFFFFFC00  }
0x144: {  	v4 =	vld [tilespmem:s4+$0x0];
	_ =	sdelay $0x4  }
0x145: {  	v5 =	vand.u32 $0x7, v4  }
0x146: {  	v5 =	vshll.u32 v5, $0x7  }
0x147: {  	v5 =	vor.u32 v0, v5  }
0x148: {  	v5 =	vor.u32 v1, v5;
	_ =	sdelay $0x4  }
0x149: {  	v5 =	vld.idx.msk [tilespmem:v5+s8+$0x0], $0xffff;
	_ =	sdelay $0x3  }
0x14a: {  	vm0 =	veq.s32 v4, $0x0  }
0x14b: {  	v4 =	vsel vm0, $0x0, v5  }
0x14c: {  	[tilespmem:$0x8400] =	vst v4  }
0x14d: {  	v4 =	vld [tilespmem:s4+$0x10];
	_ =	sdelay $0x4  }
0x14e: {  	v5 =	vand.u32 $0x7, v4  }
0x14f: {  	v5 =	vshll.u32 v5, $0x7  }
0x150: {  	v5 =	vor.u32 v3, v5  }
0x151: {  	v5 =	vor.u32 v2, v5;
	_ =	sdelay $0x4  }
0x152: {  	v5 =	vld.idx.msk [tilespmem:v5+s8+$0x0], $0xffff;
	_ =	sdelay $0x3  }
0x153: {  	s31 =	sld [smem:$0x7FD];
	vm15 =	veq.s32 v4, $0x0  }
0x154: {  	p0 =	sne.s32 s6, $0x1;
	v4 =	vsel vm15, $0x0, v5  }
.Ltmp0:
0x155: {  	s30 =	rddreg [dreg:$0x5];
	[tilespmem:$0x8410] =	vst v4;
	(pc) =	sbr.rel @p0 .LBB2_1-.Ltmp0, $4  }
0x156: {  	[hbm4b:s30+s3] =	stream.linear.scatter [tilespmem:s31], [sflag:$0x2], $0x20, $0x38;
	[tilespmem:$0x8480] =	vst v63  }
0x157: {  	_ =	swait.ge [sflag:s7], $0x20  }
0x158: {  	[sflag:s7] =	ssyncset.done $0x0  }
0x159: {  	s6 =	sadd.s32 $0xFFFFFFFF, s6;
	[sflag:s7] =	ssyncadd.s32 $0xFFFFFFE0  }
0x15a: {  	_ =	sfence.sel $0x180000  }
0x15b: {  	[bflag:$0x0] =	sbarrier.arrive $0xFFFF  }
0x15c: {  	p0 =	sne.s32 s0, $0x0;
	_ =	strace $0x90000047  }
0x15d: {  	s0 =	sadd.s32 @!p0 $0x100000, s2;
	[bflag:$0x2] =	sbarrier.arrive $0xFFFF  }
0x15e: {  	[sflag:s0] =	ssyncadd.tile.s32 @!p0 $0x1;
	_ =	shalt  }
.Lfunc_end2:
_tile_overlayer_lowered:
.L_overlay_start_2:
0x15f: {  	(tag) =	ssettag $0x2  }
0x160: {  	s0 =	rddreg [dreg:$0x0];
	s2 =	stileid.u32  }
0x161: {  	s1 =	rddreg [dreg:$0x1];
	p0 =	sne.s32 s2, $0x0  }
0x162: {  	s3 =	rddreg [dreg:$0x2];
	[bflag:$0x3] =	sbarrier.arrive $0xFFFF;
	s2 =	simm.s32 @!p0 $0x1C02  }
0x163: {  	[timem:s3], [sflag:s2] =	dma.local @!p0 [hbm:s0], s1  }
0x164: {  	s0 =	simm.s32 @!p0 $0x2  }
0x165: {  	_ =	swait.ge @!p0 [sflag:s0], s1  }
0x166: {  	s1 =	ssub.s32 @!p0 $0x0, s1;
	[sflag:s0] =	ssyncset.done @!p0 $0x0  }
0x167: {  	[sflag:s0] =	ssyncadd.s32 @!p0 s1  }
0x168: {  	[bflag:$0x3] =	sbarrier.arrive $0xFFFF  }
0x169: {  	_ =	shalt  }

</sc_bundles>
